<compile_context>
chip_gen: v7x
topology: tpu7x:2x2x1
jax: 0.10.2.dev20260603
libtpu: 0.0.44.dev20260713+nightly
codegen_flags: <defaults>
</compile_context>

<pallas_src>
import functools

import jax
import jax.numpy as jnp
from jax import lax
from jax.experimental import pallas as pl
from jax.experimental.pallas import tpu as pltpu
from jax.experimental.pallas import tpu_sc as plsc

N = 10000
E = 160000
H = 64
NRBF = 32
MAXZ = 100
CUT = 5.0

NC = 2
NS = 16
LN = 16

EB = 1280
EP = 161280
SC_CH = 112
SC_PER_TEC = EP // (NC * NS)
SC_NCHUNK = SC_PER_TEC // SC_CH

GW = 2 * E // (NC * NS)
GCH = 2000

NP = 10112
ROWS_TEC = NP // NS


def _sc_gather_az(az, pidx_flat):
    mesh = plsc.VectorSubcoreMesh(core_axis_name="c", subcore_axis_name="s")

    @functools.partial(
        pl.kernel,
        out_type=jax.ShapeDtypeStruct((2 * E,), jnp.int32),
        mesh=mesh,
        compiler_params=pltpu.CompilerParams(needs_layout_passes=False),
        scratch_types=[
            pltpu.VMEM((N,), jnp.int32),
            pltpu.VMEM((GCH,), jnp.int32),
            pltpu.VMEM((GCH,), jnp.int32),
        ],
    )
    def body(az_hbm, pidx_hbm, azg_hbm, az_v, idx_v, out_v):
        wid = lax.axis_index("s") * NC + lax.axis_index("c")
        base = wid * GW
        pltpu.sync_copy(az_hbm, az_v)

        def chunk(k, carry):
            off = base + k * GCH
            pltpu.sync_copy(pidx_hbm.at[pl.ds(off, GCH)], idx_v)

            def vr(j, c2):
                iv = idx_v[pl.ds(j * LN, LN)]
                out_v[pl.ds(j * LN, LN)] = plsc.load_gather(az_v, [iv])
                return c2

            lax.fori_loop(0, GCH // LN, vr, 0)
            pltpu.sync_copy(out_v, azg_hbm.at[pl.ds(off, GCH)])
            return carry

        lax.fori_loop(0, GW // GCH, chunk, 0)

    return body(az, pidx_flat)


def _edge_body(azs_r, azd_r, rx_r, ry_r, rz_r, d_r, emb_r, wij_r, bij_r,
               wi_r, bi_r, wa_r, ba_r, ws_r, bs_r,
               rfv_o, p0_o, p1_o, p2_o, p3_o, p4_o):
    f32 = jnp.float32

    az_s = azs_r[...]
    az_d = azd_r[...]
    classes = lax.broadcasted_iota(jnp.int32, (EB, MAXZ), 1)
    oh_s = (az_s == classes).astype(f32)
    oh_d = (az_d == classes).astype(f32)
    emb = emb_r[...]
    zi_s = jax.lax.dot_general(oh_s, emb, (((1,), (0,)), ((), ())),
                               preferred_element_type=f32)
    zi_d = jax.lax.dot_general(oh_d, emb, (((1,), (0,)), ((), ())),
                               preferred_element_type=f32)
    wij = wij_r[...]
    w1 = wij[:, :H]
    w2 = wij[:, H:]
    z = (jax.lax.dot_general(zi_s, w1, (((1,), (1,)), ((), ())),
                             preferred_element_type=f32)
         + jax.lax.dot_general(zi_d, w2, (((1,), (1,)), ((), ())),
                               preferred_element_type=f32)
         + bij_r[...])

    d = d_r[...]
    pi = 3.14159265358979323846
    t2 = ((pi / CUT) * d) * ((pi / CUT) * d)
    ct = -2.7536991937995164e-07 + t2 * 2.0620732552045773e-09
    ct = 2.4800691577481757e-05 + t2 * ct
    ct = -0.0013888867498920842 + t2 * ct
    ct = 0.0416666641820152 + t2 * ct
    ct = -0.49999999896005415 + t2 * ct
    ct = 0.9999999999790572 + t2 * ct
    rcut = 0.5 * (ct + 1.0)
    x = jnp.exp(-d)
    inv_d = 1.0 / d
    v0 = rx_r[...] * inv_d
    v1 = ry_r[...] * inv_d
    v2 = rz_r[...] * inv_d

    start = jnp.exp(jnp.float32(-CUT))
    means = start + lax.broadcasted_iota(jnp.int32, (1, NRBF), 1).astype(f32) * (
        (1.0 - start) / (NRBF - 1))
    beta = ((2.0 / NRBF) * (1.0 - start)) ** -2
    rf = jnp.exp((-beta) * (x - means) ** 2)
    rfvc = rf * rcut
    rfv_o[...] = rfvc

    projI = jax.lax.dot_general(rfvc, wi_r[...], (((1,), (1,)), ((), ())),
                                preferred_element_type=f32) + bi_r[...]
    projA = jax.lax.dot_general(rfvc, wa_r[...], (((1,), (1,)), ((), ())),
                                preferred_element_type=f32) + ba_r[...]
    projS = jax.lax.dot_general(rfvc, ws_r[...], (((1,), (1,)), ((), ())),
                                preferred_element_type=f32) + bs_r[...]

    C = rcut * z
    uI = projI * C
    uA = projA * C
    uS = projS * C

    B0 = jnp.broadcast_to(v0, (EB, H))
    B1 = jnp.broadcast_to(v1, (EB, H))
    B2 = jnp.broadcast_to(v2, (EB, H))
    t0 = uS * B0
    t1 = uS * B1
    t2 = uS * B2
    p0_o[...] = jnp.concatenate([uI, uA * B0], axis=1)
    p1_o[...] = jnp.concatenate([uA * B1, uA * B2], axis=1)
    p2_o[...] = jnp.concatenate([t0 * B0, t1 * B1], axis=1)
    p3_o[...] = jnp.concatenate([t2 * B2, t0 * B1], axis=1)
    p4_o[...] = jnp.concatenate([t0 * B2, t1 * B2], axis=1)


def _tc_edge(azs, azd, rx, ry, rz, d, emb, W_ij, b_ij, W_I, b_I, W_A, b_A, W_S, b_S):
    nb = EP // EB
    col = lambda: pl.BlockSpec((EB, 1), lambda i: (i, 0))
    pk = lambda: pl.BlockSpec((8, EB // 8), lambda i: (i, 0))
    full = lambda s: pl.BlockSpec(s, lambda i: (0,) * len(s))
    out_shapes = (
        jax.ShapeDtypeStruct((EP, NRBF), jnp.float32),
    ) + tuple(jax.ShapeDtypeStruct((EP, 2 * H), jnp.float32) for _ in range(5))
    return pl.pallas_call(
        _edge_body,
        grid=(nb,),
        in_specs=[
            col(), col(), col(), col(), col(), col(),
            full((MAXZ, H)), full((H, 2 * H)), full((1, H)),
            full((H, NRBF)), full((1, H)),
            full((H, NRBF)), full((1, H)),
            full((H, NRBF)), full((1, H)),
        ],
        out_specs=(
            pl.BlockSpec((EB, NRBF), lambda i: (i, 0)),
        ) + tuple(pl.BlockSpec((EB, 2 * H), lambda i: (i, 0)) for _ in range(5)),
        out_shape=out_shapes,
    )(azs, azd, rx, ry, rz, d, emb, W_ij, b_ij, W_I, b_I, W_A, b_A, W_S, b_S)


SCH = SC_CH
NSC = SC_PER_TEC // SCH


def _sc_scatter(src2, zeros_nh, p0, p1, p2, p3, p4):
    mesh = plsc.VectorSubcoreMesh(core_axis_name="c", subcore_axis_name="s")
    rows_per_tec = ROWS_TEC

    @functools.partial(
        pl.kernel,
        out_type=jax.ShapeDtypeStruct((NC, 5, NP, 2 * H), jnp.float32),
        mesh=mesh,
        scratch_types=[
            pltpu.VMEM_SHARED((NP, 2 * H), jnp.float32),
            pltpu.VMEM((1, SC_CH), jnp.int32),
            pltpu.VMEM((1, SC_CH), jnp.int32),
            pltpu.VMEM((SCH, 2 * H), jnp.float32),
            pltpu.VMEM((SCH, 2 * H), jnp.float32),
            pltpu.SemaphoreType.DMA,
            pltpu.SemaphoreType.DMA,
            pltpu.SemaphoreType.DMA,
            pltpu.SemaphoreType.DMA,
        ],
    )
    def body(src_hbm, zeros_hbm, q0, q1, q2, q3, q4, out_hbm,
             acc, idx0, idx1, pay0, pay1, sem0, sem1, ssem0, ssem1):
        c = lax.axis_index("c")
        s = lax.axis_index("s")
        base_e = c * (EP // NC) + s * SC_PER_TEC
        base_sc = base_e // SCH
        r0 = s * rows_per_tec
        for g, q in enumerate((q0, q1, q2, q3, q4)):
            pltpu.sync_copy(zeros_hbm.at[pl.ds(r0, rows_per_tec), :],
                            acc.at[pl.ds(r0, rows_per_tec), :])
            plsc.subcore_barrier()

            pltpu.async_copy(src_hbm.at[base_sc], idx0, sem0)
            pltpu.async_copy(q.at[pl.ds(base_e, SCH), :], pay0, sem0)

            def it(k, carry):
                def do_slot(idxb, payb, semb, ssemb, idxn, payn, semn, ssemn):
                    e0 = base_e + k * SCH
                    pltpu.make_async_copy(src_hbm.at[base_sc],
                                          idxb, semb).wait()
                    pltpu.make_async_copy(q.at[pl.ds(e0, SCH), :],
                                          payb, semb).wait()

                    @pl.when(k >= 1)
                    def _():
                        pltpu.make_async_copy(payn, acc.at[idxn.at[0]],
                                              ssemn).wait()

                    @pl.when(k + 1 < NSC)
                    def _():
                        pltpu.async_copy(src_hbm.at[base_sc + k + 1], idxn, semn)
                        pltpu.async_copy(q.at[pl.ds(e0 + SCH, SCH), :], payn, semn)

                    pltpu.async_copy(payb, acc.at[idxb.at[0]], ssemb, add=True)

                @pl.when(k % 2 == 0)
                def _():
                    do_slot(idx0, pay0, sem0, ssem0, idx1, pay1, sem1, ssem1)

                @pl.when(k % 2 == 1)
                def _():
                    do_slot(idx1, pay1, sem1, ssem1, idx0, pay0, sem0, ssem0)

                return carry

            lax.fori_loop(0, NSC, it, 0)
            pltpu.make_async_copy(pay0, acc.at[idx0.at[0]], ssem0).wait()
            plsc.subcore_barrier()
            pltpu.sync_copy(acc.at[pl.ds(r0, rows_per_tec), :],
                            out_hbm.at[c, g, pl.ds(r0, rows_per_tec), :])
            plsc.subcore_barrier()

    return body(src2, zeros_nh, p0, p1, p2, p3, p4)


def _node_body(part_r, wt0_r, wt1_r, wt2_r, ws0_r, bs0_r, ws1_r, bs1_r,
               lng_r, lnb_r, *outs):
    f32 = jnp.float32

    def ch(g, half):
        lo = half * H
        return part_r[0, g, :, lo:lo + H] + part_r[1, g, :, lo:lo + H]

    cI = ch(0, 0)
    a0 = ch(0, 1)
    a1 = ch(1, 0)
    a2 = ch(1, 1)
    s00r = ch(2, 0)
    s11r = ch(2, 1)
    s22r = ch(3, 0)
    s01 = ch(3, 1)
    s02 = ch(4, 0)
    s12 = ch(4, 1)
    tr3 = (s00r + s11r + s22r) * (1.0 / 3.0)
    s00 = s00r - tr3
    s11 = s11r - tr3
    s22 = s22r - tr3

    nrm = ((cI + s00) ** 2 + (cI + s11) ** 2 + (cI + s22) ** 2
           + 2.0 * (s01 * s01 + a2 * a2 + s02 * s02 + a1 * a1
                    + s12 * s12 + a0 * a0))
    mu = jnp.mean(nrm, axis=-1, keepdims=True)
    t = nrm - mu
    var = jnp.mean(t * t, axis=-1, keepdims=True)
    y = t * jax.lax.rsqrt(var + 1e-5) * lng_r[...] + lnb_r[...]

    h1 = jax.lax.dot_general(y, ws0_r[...], (((1,), (1,)), ((), ())),
                             preferred_element_type=f32) + bs0_r[...]
    h1 = h1 * (1.0 / (1.0 + jnp.exp(-h1)))
    h2 = jax.lax.dot_general(h1, ws1_r[...], (((1,), (1,)), ((), ())),
                             preferred_element_type=f32) + bs1_r[...]
    h2 = h2 * (1.0 / (1.0 + jnp.exp(-h2)))
    n0 = h2[:, :H]
    n1 = h2[:, H:2 * H]
    n2 = h2[:, 2 * H:]

    def mix(u, w_r, nn):
        return jax.lax.dot_general(u, w_r[...], (((1,), (1,)), ((), ())),
                                   preferred_element_type=f32) * nn

    cIp = mix(cI, wt0_r, n0)
    a0p = mix(a0, wt1_r, n1)
    a1p = mix(a1, wt1_r, n1)
    a2p = mix(a2, wt1_r, n1)
    s00p = mix(s00, wt2_r, n2)
    s11p = mix(s11, wt2_r, n2)
    s22p = mix(s22, wt2_r, n2)
    s01p = mix(s01, wt2_r, n2)
    s02p = mix(s02, wt2_r, n2)
    s12p = mix(s12, wt2_r, n2)

    outs[0][...] = cIp + s00p
    outs[1][...] = s01p - a2p
    outs[2][...] = s02p + a1p
    outs[3][...] = s01p + a2p
    outs[4][...] = cIp + s11p
    outs[5][...] = s12p - a0p
    outs[6][...] = s02p - a1p
    outs[7][...] = s12p + a0p
    outs[8][...] = cIp + s22p


def _tc_node(part, Wt0, Wt1, Wt2, Ws0, bs0, Ws1p, bs1p, ln_g, ln_b):
    BN = 1000
    full = lambda s: pl.BlockSpec(s, lambda i: (0,) * len(s))
    return pl.pallas_call(
        _node_body,
        grid=(N // BN,),
        in_specs=[
            pl.BlockSpec((NC, 5, BN, 2 * H), lambda i: (0, 0, i, 0)),
            full((H, H)), full((H, H)), full((H, H)),
            full((2 * H, H)), full((1, 2 * H)),
            full((3 * H, 2 * H)), full((1, 3 * H)),
            full((1, H)), full((1, H)),
        ],
        out_specs=tuple(pl.BlockSpec((BN, H), lambda i: (i, 0)) for _ in range(9)),
        out_shape=tuple(jax.ShapeDtypeStruct((N, H), jnp.float32) for _ in range(9)),
    )(part, Wt0, Wt1, Wt2, Ws0, bs0, Ws1p, bs1p, ln_g, ln_b)


def kernel(atomic_numbers, pair_indices, r_ij, d_ij, emb, W_ij, b_ij,
           W_I, b_I, W_A, b_A, W_S, b_S, Wt0, Wt1, Wt2, Ws0, bs0, Ws1, bs1,
           ln_g, ln_b):
    f32 = jnp.float32
    az = atomic_numbers.astype(jnp.int32)
    pidx = pair_indices.astype(jnp.int32)

    azg = _sc_gather_az(az, pidx.reshape(2 * E))

    pad = EP - E
    azs = jnp.pad(azg[:E], (0, pad)).reshape(EP, 1)
    azd = jnp.pad(azg[E:], (0, pad)).reshape(EP, 1)
    rx = jnp.pad(r_ij[:, 0], (0, pad)).reshape(EP, 1)
    ry = jnp.pad(r_ij[:, 1], (0, pad)).reshape(EP, 1)
    rz = jnp.pad(r_ij[:, 2], (0, pad)).reshape(EP, 1)
    dp = jnp.pad(d_ij[:, 0], (0, pad), constant_values=CUT).reshape(EP, 1)

    rfv, p0, p1, p2, p3, p4 = _tc_edge(
        azs, azd, rx, ry, rz, dp, emb, W_ij, b_ij.reshape(1, H),
        W_I, b_I.reshape(1, H), W_A, b_A.reshape(1, H), W_S, b_S.reshape(1, H))

    src2 = jnp.pad(pidx[0], (0, pad)).reshape(EP // SCH, 1, SC_CH)
    zeros_nh = jnp.zeros((NP, 2 * H), f32)
    part = _sc_scatter(src2, zeros_nh, p0, p1, p2, p3, p4)

    perm = jnp.arange(3 * H).reshape(H, 3).T.reshape(3 * H)
    Ws1p = Ws1[perm]
    bs1p = bs1[perm].reshape(1, 3 * H)
    xs = _tc_node(part, Wt0, Wt1, Wt2, Ws0, bs0.reshape(1, 2 * H),
                  Ws1p, bs1p, ln_g.reshape(1, H), ln_b.reshape(1, H))

    X = jnp.stack(xs, axis=-1).reshape(N, H, 3, 3)
    return X, rfv[:E][:, None, :]

# --- scband reference (transcript-rebuilt; emitter-appended) ---
"""Pipeline reference for scband-tensor-net-representation-23630910063039 (READ-ONLY COPY).

The authoritative reference and input builder live on the scoring server;
editing this copy changes nothing except your own understanding.
"""

import jax, jax.numpy as jnp
import numpy as np

N = 10000
E = 160000
H = 64
NRBF = 32
MAXZ = 100
CUT = 5.0
CUTLO = 0.0


def _linear_params(key, fan_in, fan_out, bias=True):
    k1, k2 = jax.random.split(key)
    bound = 1.0 / np.sqrt(fan_in)
    W = jax.random.uniform(k1, (fan_out, fan_in), minval=-bound, maxval=bound, dtype=jnp.float32)
    if bias:
        b = jax.random.uniform(k2, (fan_out,), minval=-bound, maxval=bound, dtype=jnp.float32)
        return W, b
    return W, None


def setup_inputs(seed: int = 0):
    key = jax.random.key(seed)
    ks = jax.random.split(key, 16)
    atomic_numbers = jax.random.randint(ks[0], (N,), 0, MAXZ)
    pair_indices = jax.random.randint(ks[1], (2, E), 0, N)
    r_ij = jax.random.normal(ks[2], (E, 3), dtype=jnp.float32)
    d_ij = jax.random.uniform(ks[3], (E, 1), minval=0.5, maxval=4.9, dtype=jnp.float32)
    emb = jax.random.normal(ks[4], (MAXZ, H), dtype=jnp.float32)
    W_ij, b_ij = _linear_params(ks[5], 2 * H, H)
    W_I, b_I = _linear_params(ks[6], NRBF, H)
    W_A, b_A = _linear_params(ks[7], NRBF, H)
    W_S, b_S = _linear_params(ks[8], NRBF, H)
    Wt0, _ = _linear_params(ks[9], H, H, bias=False)
    Wt1, _ = _linear_params(ks[10], H, H, bias=False)
    Wt2, _ = _linear_params(ks[11], H, H, bias=False)
    Ws0, bs0 = _linear_params(ks[12], H, 2 * H)
    Ws1, bs1 = _linear_params(ks[13], 2 * H, 3 * H)
    ln_g = jnp.ones((H,), dtype=jnp.float32)
    ln_b = jnp.zeros((H,), dtype=jnp.float32)
    return dict(atomic_numbers=atomic_numbers, pair_indices=pair_indices, r_ij=r_ij, d_ij=d_ij,
                emb=emb, W_ij=W_ij, b_ij=b_ij, W_I=W_I, b_I=b_I, W_A=W_A, b_A=b_A,
                W_S=W_S, b_S=b_S, Wt0=Wt0, Wt1=Wt1, Wt2=Wt2, Ws0=Ws0, bs0=bs0,
                Ws1=Ws1, bs1=bs1, ln_g=ln_g, ln_b=ln_b)


def _cosine_cutoff(d):
    return jnp.where(d < CUT, 0.5 * (jnp.cos(jnp.pi * d / CUT) + 1.0), 0.0)


def _rbf(d):
    start = np.exp(-(CUT - CUTLO))
    means = jnp.linspace(start, 1.0, NRBF)
    betas = ((2.0 / NRBF) * (1.0 - start)) ** -2
    alpha = 5.0 / (CUT - CUTLO)
    x = jnp.exp(alpha * (CUTLO - d))
    return jnp.exp(-betas * (x - means) ** 2)


def _silu(x):
    return x * jax.nn.sigmoid(x)


def reference(atomic_numbers, pair_indices, r_ij, d_ij, emb, W_ij, b_ij,
              W_I, b_I, W_A, b_A, W_S, b_S, Wt0, Wt1, Wt2, Ws0, bs0, Ws1, bs1,
              ln_g, ln_b):
    # atomic number message
    zi = jnp.take(emb, atomic_numbers, axis=0)                       # [N, H]
    idx = pair_indices.T.reshape(-1)                                 # [2E] interleaved (i0, j0, i1, j1, ...)
    z_ij = jnp.take(zi, idx, axis=0).reshape(-1, 2 * H) @ W_ij.T + b_ij  # [E, H]
    ane = z_ij[:, :, None, None]                                     # [E, H, 1, 1]

    r_norm = r_ij / d_ij                                             # [E, 3]
    rfv = _rbf(d_ij)                                                 # [E, NRBF]
    rcut = _cosine_cutoff(d_ij)                                      # [E, 1]
    rfv = (rfv * rcut)[:, None, :]                                   # [E, 1, NRBF]

    C = rcut.reshape(-1, 1, 1, 1) * ane                              # [E, H, 1, 1]
    eye = jnp.eye(3, dtype=r_ij.dtype)

    projI = (rfv @ W_I.T + b_I).transpose(0, 2, 1)[..., None]        # [E, H, 1, 1]
    projA = (rfv @ W_A.T + b_A).transpose(0, 2, 1)[..., None]
    projS = (rfv @ W_S.T + b_S).transpose(0, 2, 1)[..., None]

    v = r_norm
    zero = jnp.zeros(v.shape[0], dtype=v.dtype)
    skew = jnp.stack([zero, -v[:, 2], v[:, 1],
                      v[:, 2], zero, -v[:, 0],
                      -v[:, 1], v[:, 0], zero], axis=1).reshape(-1, 3, 3)
    outer = v[:, :, None] * v[:, None, :]
    trI = jnp.trace(outer, axis1=-2, axis2=-1) / 3.0
    sym = 0.5 * (outer + outer.transpose(0, 2, 1)) - trI[:, None, None] * eye

    Iij = projI * C * eye[None, None, :, :]                          # [E, H, 3, 3]
    Aij = projA * C * skew[:, None, :, :]
    Sij = projS * C * sym[:, None, :, :]

    src = pair_indices[0]
    I = jax.ops.segment_sum(Iij, src, num_segments=N)                # [N, H, 3, 3]
    A = jax.ops.segment_sum(Aij, src, num_segments=N)
    S = jax.ops.segment_sum(Sij, src, num_segments=N)

    T = I + A + S
    norm = (T ** 2).sum((-2, -1))                                    # [N, H] Frobenius norm^2
    mu = norm.mean(-1, keepdims=True)
    var = norm.var(-1, keepdims=True)
    norm = (norm - mu) / jnp.sqrt(var + 1e-5) * ln_g + ln_b
    norm = _silu(norm @ Ws0.T + bs0)
    norm = _silu(norm @ Ws1.T + bs1)
    norm = norm.reshape(-1, H, 3)

    I = jnp.einsum('nhij,gh->ngij', I, Wt0) * norm[..., 0][:, :, None, None]
    A = jnp.einsum('nhij,gh->ngij', A, Wt1) * norm[..., 1][:, :, None, None]
    S = jnp.einsum('nhij,gh->ngij', S, Wt2) * norm[..., 2][:, :, None, None]
    X = I + A + S
    return X, rfv

if __name__ == "__main__":
    import jax
    _d = setup_inputs()
    print(jax.jit(kernel)(*tuple(_d.values())))

</pallas_src>

<mosaic_0001>
#map = affine_map<(d0, d1) -> (0)>
module attributes {stable_mosaic.version = 14 : i64} {
  func.func @body(%arg0: i32, %arg1: i32, %arg2: memref<10000xi32, #tpu.memory_space<hbm>>, %arg3: memref<320000xi32, #tpu.memory_space<hbm>>, %arg4: memref<320000xi32, #tpu.memory_space<hbm>>, %arg5: memref<10000xi32, #tpu.memory_space<vmem>>, %arg6: memref<2000xi32, #tpu.memory_space<vmem>>, %arg7: memref<2000xi32, #tpu.memory_space<vmem>>) attributes {dimension_semantics = [#tpu.dimension_semantics<core_parallel>, #tpu.dimension_semantics<subcore_parallel>], iteration_bounds = array<i64: 2, 16>, scalar_prefetch = 0 : i64, scratch_operands = 3 : i64, tpu.core_type = #tpu.core_type<sc_vector_subcore>, window_params = [{transform_indices = #map}, {transform_indices = #map}, {transform_indices = #map}]} {
    %mul3A = arith.constant 2 : i32
    %mul3A_0 = arith.muli %arg1, %mul3A : i32
    %add3A = arith.addi %mul3A_0, %arg0 : i32
    %mul3A_1 = arith.constant 10000 : i32
    %mul3A_2 = arith.muli %add3A, %mul3A_1 : i32
    "tpu.region"() ({
      %run_scoped3A = tpu.sem_alloc : memref<!tpu.dma_semaphore, #tpu.memory_space<semaphore_mem>>
      tpu.enqueue_dma source(%arg2 : memref<10000xi32, #tpu.memory_space<hbm>>) target(%arg5 : memref<10000xi32, #tpu.memory_space<vmem>>) target_semaphore(%run_scoped3A : memref<!tpu.dma_semaphore, #tpu.memory_space<semaphore_mem>>)
      tpu.wait_dma2 semaphore(%run_scoped3A : memref<!tpu.dma_semaphore, #tpu.memory_space<semaphore_mem>>) src(%arg2 : memref<10000xi32, #tpu.memory_space<hbm>>) dst(%arg5 : memref<10000xi32, #tpu.memory_space<vmem>>)
      tpu.yield
    }) : () -> ()
    %scan3A = arith.constant 0 : i32
    %scan3A_3 = arith.constant 0 : i32
    %scan3A_4 = arith.constant 5 : i32
    %scan3A_5 = arith.addi %scan3A_3, %scan3A_4 : i32
    %scan3A_6 = arith.constant 1 : i32
    scf.for %scan3A_8 = %scan3A_3 to %scan3A_5 step %scan3A_6  : i32 {
      %mul3A_9 = arith.constant 2000 : i32
      %mul3A_10 = arith.muli %scan3A_8, %mul3A_9 : i32
      %add3A_11 = arith.addi %mul3A_2, %mul3A_10 : i32
      "tpu.region"() ({
        %run_scoped3A = tpu.sem_alloc : memref<!tpu.dma_semaphore, #tpu.memory_space<semaphore_mem>>
        %dma_start3A = tpu.memref_slice %arg3[%add3A_11] : memref<320000xi32, #tpu.memory_space<hbm>> -> memref<2000xi32, #tpu.memory_space<hbm>>
        %dma_start3A_18 = tpu.memref_slice %arg3[%add3A_11] : memref<320000xi32, #tpu.memory_space<hbm>> -> memref<2000xi32, #tpu.memory_space<hbm>>
        tpu.enqueue_dma source(%dma_start3A_18 : memref<2000xi32, #tpu.memory_space<hbm>>) target(%arg6 : memref<2000xi32, #tpu.memory_space<vmem>>) target_semaphore(%run_scoped3A : memref<!tpu.dma_semaphore, #tpu.memory_space<semaphore_mem>>)
        %dma_wait3A = tpu.memref_slice %arg3[%add3A_11] : memref<320000xi32, #tpu.memory_space<hbm>> -> memref<2000xi32, #tpu.memory_space<hbm>>
        %dma_wait3A_19 = tpu.memref_slice %arg3[%add3A_11] : memref<320000xi32, #tpu.memory_space<hbm>> -> memref<2000xi32, #tpu.memory_space<hbm>>
        tpu.wait_dma2 semaphore(%run_scoped3A : memref<!tpu.dma_semaphore, #tpu.memory_space<semaphore_mem>>) src(%dma_wait3A_19 : memref<2000xi32, #tpu.memory_space<hbm>>) dst(%arg6 : memref<2000xi32, #tpu.memory_space<vmem>>)
        tpu.yield
      }) : () -> ()
      %scan3A_12 = arith.constant 0 : i32
      %scan3A_13 = arith.constant 0 : i32
      %scan3A_14 = arith.constant 125 : i32
      %scan3A_15 = arith.addi %scan3A_13, %scan3A_14 : i32
      %scan3A_16 = arith.constant 1 : i32
      scf.for %scan3A_18 = %scan3A_13 to %scan3A_15 step %scan3A_16  : i32 {
        %mul3A_19 = arith.constant 16 : i32
        %mul3A_20 = arith.muli %scan3A_18, %mul3A_19 : i32
        %get3A = arith.index_cast %mul3A_20 : i32 to index
        %get3A_21 = tpu.vector_load %arg6[%get3A] {strides = array<i32>} : memref<2000xi32, #tpu.memory_space<vmem>>, vector<16xi32>,
        %gather3A = tpu.vector_load_idx %arg5[%get3A_21] : memref<10000xi32, #tpu.memory_space<vmem>>[vector<16xi32>], vector<16xi32>,
        %mul3A_22 = arith.constant 16 : i32
        %mul3A_23 = arith.muli %scan3A_18, %mul3A_22 : i32
        %swap3A = arith.index_cast %mul3A_23 : i32 to index
        %swap3A_24 = tpu.vector_load %arg7[%swap3A] {strides = array<i32>} : memref<2000xi32, #tpu.memory_space<vmem>>, vector<16xi32>,
        tpu.vector_store %arg7[%swap3A], %gather3A {strides = array<i32>} : memref<2000xi32, #tpu.memory_space<vmem>>, vector<16xi32>,
      }
      %scan3A_17 = arith.constant 125 : i32
      "tpu.region"() ({
        %run_scoped3A = tpu.sem_alloc : memref<!tpu.dma_semaphore, #tpu.memory_space<semaphore_mem>>
        %dma_start3A = tpu.memref_slice %arg4[%add3A_11] : memref<320000xi32, #tpu.memory_space<hbm>> -> memref<2000xi32, #tpu.memory_space<hbm>>
        %dma_start3A_18 = tpu.memref_slice %arg4[%add3A_11] : memref<320000xi32, #tpu.memory_space<hbm>> -> memref<2000xi32, #tpu.memory_space<hbm>>
        tpu.enqueue_dma source(%arg7 : memref<2000xi32, #tpu.memory_space<vmem>>) target(%dma_start3A_18 : memref<2000xi32, #tpu.memory_space<hbm>>) target_semaphore(%run_scoped3A : memref<!tpu.dma_semaphore, #tpu.memory_space<semaphore_mem>>)
        %dma_wait3A = tpu.memref_slice %arg4[%add3A_11] : memref<320000xi32, #tpu.memory_space<hbm>> -> memref<2000xi32, #tpu.memory_space<hbm>>
        %dma_wait3A_19 = tpu.memref_slice %arg4[%add3A_11] : memref<320000xi32, #tpu.memory_space<hbm>> -> memref<2000xi32, #tpu.memory_space<hbm>>
        tpu.wait_dma2 semaphore(%run_scoped3A : memref<!tpu.dma_semaphore, #tpu.memory_space<semaphore_mem>>) src(%arg7 : memref<2000xi32, #tpu.memory_space<vmem>>) dst(%dma_wait3A_19 : memref<2000xi32, #tpu.memory_space<hbm>>)
        tpu.yield
      }) : () -> ()
    }
    %scan3A_7 = arith.constant 5 : i32
    return
  }
}

#map = affine_map<(d0, d1) -> (0, 0, 0)>
#map1 = affine_map<(d0, d1) -> (0, 0)>
#map2 = affine_map<(d0, d1) -> (0, 0, 0, 0)>
module attributes {stable_mosaic.version = 14 : i64} {
  func.func @body(%arg0: i32, %arg1: i32, %arg2: memref<1440x1x112xi32, #tpu.memory_space<hbm>>, %arg3: memref<10112x128xf32, #tpu.memory_space<hbm>>, %arg4: memref<161280x128xf32, #tpu.memory_space<hbm>>, %arg5: memref<161280x128xf32, #tpu.memory_space<hbm>>, %arg6: memref<161280x128xf32, #tpu.memory_space<hbm>>, %arg7: memref<161280x128xf32, #tpu.memory_space<hbm>>, %arg8: memref<161280x128xf32, #tpu.memory_space<hbm>>, %arg9: memref<2x5x10112x128xf32, #tpu.memory_space<hbm>>, %arg10: memref<10112x128xf32, #tpu.memory_space<vmem_shared>>, %arg11: memref<1x112xi32, #tpu.memory_space<vmem>>, %arg12: memref<1x112xi32, #tpu.memory_space<vmem>>, %arg13: memref<112x128xf32, #tpu.memory_space<vmem>>, %arg14: memref<112x128xf32, #tpu.memory_space<vmem>>, %arg15: memref<!tpu.dma_semaphore, #tpu.memory_space<semaphore_mem>>, %arg16: memref<!tpu.dma_semaphore, #tpu.memory_space<semaphore_mem>>, %arg17: memref<!tpu.dma_semaphore, #tpu.memory_space<semaphore_mem>>, %arg18: memref<!tpu.dma_semaphore, #tpu.memory_space<semaphore_mem>>) attributes {dimension_semantics = [#tpu.dimension_semantics<core_parallel>, #tpu.dimension_semantics<subcore_parallel>], iteration_bounds = array<i64: 2, 16>, scalar_prefetch = 0 : i64, scratch_operands = 9 : i64, tpu.core_type = #tpu.core_type<sc_vector_subcore>, window_params = [{transform_indices = #map}, {transform_indices = #map1}, {transform_indices = #map1}, {transform_indices = #map1}, {transform_indices = #map1}, {transform_indices = #map1}, {transform_indices = #map1}, {transform_indices = #map2}]} {
    %mul3A = arith.constant 80640 : i32
    %mul3A_0 = arith.muli %arg0, %mul3A : i32
    %mul3A_1 = arith.constant 5040 : i32
    %mul3A_2 = arith.muli %arg1, %mul3A_1 : i32
    %add3A = arith.addi %mul3A_0, %mul3A_2 : i32
    %jit3A = arith.constant 112 : i32
    %div3A = arith.divsi %add3A, %jit3A : i32
    %sign3A = arith.constant 0 : i32
    %sign3A_3 = arith.cmpi sgt, %add3A, %sign3A : i32
    %sign3A_4 = arith.extui %sign3A_3 : i1 to i32
    %sign3A_5 = arith.constant 0 : i32
    %sign3A_6 = arith.cmpi slt, %add3A, %sign3A_5 : i32
    %sign3A_7 = arith.extui %sign3A_6 : i1 to i32
    %sign3A_8 = arith.subi %sign3A_4, %sign3A_7 : i32
    %sign3A_9 = arith.constant 0 : i32
    %sign3A_10 = arith.cmpi sgt, %jit3A, %sign3A_9 : i32
    %sign3A_11 = arith.extui %sign3A_10 : i1 to i32
    %sign3A_12 = arith.constant 0 : i32
    %sign3A_13 = arith.cmpi slt, %jit3A, %sign3A_12 : i32
    %sign3A_14 = arith.extui %sign3A_13 : i1 to i32
    %sign3A_15 = arith.subi %sign3A_11, %sign3A_14 : i32
    %ne3A = arith.cmpi ne, %sign3A_8, %sign3A_15 : i32
    %rem3A = arith.remsi %add3A, %jit3A : i32
    %ne3A_16 = arith.constant 0 : i32
    %ne3A_17 = arith.cmpi ne, %rem3A, %ne3A_16 : i32
    %and3A = arith.andi %ne3A, %ne3A_17 : i1
    %sub3A = arith.constant 1 : i32
    %sub3A_18 = arith.subi %div3A, %sub3A : i32
    %select_n3A = arith.select %and3A, %sub3A_18, %div3A : i32
    %mul3A_19 = arith.constant 632 : i32
    %mul3A_20 = arith.muli %arg1, %mul3A_19 : i32
    "tpu.region"() ({
      %run_scoped3A_161 = tpu.sem_alloc : memref<!tpu.dma_semaphore, #tpu.memory_space<semaphore_mem>>
      %dma_start3A_162 = arith.constant 0 : i32
      %dma_start3A_163 = tpu.memref_slice %arg10[%mul3A_20, %dma_start3A_162] : memref<10112x128xf32, #tpu.memory_space<vmem_shared>> -> memref<632x128xf32, #tpu.memory_space<vmem_shared>>
      %dma_start3A_164 = arith.constant 0 : i32
      %dma_start3A_165 = tpu.memref_slice %arg3[%mul3A_20, %dma_start3A_164] : memref<10112x128xf32, #tpu.memory_space<hbm>> -> memref<632x128xf32, #tpu.memory_space<hbm>>
      tpu.enqueue_dma source(%dma_start3A_165 : memref<632x128xf32, #tpu.memory_space<hbm>>) target(%dma_start3A_163 : memref<632x128xf32, #tpu.memory_space<vmem_shared>>) target_semaphore(%run_scoped3A_161 : memref<!tpu.dma_semaphore, #tpu.memory_space<semaphore_mem>>)
      %dma_wait3A_166 = arith.constant 0 : i32
      %dma_wait3A_167 = tpu.memref_slice %arg10[%mul3A_20, %dma_wait3A_166] : memref<10112x128xf32, #tpu.memory_space<vmem_shared>> -> memref<632x128xf32, #tpu.memory_space<vmem_shared>>
      %dma_wait3A_168 = arith.constant 0 : i32
      %dma_wait3A_169 = tpu.memref_slice %arg3[%mul3A_20, %dma_wait3A_168] : memref<10112x128xf32, #tpu.memory_space<hbm>> -> memref<632x128xf32, #tpu.memory_space<hbm>>
      tpu.wait_dma2 semaphore(%run_scoped3A_161 : memref<!tpu.dma_semaphore, #tpu.memory_space<semaphore_mem>>) src(%dma_wait3A_169 : memref<632x128xf32, #tpu.memory_space<hbm>>) dst(%dma_wait3A_167 : memref<632x128xf32, #tpu.memory_space<vmem_shared>>)
      tpu.yield
    }) : () -> ()
    %barrier3A = arith.constant 0 : index
    tpu.barrier barrier_id(%barrier3A)
    %dma_start3A = arith.constant 0 : i32
    %dma_start3A_21 = arith.constant 0 : i32
    %dma_start3A_22 = tpu.memref_slice %arg2[%select_n3A, %dma_start3A, %dma_start3A_21] : memref<1440x1x112xi32, #tpu.memory_space<hbm>> -> memref<1x1x112xi32, #tpu.memory_space<hbm>>
    %dma_start3A_23 = tpu.memref_squeeze %dma_start3A_22 : memref<1x1x112xi32, #tpu.memory_space<hbm>> -> memref<1x112xi32, #tpu.memory_space<hbm>>
    %dma_start3A_24 = arith.constant 0 : i32
    %dma_start3A_25 = arith.constant 0 : i32
    %dma_start3A_26 = tpu.memref_slice %arg2[%select_n3A, %dma_start3A_24, %dma_start3A_25] : memref<1440x1x112xi32, #tpu.memory_space<hbm>> -> memref<1x1x112xi32, #tpu.memory_space<hbm>>
    %dma_start3A_27 = tpu.memref_squeeze %dma_start3A_26 : memref<1x1x112xi32, #tpu.memory_space<hbm>> -> memref<1x112xi32, #tpu.memory_space<hbm>>
    tpu.enqueue_dma source(%dma_start3A_27 : memref<1x112xi32, #tpu.memory_space<hbm>>) target(%arg11 : memref<1x112xi32, #tpu.memory_space<vmem>>) target_semaphore(%arg15 : memref<!tpu.dma_semaphore, #tpu.memory_space<semaphore_mem>>)
    %dma_start3A_28 = arith.constant 0 : i32
    %dma_start3A_29 = tpu.memref_slice %arg4[%add3A, %dma_start3A_28] : memref<161280x128xf32, #tpu.memory_space<hbm>> -> memref<112x128xf32, #tpu.memory_space<hbm>>
    %dma_start3A_30 = arith.constant 0 : i32
    %dma_start3A_31 = tpu.memref_slice %arg4[%add3A, %dma_start3A_30] : memref<161280x128xf32, #tpu.memory_space<hbm>> -> memref<112x128xf32, #tpu.memory_space<hbm>>
    tpu.enqueue_dma source(%dma_start3A_31 : memref<112x128xf32, #tpu.memory_space<hbm>>) target(%arg13 : memref<112x128xf32, #tpu.memory_space<vmem>>) target_semaphore(%arg15 : memref<!tpu.dma_semaphore, #tpu.memory_space<semaphore_mem>>)
    %scan3A = arith.constant 0 : i32
    %scan3A_32 = arith.constant 0 : i32
    %scan3A_33 = arith.constant 45 : i32
    %scan3A_34 = arith.addi %scan3A_32, %scan3A_33 : i32
    %scan3A_35 = arith.constant 1 : i32
    scf.for %scan3A_161 = %scan3A_32 to %scan3A_34 step %scan3A_35  : i32 {
      %jit3A_162 = arith.constant 2 : i32
      %eq3A = arith.constant 0 : i32
      %eq3A_163 = arith.cmpi eq, %jit3A_162, %eq3A : i32
      %jit3A_164 = arith.constant 1 : i32
      %select_n3A_165 = arith.select %eq3A_163, %jit3A_164, %jit3A_162 : i32
      %rem3A_166 = arith.remsi %scan3A_161, %select_n3A_165 : i32
      %ne3A_167 = arith.constant 0 : i32
      %ne3A_168 = arith.cmpi ne, %rem3A_166, %ne3A_167 : i32
      %lt3A = arith.constant 0 : i32
      %lt3A_169 = arith.cmpi slt, %rem3A_166, %lt3A : i32
      %lt3A_170 = arith.constant 0 : i32
      %lt3A_171 = arith.cmpi slt, %select_n3A_165, %lt3A_170 : i32
      %ne3A_172 = arith.xori %lt3A_169, %lt3A_171 : i1
      %and3A_173 = arith.andi %ne3A_172, %ne3A_168 : i1
      %add3A_174 = arith.addi %rem3A_166, %select_n3A_165 : i32
      %select_n3A_175 = arith.select %and3A_173, %add3A_174, %rem3A_166 : i32
      %eq3A_176 = arith.constant 0 : i32
      %eq3A_177 = arith.cmpi eq, %select_n3A_175, %eq3A_176 : i32
      %convert_element_type3A = arith.extui %eq3A_177 : i1 to i32
      %cond3A = arith.constant 0 : i32
      %cond3A_178 = arith.cmpi ne, %convert_element_type3A, %cond3A : i32
      scf.if %cond3A_178 {
        %mul3A_200 = arith.constant 112 : i32
        %mul3A_201 = arith.muli %scan3A_161, %mul3A_200 : i32
        %add3A_202 = arith.addi %add3A, %mul3A_201 : i32
        %dma_wait3A_203 = arith.constant 0 : i32
        %dma_wait3A_204 = arith.constant 0 : i32
        %dma_wait3A_205 = tpu.memref_slice %arg2[%select_n3A, %dma_wait3A_203, %dma_wait3A_204] : memref<1440x1x112xi32, #tpu.memory_space<hbm>> -> memref<1x1x112xi32, #tpu.memory_space<hbm>>
        %dma_wait3A_206 = tpu.memref_squeeze %dma_wait3A_205 : memref<1x1x112xi32, #tpu.memory_space<hbm>> -> memref<1x112xi32, #tpu.memory_space<hbm>>
        %dma_wait3A_207 = arith.constant 0 : i32
        %dma_wait3A_208 = arith.constant 0 : i32
        %dma_wait3A_209 = tpu.memref_slice %arg2[%select_n3A, %dma_wait3A_207, %dma_wait3A_208] : memref<1440x1x112xi32, #tpu.memory_space<hbm>> -> memref<1x1x112xi32, #tpu.memory_space<hbm>>
        %dma_wait3A_210 = tpu.memref_squeeze %dma_wait3A_209 : memref<1x1x112xi32, #tpu.memory_space<hbm>> -> memref<1x112xi32, #tpu.memory_space<hbm>>
        tpu.wait_dma2 semaphore(%arg15 : memref<!tpu.dma_semaphore, #tpu.memory_space<semaphore_mem>>) src(%dma_wait3A_210 : memref<1x112xi32, #tpu.memory_space<hbm>>) dst(%arg11 : memref<1x112xi32, #tpu.memory_space<vmem>>)
        %dma_wait3A_211 = arith.constant 0 : i32
        %dma_wait3A_212 = tpu.memref_slice %arg4[%add3A_202, %dma_wait3A_211] : memref<161280x128xf32, #tpu.memory_space<hbm>> -> memref<112x128xf32, #tpu.memory_space<hbm>>
        %dma_wait3A_213 = arith.constant 0 : i32
        %dma_wait3A_214 = tpu.memref_slice %arg4[%add3A_202, %dma_wait3A_213] : memref<161280x128xf32, #tpu.memory_space<hbm>> -> memref<112x128xf32, #tpu.memory_space<hbm>>
        tpu.wait_dma2 semaphore(%arg15 : memref<!tpu.dma_semaphore, #tpu.memory_space<semaphore_mem>>) src(%dma_wait3A_214 : memref<112x128xf32, #tpu.memory_space<hbm>>) dst(%arg13 : memref<112x128xf32, #tpu.memory_space<vmem>>)
        %ge3A = arith.constant 1 : i32
        %ge3A_215 = arith.cmpi sge, %scan3A_161, %ge3A : i32
        %convert_element_type3A_216 = arith.extui %ge3A_215 : i1 to i32
        %cond3A_217 = arith.constant 0 : i32
        %cond3A_218 = arith.cmpi ne, %convert_element_type3A_216, %cond3A_217 : i32
        scf.if %cond3A_218 {
          %dma_wait3A_233 = arith.constant 0 : i32
          %dma_wait3A_234 = arith.constant 0 : i32
          %dma_wait3A_235 = tpu.memref_slice %arg12[%dma_wait3A_233, %dma_wait3A_234] : memref<1x112xi32, #tpu.memory_space<vmem>> -> memref<1x112xi32, #tpu.memory_space<vmem>>
          %dma_wait3A_236 = tpu.memref_squeeze %dma_wait3A_235 : memref<1x112xi32, #tpu.memory_space<vmem>> -> memref<112xi32, #tpu.memory_space<vmem>>
          %dma_wait3A_237 = arith.constant 0 : i32
          %dma_wait3A_238 = arith.constant 0 : i32
          %dma_wait3A_239 = tpu.memref_slice %arg10[%dma_wait3A_237, %dma_wait3A_238] : memref<10112x128xf32, #tpu.memory_space<vmem_shared>> -> memref<10112x128xf32, #tpu.memory_space<vmem_shared>>
          tpu.wait_indirect_dma semaphore(%arg18 : memref<!tpu.dma_semaphore, #tpu.memory_space<semaphore_mem>>) src(%arg14 : memref<112x128xf32, #tpu.memory_space<vmem>>) dst(%dma_wait3A_239 : memref<10112x128xf32, #tpu.memory_space<vmem_shared>>)
        } else {
        }
        %add3A_219 = arith.constant 1 : i32
        %add3A_220 = arith.addi %scan3A_161, %add3A_219 : i32
        %lt3A_221 = arith.constant 45 : i32
        %lt3A_222 = arith.cmpi slt, %add3A_220, %lt3A_221 : i32
        %convert_element_type3A_223 = arith.extui %lt3A_222 : i1 to i32
        %cond3A_224 = arith.constant 0 : i32
        %cond3A_225 = arith.cmpi ne, %convert_element_type3A_223, %cond3A_224 : i32
        scf.if %cond3A_225 {
          %add3A_233 = arith.addi %select_n3A, %scan3A_161 : i32
          %add3A_234 = arith.constant 1 : i32
          %add3A_235 = arith.addi %add3A_233, %add3A_234 : i32
          %dma_start3A_236 = arith.constant 0 : i32
          %dma_start3A_237 = arith.constant 0 : i32
          %dma_start3A_238 = tpu.memref_slice %arg2[%add3A_235, %dma_start3A_236, %dma_start3A_237] : memref<1440x1x112xi32, #tpu.memory_space<hbm>> -> memref<1x1x112xi32, #tpu.memory_space<hbm>>
          %dma_start3A_239 = tpu.memref_squeeze %dma_start3A_238 : memref<1x1x112xi32, #tpu.memory_space<hbm>> -> memref<1x112xi32, #tpu.memory_space<hbm>>
          %dma_start3A_240 = arith.constant 0 : i32
          %dma_start3A_241 = arith.constant 0 : i32
          %dma_start3A_242 = tpu.memref_slice %arg2[%add3A_235, %dma_start3A_240, %dma_start3A_241] : memref<1440x1x112xi32, #tpu.memory_space<hbm>> -> memref<1x1x112xi32, #tpu.memory_space<hbm>>
          %dma_start3A_243 = tpu.memref_squeeze %dma_start3A_242 : memref<1x1x112xi32, #tpu.memory_space<hbm>> -> memref<1x112xi32, #tpu.memory_space<hbm>>
          tpu.enqueue_dma source(%dma_start3A_243 : memref<1x112xi32, #tpu.memory_space<hbm>>) target(%arg12 : memref<1x112xi32, #tpu.memory_space<vmem>>) target_semaphore(%arg16 : memref<!tpu.dma_semaphore, #tpu.memory_space<semaphore_mem>>)
          %add3A_244 = arith.constant 112 : i32
          %add3A_245 = arith.addi %add3A_202, %add3A_244 : i32
          %dma_start3A_246 = arith.constant 0 : i32
          %dma_start3A_247 = tpu.memref_slice %arg4[%add3A_245, %dma_start3A_246] : memref<161280x128xf32, #tpu.memory_space<hbm>> -> memref<112x128xf32, #tpu.memory_space<hbm>>
          %dma_start3A_248 = arith.constant 0 : i32
          %dma_start3A_249 = tpu.memref_slice %arg4[%add3A_245, %dma_start3A_248] : memref<161280x128xf32, #tpu.memory_space<hbm>> -> memref<112x128xf32, #tpu.memory_space<hbm>>
          tpu.enqueue_dma source(%dma_start3A_249 : memref<112x128xf32, #tpu.memory_space<hbm>>) target(%arg14 : memref<112x128xf32, #tpu.memory_space<vmem>>) target_semaphore(%arg16 : memref<!tpu.dma_semaphore, #tpu.memory_space<semaphore_mem>>)
        } else {
        }
        %dma_start3A_226 = arith.constant 0 : i32
        %dma_start3A_227 = arith.constant 0 : i32
        %dma_start3A_228 = tpu.memref_slice %arg11[%dma_start3A_226, %dma_start3A_227] : memref<1x112xi32, #tpu.memory_space<vmem>> -> memref<1x112xi32, #tpu.memory_space<vmem>>
        %dma_start3A_229 = tpu.memref_squeeze %dma_start3A_228 : memref<1x112xi32, #tpu.memory_space<vmem>> -> memref<112xi32, #tpu.memory_space<vmem>>
        %dma_start3A_230 = arith.constant 0 : i32
        %dma_start3A_231 = arith.constant 0 : i32
        %dma_start3A_232 = tpu.memref_slice %arg10[%dma_start3A_230, %dma_start3A_231] : memref<10112x128xf32, #tpu.memory_space<vmem_shared>> -> memref<10112x128xf32, #tpu.memory_space<vmem_shared>>
        tpu.enqueue_indirect_dma source(%arg13 : memref<112x128xf32, #tpu.memory_space<vmem>>) target(%dma_start3A_232 : memref<10112x128xf32, #tpu.memory_space<vmem_shared>>) offsets(%dma_start3A_229 : memref<112xi32, #tpu.memory_space<vmem>>) semaphore(%arg17 : memref<!tpu.dma_semaphore, #tpu.memory_space<semaphore_mem>>) {add = true}
      } else {
      }
      %jit3A_179 = arith.constant 2 : i32
      %eq3A_180 = arith.constant 0 : i32
      %eq3A_181 = arith.cmpi eq, %jit3A_179, %eq3A_180 : i32
      %jit3A_182 = arith.constant 1 : i32
      %select_n3A_183 = arith.select %eq3A_181, %jit3A_182, %jit3A_179 : i32
      %rem3A_184 = arith.remsi %scan3A_161, %select_n3A_183 : i32
      %ne3A_185 = arith.constant 0 : i32
      %ne3A_186 = arith.cmpi ne, %rem3A_184, %ne3A_185 : i32
      %lt3A_187 = arith.constant 0 : i32
      %lt3A_188 = arith.cmpi slt, %rem3A_184, %lt3A_187 : i32
      %lt3A_189 = arith.constant 0 : i32
      %lt3A_190 = arith.cmpi slt, %select_n3A_183, %lt3A_189 : i32
      %ne3A_191 = arith.xori %lt3A_188, %lt3A_190 : i1
      %and3A_192 = arith.andi %ne3A_191, %ne3A_186 : i1
      %add3A_193 = arith.addi %rem3A_184, %select_n3A_183 : i32
      %select_n3A_194 = arith.select %and3A_192, %add3A_193, %rem3A_184 : i32
      %eq3A_195 = arith.constant 1 : i32
      %eq3A_196 = arith.cmpi eq, %select_n3A_194, %eq3A_195 : i32
      %convert_element_type3A_197 = arith.extui %eq3A_196 : i1 to i32
      %cond3A_198 = arith.constant 0 : i32
      %cond3A_199 = arith.cmpi ne, %convert_element_type3A_197, %cond3A_198 : i32
      scf.if %cond3A_199 {
        %mul3A_200 = arith.constant 112 : i32
        %mul3A_201 = arith.muli %scan3A_161, %mul3A_200 : i32
        %add3A_202 = arith.addi %add3A, %mul3A_201 : i32
        %dma_wait3A_203 = arith.constant 0 : i32
        %dma_wait3A_204 = arith.constant 0 : i32
        %dma_wait3A_205 = tpu.memref_slice %arg2[%select_n3A, %dma_wait3A_203, %dma_wait3A_204] : memref<1440x1x112xi32, #tpu.memory_space<hbm>> -> memref<1x1x112xi32, #tpu.memory_space<hbm>>
        %dma_wait3A_206 = tpu.memref_squeeze %dma_wait3A_205 : memref<1x1x112xi32, #tpu.memory_space<hbm>> -> memref<1x112xi32, #tpu.memory_space<hbm>>
        %dma_wait3A_207 = arith.constant 0 : i32
        %dma_wait3A_208 = arith.constant 0 : i32
        %dma_wait3A_209 = tpu.memref_slice %arg2[%select_n3A, %dma_wait3A_207, %dma_wait3A_208] : memref<1440x1x112xi32, #tpu.memory_space<hbm>> -> memref<1x1x112xi32, #tpu.memory_space<hbm>>
        %dma_wait3A_210 = tpu.memref_squeeze %dma_wait3A_209 : memref<1x1x112xi32, #tpu.memory_space<hbm>> -> memref<1x112xi32, #tpu.memory_space<hbm>>
        tpu.wait_dma2 semaphore(%arg16 : memref<!tpu.dma_semaphore, #tpu.memory_space<semaphore_mem>>) src(%dma_wait3A_210 : memref<1x112xi32, #tpu.memory_space<hbm>>) dst(%arg12 : memref<1x112xi32, #tpu.memory_space<vmem>>)
        %dma_wait3A_211 = arith.constant 0 : i32
        %dma_wait3A_212 = tpu.memref_slice %arg4[%add3A_202, %dma_wait3A_211] : memref<161280x128xf32, #tpu.memory_space<hbm>> -> memref<112x128xf32, #tpu.memory_space<hbm>>
        %dma_wait3A_213 = arith.constant 0 : i32
        %dma_wait3A_214 = tpu.memref_slice %arg4[%add3A_202, %dma_wait3A_213] : memref<161280x128xf32, #tpu.memory_space<hbm>> -> memref<112x128xf32, #tpu.memory_space<hbm>>
        tpu.wait_dma2 semaphore(%arg16 : memref<!tpu.dma_semaphore, #tpu.memory_space<semaphore_mem>>) src(%dma_wait3A_214 : memref<112x128xf32, #tpu.memory_space<hbm>>) dst(%arg14 : memref<112x128xf32, #tpu.memory_space<vmem>>)
        %ge3A = arith.constant 1 : i32
        %ge3A_215 = arith.cmpi sge, %scan3A_161, %ge3A : i32
        %convert_element_type3A_216 = arith.extui %ge3A_215 : i1 to i32
        %cond3A_217 = arith.constant 0 : i32
        %cond3A_218 = arith.cmpi ne, %convert_element_type3A_216, %cond3A_217 : i32
        scf.if %cond3A_218 {
          %dma_wait3A_233 = arith.constant 0 : i32
          %dma_wait3A_234 = arith.constant 0 : i32
          %dma_wait3A_235 = tpu.memref_slice %arg11[%dma_wait3A_233, %dma_wait3A_234] : memref<1x112xi32, #tpu.memory_space<vmem>> -> memref<1x112xi32, #tpu.memory_space<vmem>>
          %dma_wait3A_236 = tpu.memref_squeeze %dma_wait3A_235 : memref<1x112xi32, #tpu.memory_space<vmem>> -> memref<112xi32, #tpu.memory_space<vmem>>
          %dma_wait3A_237 = arith.constant 0 : i32
          %dma_wait3A_238 = arith.constant 0 : i32
          %dma_wait3A_239 = tpu.memref_slice %arg10[%dma_wait3A_237, %dma_wait3A_238] : memref<10112x128xf32, #tpu.memory_space<vmem_shared>> -> memref<10112x128xf32, #tpu.memory_space<vmem_shared>>
          tpu.wait_indirect_dma semaphore(%arg17 : memref<!tpu.dma_semaphore, #tpu.memory_space<semaphore_mem>>) src(%arg13 : memref<112x128xf32, #tpu.memory_space<vmem>>) dst(%dma_wait3A_239 : memref<10112x128xf32, #tpu.memory_space<vmem_shared>>)
        } else {
        }
        %add3A_219 = arith.constant 1 : i32
        %add3A_220 = arith.addi %scan3A_161, %add3A_219 : i32
        %lt3A_221 = arith.constant 45 : i32
        %lt3A_222 = arith.cmpi slt, %add3A_220, %lt3A_221 : i32
        %convert_element_type3A_223 = arith.extui %lt3A_222 : i1 to i32
        %cond3A_224 = arith.constant 0 : i32
        %cond3A_225 = arith.cmpi ne, %convert_element_type3A_223, %cond3A_224 : i32
        scf.if %cond3A_225 {
          %add3A_233 = arith.addi %select_n3A, %scan3A_161 : i32
          %add3A_234 = arith.constant 1 : i32
          %add3A_235 = arith.addi %add3A_233, %add3A_234 : i32
          %dma_start3A_236 = arith.constant 0 : i32
          %dma_start3A_237 = arith.constant 0 : i32
          %dma_start3A_238 = tpu.memref_slice %arg2[%add3A_235, %dma_start3A_236, %dma_start3A_237] : memref<1440x1x112xi32, #tpu.memory_space<hbm>> -> memref<1x1x112xi32, #tpu.memory_space<hbm>>
          %dma_start3A_239 = tpu.memref_squeeze %dma_start3A_238 : memref<1x1x112xi32, #tpu.memory_space<hbm>> -> memref<1x112xi32, #tpu.memory_space<hbm>>
          %dma_start3A_240 = arith.constant 0 : i32
          %dma_start3A_241 = arith.constant 0 : i32
          %dma_start3A_242 = tpu.memref_slice %arg2[%add3A_235, %dma_start3A_240, %dma_start3A_241] : memref<1440x1x112xi32, #tpu.memory_space<hbm>> -> memref<1x1x112xi32, #tpu.memory_space<hbm>>
          %dma_start3A_243 = tpu.memref_squeeze %dma_start3A_242 : memref<1x1x112xi32, #tpu.memory_space<hbm>> -> memref<1x112xi32, #tpu.memory_space<hbm>>
          tpu.enqueue_dma source(%dma_start3A_243 : memref<1x112xi32, #tpu.memory_space<hbm>>) target(%arg11 : memref<1x112xi32, #tpu.memory_space<vmem>>) target_semaphore(%arg15 : memref<!tpu.dma_semaphore, #tpu.memory_space<semaphore_mem>>)
          %add3A_244 = arith.constant 112 : i32
          %add3A_245 = arith.addi %add3A_202, %add3A_244 : i32
          %dma_start3A_246 = arith.constant 0 : i32
          %dma_start3A_247 = tpu.memref_slice %arg4[%add3A_245, %dma_start3A_246] : memref<161280x128xf32, #tpu.memory_space<hbm>> -> memref<112x128xf32, #tpu.memory_space<hbm>>
          %dma_start3A_248 = arith.constant 0 : i32
          %dma_start3A_249 = tpu.memref_slice %arg4[%add3A_245, %dma_start3A_248] : memref<161280x128xf32, #tpu.memory_space<hbm>> -> memref<112x128xf32, #tpu.memory_space<hbm>>
          tpu.enqueue_dma source(%dma_start3A_249 : memref<112x128xf32, #tpu.memory_space<hbm>>) target(%arg13 : memref<112x128xf32, #tpu.memory_space<vmem>>) target_semaphore(%arg15 : memref<!tpu.dma_semaphore, #tpu.memory_space<semaphore_mem>>)
        } else {
        }
        %dma_start3A_226 = arith.constant 0 : i32
        %dma_start3A_227 = arith.constant 0 : i32
        %dma_start3A_228 = tpu.memref_slice %arg12[%dma_start3A_226, %dma_start3A_227] : memref<1x112xi32, #tpu.memory_space<vmem>> -> memref<1x112xi32, #tpu.memory_space<vmem>>
        %dma_start3A_229 = tpu.memref_squeeze %dma_start3A_228 : memref<1x112xi32, #tpu.memory_space<vmem>> -> memref<112xi32, #tpu.memory_space<vmem>>
        %dma_start3A_230 = arith.constant 0 : i32
        %dma_start3A_231 = arith.constant 0 : i32
        %dma_start3A_232 = tpu.memref_slice %arg10[%dma_start3A_230, %dma_start3A_231] : memref<10112x128xf32, #tpu.memory_space<vmem_shared>> -> memref<10112x128xf32, #tpu.memory_space<vmem_shared>>
        tpu.enqueue_indirect_dma source(%arg14 : memref<112x128xf32, #tpu.memory_space<vmem>>) target(%dma_start3A_232 : memref<10112x128xf32, #tpu.memory_space<vmem_shared>>) offsets(%dma_start3A_229 : memref<112xi32, #tpu.memory_space<vmem>>) semaphore(%arg18 : memref<!tpu.dma_semaphore, #tpu.memory_space<semaphore_mem>>) {add = true}
      } else {
      }
    }
    %scan3A_36 = arith.constant 45 : i32
    %dma_wait3A = arith.constant 0 : i32
    %dma_wait3A_37 = arith.constant 0 : i32
    %dma_wait3A_38 = tpu.memref_slice %arg11[%dma_wait3A, %dma_wait3A_37] : memref<1x112xi32, #tpu.memory_space<vmem>> -> memref<1x112xi32, #tpu.memory_space<vmem>>
    %dma_wait3A_39 = tpu.memref_squeeze %dma_wait3A_38 : memref<1x112xi32, #tpu.memory_space<vmem>> -> memref<112xi32, #tpu.memory_space<vmem>>
    %dma_wait3A_40 = arith.constant 0 : i32
    %dma_wait3A_41 = arith.constant 0 : i32
    %dma_wait3A_42 = tpu.memref_slice %arg10[%dma_wait3A_40, %dma_wait3A_41] : memref<10112x128xf32, #tpu.memory_space<vmem_shared>> -> memref<10112x128xf32, #tpu.memory_space<vmem_shared>>
    tpu.wait_indirect_dma semaphore(%arg17 : memref<!tpu.dma_semaphore, #tpu.memory_space<semaphore_mem>>) src(%arg13 : memref<112x128xf32, #tpu.memory_space<vmem>>) dst(%dma_wait3A_42 : memref<10112x128xf32, #tpu.memory_space<vmem_shared>>)
    %barrier3A_43 = arith.constant 0 : index
    tpu.barrier barrier_id(%barrier3A_43)
    %run_scoped3A = arith.constant 0 : i32
    "tpu.region"() ({
      %run_scoped3A_161 = tpu.sem_alloc : memref<!tpu.dma_semaphore, #tpu.memory_space<semaphore_mem>>
      %dma_start3A_162 = arith.constant 0 : i32
      %dma_start3A_163 = tpu.memref_slice %arg9[%arg0, %run_scoped3A, %mul3A_20, %dma_start3A_162] : memref<2x5x10112x128xf32, #tpu.memory_space<hbm>> -> memref<1x1x632x128xf32, #tpu.memory_space<hbm>>
      %dma_start3A_164 = tpu.memref_squeeze %dma_start3A_163 : memref<1x1x632x128xf32, #tpu.memory_space<hbm>> -> memref<632x128xf32, #tpu.memory_space<hbm>>
      %dma_start3A_165 = arith.constant 0 : i32
      %dma_start3A_166 = tpu.memref_slice %arg10[%mul3A_20, %dma_start3A_165] : memref<10112x128xf32, #tpu.memory_space<vmem_shared>> -> memref<632x128xf32, #tpu.memory_space<vmem_shared>>
      tpu.enqueue_dma source(%dma_start3A_166 : memref<632x128xf32, #tpu.memory_space<vmem_shared>>) target(%dma_start3A_164 : memref<632x128xf32, #tpu.memory_space<hbm>>) target_semaphore(%run_scoped3A_161 : memref<!tpu.dma_semaphore, #tpu.memory_space<semaphore_mem>>)
      %dma_wait3A_167 = arith.constant 0 : i32
      %dma_wait3A_168 = tpu.memref_slice %arg9[%arg0, %run_scoped3A, %mul3A_20, %dma_wait3A_167] : memref<2x5x10112x128xf32, #tpu.memory_space<hbm>> -> memref<1x1x632x128xf32, #tpu.memory_space<hbm>>
      %dma_wait3A_169 = tpu.memref_squeeze %dma_wait3A_168 : memref<1x1x632x128xf32, #tpu.memory_space<hbm>> -> memref<632x128xf32, #tpu.memory_space<hbm>>
      %dma_wait3A_170 = arith.constant 0 : i32
      %dma_wait3A_171 = tpu.memref_slice %arg10[%mul3A_20, %dma_wait3A_170] : memref<10112x128xf32, #tpu.memory_space<vmem_shared>> -> memref<632x128xf32, #tpu.memory_space<vmem_shared>>
      tpu.wait_dma2 semaphore(%run_scoped3A_161 : memref<!tpu.dma_semaphore, #tpu.memory_space<semaphore_mem>>) src(%dma_wait3A_171 : memref<632x128xf32, #tpu.memory_space<vmem_shared>>) dst(%dma_wait3A_169 : memref<632x128xf32, #tpu.memory_space<hbm>>)
      tpu.yield
    }) : () -> ()
    %barrier3A_44 = arith.constant 0 : index
    tpu.barrier barrier_id(%barrier3A_44)
    "tpu.region"() ({
      %run_scoped3A_161 = tpu.sem_alloc : memref<!tpu.dma_semaphore, #tpu.memory_space<semaphore_mem>>
      %dma_start3A_162 = arith.constant 0 : i32
      %dma_start3A_163 = tpu.memref_slice %arg10[%mul3A_20, %dma_start3A_162] : memref<10112x128xf32, #tpu.memory_space<vmem_shared>> -> memref<632x128xf32, #tpu.memory_space<vmem_shared>>
      %dma_start3A_164 = arith.constant 0 : i32
      %dma_start3A_165 = tpu.memref_slice %arg3[%mul3A_20, %dma_start3A_164] : memref<10112x128xf32, #tpu.memory_space<hbm>> -> memref<632x128xf32, #tpu.memory_space<hbm>>
      tpu.enqueue_dma source(%dma_start3A_165 : memref<632x128xf32, #tpu.memory_space<hbm>>) target(%dma_start3A_163 : memref<632x128xf32, #tpu.memory_space<vmem_shared>>) target_semaphore(%run_scoped3A_161 : memref<!tpu.dma_semaphore, #tpu.memory_space<semaphore_mem>>)
      %dma_wait3A_166 = arith.constant 0 : i32
      %dma_wait3A_167 = tpu.memref_slice %arg10[%mul3A_20, %dma_wait3A_166] : memref<10112x128xf32, #tpu.memory_space<vmem_shared>> -> memref<632x128xf32, #tpu.memory_space<vmem_shared>>
      %dma_wait3A_168 = arith.constant 0 : i32
      %dma_wait3A_169 = tpu.memref_slice %arg3[%mul3A_20, %dma_wait3A_168] : memref<10112x128xf32, #tpu.memory_space<hbm>> -> memref<632x128xf32, #tpu.memory_space<hbm>>
      tpu.wait_dma2 semaphore(%run_scoped3A_161 : memref<!tpu.dma_semaphore, #tpu.memory_space<semaphore_mem>>) src(%dma_wait3A_169 : memref<632x128xf32, #tpu.memory_space<hbm>>) dst(%dma_wait3A_167 : memref<632x128xf32, #tpu.memory_space<vmem_shared>>)
      tpu.yield
    }) : () -> ()
    %barrier3A_45 = arith.constant 0 : index
    tpu.barrier barrier_id(%barrier3A_45)
    %dma_start3A_46 = arith.constant 0 : i32
    %dma_start3A_47 = arith.constant 0 : i32
    %dma_start3A_48 = tpu.memref_slice %arg2[%select_n3A, %dma_start3A_46, %dma_start3A_47] : memref<1440x1x112xi32, #tpu.memory_space<hbm>> -> memref<1x1x112xi32, #tpu.memory_space<hbm>>
    %dma_start3A_49 = tpu.memref_squeeze %dma_start3A_48 : memref<1x1x112xi32, #tpu.memory_space<hbm>> -> memref<1x112xi32, #tpu.memory_space<hbm>>
    %dma_start3A_50 = arith.constant 0 : i32
    %dma_start3A_51 = arith.constant 0 : i32
    %dma_start3A_52 = tpu.memref_slice %arg2[%select_n3A, %dma_start3A_50, %dma_start3A_51] : memref<1440x1x112xi32, #tpu.memory_space<hbm>> -> memref<1x1x112xi32, #tpu.memory_space<hbm>>
    %dma_start3A_53 = tpu.memref_squeeze %dma_start3A_52 : memref<1x1x112xi32, #tpu.memory_space<hbm>> -> memref<1x112xi32, #tpu.memory_space<hbm>>
    tpu.enqueue_dma source(%dma_start3A_53 : memref<1x112xi32, #tpu.memory_space<hbm>>) target(%arg11 : memref<1x112xi32, #tpu.memory_space<vmem>>) target_semaphore(%arg15 : memref<!tpu.dma_semaphore, #tpu.memory_space<semaphore_mem>>)
    %dma_start3A_54 = arith.constant 0 : i32
    %dma_start3A_55 = tpu.memref_slice %arg5[%add3A, %dma_start3A_54] : memref<161280x128xf32, #tpu.memory_space<hbm>> -> memref<112x128xf32, #tpu.memory_space<hbm>>
    %dma_start3A_56 = arith.constant 0 : i32
    %dma_start3A_57 = tpu.memref_slice %arg5[%add3A, %dma_start3A_56] : memref<161280x128xf32, #tpu.memory_space<hbm>> -> memref<112x128xf32, #tpu.memory_space<hbm>>
    tpu.enqueue_dma source(%dma_start3A_57 : memref<112x128xf32, #tpu.memory_space<hbm>>) target(%arg13 : memref<112x128xf32, #tpu.memory_space<vmem>>) target_semaphore(%arg15 : memref<!tpu.dma_semaphore, #tpu.memory_space<semaphore_mem>>)
    %scan3A_58 = arith.constant 0 : i32
    %scan3A_59 = arith.constant 0 : i32
    %scan3A_60 = arith.constant 45 : i32
    %scan3A_61 = arith.addi %scan3A_59, %scan3A_60 : i32
    %scan3A_62 = arith.constant 1 : i32
    scf.for %scan3A_161 = %scan3A_59 to %scan3A_61 step %scan3A_62  : i32 {
      %jit3A_162 = arith.constant 2 : i32
      %eq3A = arith.constant 0 : i32
      %eq3A_163 = arith.cmpi eq, %jit3A_162, %eq3A : i32
      %jit3A_164 = arith.constant 1 : i32
      %select_n3A_165 = arith.select %eq3A_163, %jit3A_164, %jit3A_162 : i32
      %rem3A_166 = arith.remsi %scan3A_161, %select_n3A_165 : i32
      %ne3A_167 = arith.constant 0 : i32
      %ne3A_168 = arith.cmpi ne, %rem3A_166, %ne3A_167 : i32
      %lt3A = arith.constant 0 : i32
      %lt3A_169 = arith.cmpi slt, %rem3A_166, %lt3A : i32
      %lt3A_170 = arith.constant 0 : i32
      %lt3A_171 = arith.cmpi slt, %select_n3A_165, %lt3A_170 : i32
      %ne3A_172 = arith.xori %lt3A_169, %lt3A_171 : i1
      %and3A_173 = arith.andi %ne3A_172, %ne3A_168 : i1
      %add3A_174 = arith.addi %rem3A_166, %select_n3A_165 : i32
      %select_n3A_175 = arith.select %and3A_173, %add3A_174, %rem3A_166 : i32
      %eq3A_176 = arith.constant 0 : i32
      %eq3A_177 = arith.cmpi eq, %select_n3A_175, %eq3A_176 : i32
      %convert_element_type3A = arith.extui %eq3A_177 : i1 to i32
      %cond3A = arith.constant 0 : i32
      %cond3A_178 = arith.cmpi ne, %convert_element_type3A, %cond3A : i32
      scf.if %cond3A_178 {
        %mul3A_200 = arith.constant 112 : i32
        %mul3A_201 = arith.muli %scan3A_161, %mul3A_200 : i32
        %add3A_202 = arith.addi %add3A, %mul3A_201 : i32
        %dma_wait3A_203 = arith.constant 0 : i32
        %dma_wait3A_204 = arith.constant 0 : i32
        %dma_wait3A_205 = tpu.memref_slice %arg2[%select_n3A, %dma_wait3A_203, %dma_wait3A_204] : memref<1440x1x112xi32, #tpu.memory_space<hbm>> -> memref<1x1x112xi32, #tpu.memory_space<hbm>>
        %dma_wait3A_206 = tpu.memref_squeeze %dma_wait3A_205 : memref<1x1x112xi32, #tpu.memory_space<hbm>> -> memref<1x112xi32, #tpu.memory_space<hbm>>
        %dma_wait3A_207 = arith.constant 0 : i32
        %dma_wait3A_208 = arith.constant 0 : i32
        %dma_wait3A_209 = tpu.memref_slice %arg2[%select_n3A, %dma_wait3A_207, %dma_wait3A_208] : memref<1440x1x112xi32, #tpu.memory_space<hbm>> -> memref<1x1x112xi32, #tpu.memory_space<hbm>>
        %dma_wait3A_210 = tpu.memref_squeeze %dma_wait3A_209 : memref<1x1x112xi32, #tpu.memory_space<hbm>> -> memref<1x112xi32, #tpu.memory_space<hbm>>
        tpu.wait_dma2 semaphore(%arg15 : memref<!tpu.dma_semaphore, #tpu.memory_space<semaphore_mem>>) src(%dma_wait3A_210 : memref<1x112xi32, #tpu.memory_space<hbm>>) dst(%arg11 : memref<1x112xi32, #tpu.memory_space<vmem>>)
        %dma_wait3A_211 = arith.constant 0 : i32
        %dma_wait3A_212 = tpu.memref_slice %arg5[%add3A_202, %dma_wait3A_211] : memref<161280x128xf32, #tpu.memory_space<hbm>> -> memref<112x128xf32, #tpu.memory_space<hbm>>
        %dma_wait3A_213 = arith.constant 0 : i32
        %dma_wait3A_214 = tpu.memref_slice %arg5[%add3A_202, %dma_wait3A_213] : memref<161280x128xf32, #tpu.memory_space<hbm>> -> memref<112x128xf32, #tpu.memory_space<hbm>>
        tpu.wait_dma2 semaphore(%arg15 : memref<!tpu.dma_semaphore, #tpu.memory_space<semaphore_mem>>) src(%dma_wait3A_214 : memref<112x128xf32, #tpu.memory_space<hbm>>) dst(%arg13 : memref<112x128xf32, #tpu.memory_space<vmem>>)
        %ge3A = arith.constant 1 : i32
        %ge3A_215 = arith.cmpi sge, %scan3A_161, %ge3A : i32
        %convert_element_type3A_216 = arith.extui %ge3A_215 : i1 to i32
        %cond3A_217 = arith.constant 0 : i32
        %cond3A_218 = arith.cmpi ne, %convert_element_type3A_216, %cond3A_217 : i32
        scf.if %cond3A_218 {
          %dma_wait3A_233 = arith.constant 0 : i32
          %dma_wait3A_234 = arith.constant 0 : i32
          %dma_wait3A_235 = tpu.memref_slice %arg12[%dma_wait3A_233, %dma_wait3A_234] : memref<1x112xi32, #tpu.memory_space<vmem>> -> memref<1x112xi32, #tpu.memory_space<vmem>>
          %dma_wait3A_236 = tpu.memref_squeeze %dma_wait3A_235 : memref<1x112xi32, #tpu.memory_space<vmem>> -> memref<112xi32, #tpu.memory_space<vmem>>
          %dma_wait3A_237 = arith.constant 0 : i32
          %dma_wait3A_238 = arith.constant 0 : i32
          %dma_wait3A_239 = tpu.memref_slice %arg10[%dma_wait3A_237, %dma_wait3A_238] : memref<10112x128xf32, #tpu.memory_space<vmem_shared>> -> memref<10112x128xf32, #tpu.memory_space<vmem_shared>>
          tpu.wait_indirect_dma semaphore(%arg18 : memref<!tpu.dma_semaphore, #tpu.memory_space<semaphore_mem>>) src(%arg14 : memref<112x128xf32, #tpu.memory_space<vmem>>) dst(%dma_wait3A_239 : memref<10112x128xf32, #tpu.memory_space<vmem_shared>>)
        } else {
        }
        %add3A_219 = arith.constant 1 : i32
        %add3A_220 = arith.addi %scan3A_161, %add3A_219 : i32
        %lt3A_221 = arith.constant 45 : i32
        %lt3A_222 = arith.cmpi slt, %add3A_220, %lt3A_221 : i32
        %convert_element_type3A_223 = arith.extui %lt3A_222 : i1 to i32
        %cond3A_224 = arith.constant 0 : i32
        %cond3A_225 = arith.cmpi ne, %convert_element_type3A_223, %cond3A_224 : i32
        scf.if %cond3A_225 {
          %add3A_233 = arith.addi %select_n3A, %scan3A_161 : i32
          %add3A_234 = arith.constant 1 : i32
          %add3A_235 = arith.addi %add3A_233, %add3A_234 : i32
          %dma_start3A_236 = arith.constant 0 : i32
          %dma_start3A_237 = arith.constant 0 : i32
          %dma_start3A_238 = tpu.memref_slice %arg2[%add3A_235, %dma_start3A_236, %dma_start3A_237] : memref<1440x1x112xi32, #tpu.memory_space<hbm>> -> memref<1x1x112xi32, #tpu.memory_space<hbm>>
          %dma_start3A_239 = tpu.memref_squeeze %dma_start3A_238 : memref<1x1x112xi32, #tpu.memory_space<hbm>> -> memref<1x112xi32, #tpu.memory_space<hbm>>
          %dma_start3A_240 = arith.constant 0 : i32
          %dma_start3A_241 = arith.constant 0 : i32
          %dma_start3A_242 = tpu.memref_slice %arg2[%add3A_235, %dma_start3A_240, %dma_start3A_241] : memref<1440x1x112xi32, #tpu.memory_space<hbm>> -> memref<1x1x112xi32, #tpu.memory_space<hbm>>
          %dma_start3A_243 = tpu.memref_squeeze %dma_start3A_242 : memref<1x1x112xi32, #tpu.memory_space<hbm>> -> memref<1x112xi32, #tpu.memory_space<hbm>>
          tpu.enqueue_dma source(%dma_start3A_243 : memref<1x112xi32, #tpu.memory_space<hbm>>) target(%arg12 : memref<1x112xi32, #tpu.memory_space<vmem>>) target_semaphore(%arg16 : memref<!tpu.dma_semaphore, #tpu.memory_space<semaphore_mem>>)
          %add3A_244 = arith.constant 112 : i32
          %add3A_245 = arith.addi %add3A_202, %add3A_244 : i32
          %dma_start3A_246 = arith.constant 0 : i32
          %dma_start3A_247 = tpu.memref_slice %arg5[%add3A_245, %dma_start3A_246] : memref<161280x128xf32, #tpu.memory_space<hbm>> -> memref<112x128xf32, #tpu.memory_space<hbm>>
          %dma_start3A_248 = arith.constant 0 : i32
          %dma_start3A_249 = tpu.memref_slice %arg5[%add3A_245, %dma_start3A_248] : memref<161280x128xf32, #tpu.memory_space<hbm>> -> memref<112x128xf32, #tpu.memory_space<hbm>>
          tpu.enqueue_dma source(%dma_start3A_249 : memref<112x128xf32, #tpu.memory_space<hbm>>) target(%arg14 : memref<112x128xf32, #tpu.memory_space<vmem>>) target_semaphore(%arg16 : memref<!tpu.dma_semaphore, #tpu.memory_space<semaphore_mem>>)
        } else {
        }
        %dma_start3A_226 = arith.constant 0 : i32
        %dma_start3A_227 = arith.constant 0 : i32
        %dma_start3A_228 = tpu.memref_slice %arg11[%dma_start3A_226, %dma_start3A_227] : memref<1x112xi32, #tpu.memory_space<vmem>> -> memref<1x112xi32, #tpu.memory_space<vmem>>
        %dma_start3A_229 = tpu.memref_squeeze %dma_start3A_228 : memref<1x112xi32, #tpu.memory_space<vmem>> -> memref<112xi32, #tpu.memory_space<vmem>>
        %dma_start3A_230 = arith.constant 0 : i32
        %dma_start3A_231 = arith.constant 0 : i32
        %dma_start3A_232 = tpu.memref_slice %arg10[%dma_start3A_230, %dma_start3A_231] : memref<10112x128xf32, #tpu.memory_space<vmem_shared>> -> memref<10112x128xf32, #tpu.memory_space<vmem_shared>>
        tpu.enqueue_indirect_dma source(%arg13 : memref<112x128xf32, #tpu.memory_space<vmem>>) target(%dma_start3A_232 : memref<10112x128xf32, #tpu.memory_space<vmem_shared>>) offsets(%dma_start3A_229 : memref<112xi32, #tpu.memory_space<vmem>>) semaphore(%arg17 : memref<!tpu.dma_semaphore, #tpu.memory_space<semaphore_mem>>) {add = true}
      } else {
      }
      %jit3A_179 = arith.constant 2 : i32
      %eq3A_180 = arith.constant 0 : i32
      %eq3A_181 = arith.cmpi eq, %jit3A_179, %eq3A_180 : i32
      %jit3A_182 = arith.constant 1 : i32
      %select_n3A_183 = arith.select %eq3A_181, %jit3A_182, %jit3A_179 : i32
      %rem3A_184 = arith.remsi %scan3A_161, %select_n3A_183 : i32
      %ne3A_185 = arith.constant 0 : i32
      %ne3A_186 = arith.cmpi ne, %rem3A_184, %ne3A_185 : i32
      %lt3A_187 = arith.constant 0 : i32
      %lt3A_188 = arith.cmpi slt, %rem3A_184, %lt3A_187 : i32
      %lt3A_189 = arith.constant 0 : i32
      %lt3A_190 = arith.cmpi slt, %select_n3A_183, %lt3A_189 : i32
      %ne3A_191 = arith.xori %lt3A_188, %lt3A_190 : i1
      %and3A_192 = arith.andi %ne3A_191, %ne3A_186 : i1
      %add3A_193 = arith.addi %rem3A_184, %select_n3A_183 : i32
      %select_n3A_194 = arith.select %and3A_192, %add3A_193, %rem3A_184 : i32
      %eq3A_195 = arith.constant 1 : i32
      %eq3A_196 = arith.cmpi eq, %select_n3A_194, %eq3A_195 : i32
      %convert_element_type3A_197 = arith.extui %eq3A_196 : i1 to i32
      %cond3A_198 = arith.constant 0 : i32
      %cond3A_199 = arith.cmpi ne, %convert_element_type3A_197, %cond3A_198 : i32
      scf.if %cond3A_199 {
        %mul3A_200 = arith.constant 112 : i32
        %mul3A_201 = arith.muli %scan3A_161, %mul3A_200 : i32
        %add3A_202 = arith.addi %add3A, %mul3A_201 : i32
        %dma_wait3A_203 = arith.constant 0 : i32
        %dma_wait3A_204 = arith.constant 0 : i32
        %dma_wait3A_205 = tpu.memref_slice %arg2[%select_n3A, %dma_wait3A_203, %dma_wait3A_204] : memref<1440x1x112xi32, #tpu.memory_space<hbm>> -> memref<1x1x112xi32, #tpu.memory_space<hbm>>
        %dma_wait3A_206 = tpu.memref_squeeze %dma_wait3A_205 : memref<1x1x112xi32, #tpu.memory_space<hbm>> -> memref<1x112xi32, #tpu.memory_space<hbm>>
        %dma_wait3A_207 = arith.constant 0 : i32
        %dma_wait3A_208 = arith.constant 0 : i32
        %dma_wait3A_209 = tpu.memref_slice %arg2[%select_n3A, %dma_wait3A_207, %dma_wait3A_208] : memref<1440x1x112xi32, #tpu.memory_space<hbm>> -> memref<1x1x112xi32, #tpu.memory_space<hbm>>
        %dma_wait3A_210 = tpu.memref_squeeze %dma_wait3A_209 : memref<1x1x112xi32, #tpu.memory_space<hbm>> -> memref<1x112xi32, #tpu.memory_space<hbm>>
        tpu.wait_dma2 semaphore(%arg16 : memref<!tpu.dma_semaphore, #tpu.memory_space<semaphore_mem>>) src(%dma_wait3A_210 : memref<1x112xi32, #tpu.memory_space<hbm>>) dst(%arg12 : memref<1x112xi32, #tpu.memory_space<vmem>>)
        %dma_wait3A_211 = arith.constant 0 : i32
        %dma_wait3A_212 = tpu.memref_slice %arg5[%add3A_202, %dma_wait3A_211] : memref<161280x128xf32, #tpu.memory_space<hbm>> -> memref<112x128xf32, #tpu.memory_space<hbm>>
        %dma_wait3A_213 = arith.constant 0 : i32
        %dma_wait3A_214 = tpu.memref_slice %arg5[%add3A_202, %dma_wait3A_213] : memref<161280x128xf32, #tpu.memory_space<hbm>> -> memref<112x128xf32, #tpu.memory_space<hbm>>
        tpu.wait_dma2 semaphore(%arg16 : memref<!tpu.dma_semaphore, #tpu.memory_space<semaphore_mem>>) src(%dma_wait3A_214 : memref<112x128xf32, #tpu.memory_space<hbm>>) dst(%arg14 : memref<112x128xf32, #tpu.memory_space<vmem>>)
        %ge3A = arith.constant 1 : i32
        %ge3A_215 = arith.cmpi sge, %scan3A_161, %ge3A : i32
        %convert_element_type3A_216 = arith.extui %ge3A_215 : i1 to i32
        %cond3A_217 = arith.constant 0 : i32
        %cond3A_218 = arith.cmpi ne, %convert_element_type3A_216, %cond3A_217 : i32
        scf.if %cond3A_218 {
          %dma_wait3A_233 = arith.constant 0 : i32
          %dma_wait3A_234 = arith.constant 0 : i32
          %dma_wait3A_235 = tpu.memref_slice %arg11[%dma_wait3A_233, %dma_wait3A_234] : memref<1x112xi32, #tpu.memory_space<vmem>> -> memref<1x112xi32, #tpu.memory_space<vmem>>
          %dma_wait3A_236 = tpu.memref_squeeze %dma_wait3A_235 : memref<1x112xi32, #tpu.memory_space<vmem>> -> memref<112xi32, #tpu.memory_space<vmem>>
          %dma_wait3A_237 = arith.constant 0 : i32
          %dma_wait3A_238 = arith.constant 0 : i32
          %dma_wait3A_239 = tpu.memref_slice %arg10[%dma_wait3A_237, %dma_wait3A_238] : memref<10112x128xf32, #tpu.memory_space<vmem_shared>> -> memref<10112x128xf32, #tpu.memory_space<vmem_shared>>
          tpu.wait_indirect_dma semaphore(%arg17 : memref<!tpu.dma_semaphore, #tpu.memory_space<semaphore_mem>>) src(%arg13 : memref<112x128xf32, #tpu.memory_space<vmem>>) dst(%dma_wait3A_239 : memref<10112x128xf32, #tpu.memory_space<vmem_shared>>)
        } else {
        }
        %add3A_219 = arith.constant 1 : i32
        %add3A_220 = arith.addi %scan3A_161, %add3A_219 : i32
        %lt3A_221 = arith.constant 45 : i32
        %lt3A_222 = arith.cmpi slt, %add3A_220, %lt3A_221 : i32
        %convert_element_type3A_223 = arith.extui %lt3A_222 : i1 to i32
        %cond3A_224 = arith.constant 0 : i32
        %cond3A_225 = arith.cmpi ne, %convert_element_type3A_223, %cond3A_224 : i32
        scf.if %cond3A_225 {
          %add3A_233 = arith.addi %select_n3A, %scan3A_161 : i32
          %add3A_234 = arith.constant 1 : i32
          %add3A_235 = arith.addi %add3A_233, %add3A_234 : i32
          %dma_start3A_236 = arith.constant 0 : i32
          %dma_start3A_237 = arith.constant 0 : i32
          %dma_start3A_238 = tpu.memref_slice %arg2[%add3A_235, %dma_start3A_236, %dma_start3A_237] : memref<1440x1x112xi32, #tpu.memory_space<hbm>> -> memref<1x1x112xi32, #tpu.memory_space<hbm>>
          %dma_start3A_239 = tpu.memref_squeeze %dma_start3A_238 : memref<1x1x112xi32, #tpu.memory_space<hbm>> -> memref<1x112xi32, #tpu.memory_space<hbm>>
          %dma_start3A_240 = arith.constant 0 : i32
          %dma_start3A_241 = arith.constant 0 : i32
          %dma_start3A_242 = tpu.memref_slice %arg2[%add3A_235, %dma_start3A_240, %dma_start3A_241] : memref<1440x1x112xi32, #tpu.memory_space<hbm>> -> memref<1x1x112xi32, #tpu.memory_space<hbm>>
          %dma_start3A_243 = tpu.memref_squeeze %dma_start3A_242 : memref<1x1x112xi32, #tpu.memory_space<hbm>> -> memref<1x112xi32, #tpu.memory_space<hbm>>
          tpu.enqueue_dma source(%dma_start3A_243 : memref<1x112xi32, #tpu.memory_space<hbm>>) target(%arg11 : memref<1x112xi32, #tpu.memory_space<vmem>>) target_semaphore(%arg15 : memref<!tpu.dma_semaphore, #tpu.memory_space<semaphore_mem>>)
          %add3A_244 = arith.constant 112 : i32
          %add3A_245 = arith.addi %add3A_202, %add3A_244 : i32
          %dma_start3A_246 = arith.constant 0 : i32
          %dma_start3A_247 = tpu.memref_slice %arg5[%add3A_245, %dma_start3A_246] : memref<161280x128xf32, #tpu.memory_space<hbm>> -> memref<112x128xf32, #tpu.memory_space<hbm>>
          %dma_start3A_248 = arith.constant 0 : i32
          %dma_start3A_249 = tpu.memref_slice %arg5[%add3A_245, %dma_start3A_248] : memref<161280x128xf32, #tpu.memory_space<hbm>> -> memref<112x128xf32, #tpu.memory_space<hbm>>
          tpu.enqueue_dma source(%dma_start3A_249 : memref<112x128xf32, #tpu.memory_space<hbm>>) target(%arg13 : memref<112x128xf32, #tpu.memory_space<vmem>>) target_semaphore(%arg15 : memref<!tpu.dma_semaphore, #tpu.memory_space<semaphore_mem>>)
        } else {
        }
        %dma_start3A_226 = arith.constant 0 : i32
        %dma_start3A_227 = arith.constant 0 : i32
        %dma_start3A_228 = tpu.memref_slice %arg12[%dma_start3A_226, %dma_start3A_227] : memref<1x112xi32, #tpu.memory_space<vmem>> -> memref<1x112xi32, #tpu.memory_space<vmem>>
        %dma_start3A_229 = tpu.memref_squeeze %dma_start3A_228 : memref<1x112xi32, #tpu.memory_space<vmem>> -> memref<112xi32, #tpu.memory_space<vmem>>
        %dma_start3A_230 = arith.constant 0 : i32
        %dma_start3A_231 = arith.constant 0 : i32
        %dma_start3A_232 = tpu.memref_slice %arg10[%dma_start3A_230, %dma_start3A_231] : memref<10112x128xf32, #tpu.memory_space<vmem_shared>> -> memref<10112x128xf32, #tpu.memory_space<vmem_shared>>
        tpu.enqueue_indirect_dma source(%arg14 : memref<112x128xf32, #tpu.memory_space<vmem>>) target(%dma_start3A_232 : memref<10112x128xf32, #tpu.memory_space<vmem_shared>>) offsets(%dma_start3A_229 : memref<112xi32, #tpu.memory_space<vmem>>) semaphore(%arg18 : memref<!tpu.dma_semaphore, #tpu.memory_space<semaphore_mem>>) {add = true}
      } else {
      }
    }
    %scan3A_63 = arith.constant 45 : i32
    %dma_wait3A_64 = arith.constant 0 : i32
    %dma_wait3A_65 = arith.constant 0 : i32
    %dma_wait3A_66 = tpu.memref_slice %arg11[%dma_wait3A_64, %dma_wait3A_65] : memref<1x112xi32, #tpu.memory_space<vmem>> -> memref<1x112xi32, #tpu.memory_space<vmem>>
    %dma_wait3A_67 = tpu.memref_squeeze %dma_wait3A_66 : memref<1x112xi32, #tpu.memory_space<vmem>> -> memref<112xi32, #tpu.memory_space<vmem>>
    %dma_wait3A_68 = arith.constant 0 : i32
    %dma_wait3A_69 = arith.constant 0 : i32
    %dma_wait3A_70 = tpu.memref_slice %arg10[%dma_wait3A_68, %dma_wait3A_69] : memref<10112x128xf32, #tpu.memory_space<vmem_shared>> -> memref<10112x128xf32, #tpu.memory_space<vmem_shared>>
    tpu.wait_indirect_dma semaphore(%arg17 : memref<!tpu.dma_semaphore, #tpu.memory_space<semaphore_mem>>) src(%arg13 : memref<112x128xf32, #tpu.memory_space<vmem>>) dst(%dma_wait3A_70 : memref<10112x128xf32, #tpu.memory_space<vmem_shared>>)
    %barrier3A_71 = arith.constant 0 : index
    tpu.barrier barrier_id(%barrier3A_71)
    %run_scoped3A_72 = arith.constant 1 : i32
    "tpu.region"() ({
      %run_scoped3A_161 = tpu.sem_alloc : memref<!tpu.dma_semaphore, #tpu.memory_space<semaphore_mem>>
      %dma_start3A_162 = arith.constant 0 : i32
      %dma_start3A_163 = tpu.memref_slice %arg9[%arg0, %run_scoped3A_72, %mul3A_20, %dma_start3A_162] : memref<2x5x10112x128xf32, #tpu.memory_space<hbm>> -> memref<1x1x632x128xf32, #tpu.memory_space<hbm>>
      %dma_start3A_164 = tpu.memref_squeeze %dma_start3A_163 : memref<1x1x632x128xf32, #tpu.memory_space<hbm>> -> memref<632x128xf32, #tpu.memory_space<hbm>>
      %dma_start3A_165 = arith.constant 0 : i32
      %dma_start3A_166 = tpu.memref_slice %arg10[%mul3A_20, %dma_start3A_165] : memref<10112x128xf32, #tpu.memory_space<vmem_shared>> -> memref<632x128xf32, #tpu.memory_space<vmem_shared>>
      tpu.enqueue_dma source(%dma_start3A_166 : memref<632x128xf32, #tpu.memory_space<vmem_shared>>) target(%dma_start3A_164 : memref<632x128xf32, #tpu.memory_space<hbm>>) target_semaphore(%run_scoped3A_161 : memref<!tpu.dma_semaphore, #tpu.memory_space<semaphore_mem>>)
      %dma_wait3A_167 = arith.constant 0 : i32
      %dma_wait3A_168 = tpu.memref_slice %arg9[%arg0, %run_scoped3A_72, %mul3A_20, %dma_wait3A_167] : memref<2x5x10112x128xf32, #tpu.memory_space<hbm>> -> memref<1x1x632x128xf32, #tpu.memory_space<hbm>>
      %dma_wait3A_169 = tpu.memref_squeeze %dma_wait3A_168 : memref<1x1x632x128xf32, #tpu.memory_space<hbm>> -> memref<632x128xf32, #tpu.memory_space<hbm>>
      %dma_wait3A_170 = arith.constant 0 : i32
      %dma_wait3A_171 = tpu.memref_slice %arg10[%mul3A_20, %dma_wait3A_170] : memref<10112x128xf32, #tpu.memory_space<vmem_shared>> -> memref<632x128xf32, #tpu.memory_space<vmem_shared>>
      tpu.wait_dma2 semaphore(%run_scoped3A_161 : memref<!tpu.dma_semaphore, #tpu.memory_space<semaphore_mem>>) src(%dma_wait3A_171 : memref<632x128xf32, #tpu.memory_space<vmem_shared>>) dst(%dma_wait3A_169 : memref<632x128xf32, #tpu.memory_space<hbm>>)
      tpu.yield
    }) : () -> ()
    %barrier3A_73 = arith.constant 0 : index
    tpu.barrier barrier_id(%barrier3A_73)
    "tpu.region"() ({
      %run_scoped3A_161 = tpu.sem_alloc : memref<!tpu.dma_semaphore, #tpu.memory_space<semaphore_mem>>
      %dma_start3A_162 = arith.constant 0 : i32
      %dma_start3A_163 = tpu.memref_slice %arg10[%mul3A_20, %dma_start3A_162] : memref<10112x128xf32, #tpu.memory_space<vmem_shared>> -> memref<632x128xf32, #tpu.memory_space<vmem_shared>>
      %dma_start3A_164 = arith.constant 0 : i32
      %dma_start3A_165 = tpu.memref_slice %arg3[%mul3A_20, %dma_start3A_164] : memref<10112x128xf32, #tpu.memory_space<hbm>> -> memref<632x128xf32, #tpu.memory_space<hbm>>
      tpu.enqueue_dma source(%dma_start3A_165 : memref<632x128xf32, #tpu.memory_space<hbm>>) target(%dma_start3A_163 : memref<632x128xf32, #tpu.memory_space<vmem_shared>>) target_semaphore(%run_scoped3A_161 : memref<!tpu.dma_semaphore, #tpu.memory_space<semaphore_mem>>)
      %dma_wait3A_166 = arith.constant 0 : i32
      %dma_wait3A_167 = tpu.memref_slice %arg10[%mul3A_20, %dma_wait3A_166] : memref<10112x128xf32, #tpu.memory_space<vmem_shared>> -> memref<632x128xf32, #tpu.memory_space<vmem_shared>>
      %dma_wait3A_168 = arith.constant 0 : i32
      %dma_wait3A_169 = tpu.memref_slice %arg3[%mul3A_20, %dma_wait3A_168] : memref<10112x128xf32, #tpu.memory_space<hbm>> -> memref<632x128xf32, #tpu.memory_space<hbm>>
      tpu.wait_dma2 semaphore(%run_scoped3A_161 : memref<!tpu.dma_semaphore, #tpu.memory_space<semaphore_mem>>) src(%dma_wait3A_169 : memref<632x128xf32, #tpu.memory_space<hbm>>) dst(%dma_wait3A_167 : memref<632x128xf32, #tpu.memory_space<vmem_shared>>)
      tpu.yield
    }) : () -> ()
    %barrier3A_74 = arith.constant 0 : index
    tpu.barrier barrier_id(%barrier3A_74)
    %dma_start3A_75 = arith.constant 0 : i32
    %dma_start3A_76 = arith.constant 0 : i32
    %dma_start3A_77 = tpu.memref_slice %arg2[%select_n3A, %dma_start3A_75, %dma_start3A_76] : memref<1440x1x112xi32, #tpu.memory_space<hbm>> -> memref<1x1x112xi32, #tpu.memory_space<hbm>>
    %dma_start3A_78 = tpu.memref_squeeze %dma_start3A_77 : memref<1x1x112xi32, #tpu.memory_space<hbm>> -> memref<1x112xi32, #tpu.memory_space<hbm>>
    %dma_start3A_79 = arith.constant 0 : i32
    %dma_start3A_80 = arith.constant 0 : i32
    %dma_start3A_81 = tpu.memref_slice %arg2[%select_n3A, %dma_start3A_79, %dma_start3A_80] : memref<1440x1x112xi32, #tpu.memory_space<hbm>> -> memref<1x1x112xi32, #tpu.memory_space<hbm>>
    %dma_start3A_82 = tpu.memref_squeeze %dma_start3A_81 : memref<1x1x112xi32, #tpu.memory_space<hbm>> -> memref<1x112xi32, #tpu.memory_space<hbm>>
    tpu.enqueue_dma source(%dma_start3A_82 : memref<1x112xi32, #tpu.memory_space<hbm>>) target(%arg11 : memref<1x112xi32, #tpu.memory_space<vmem>>) target_semaphore(%arg15 : memref<!tpu.dma_semaphore, #tpu.memory_space<semaphore_mem>>)
    %dma_start3A_83 = arith.constant 0 : i32
    %dma_start3A_84 = tpu.memref_slice %arg6[%add3A, %dma_start3A_83] : memref<161280x128xf32, #tpu.memory_space<hbm>> -> memref<112x128xf32, #tpu.memory_space<hbm>>
    %dma_start3A_85 = arith.constant 0 : i32
    %dma_start3A_86 = tpu.memref_slice %arg6[%add3A, %dma_start3A_85] : memref<161280x128xf32, #tpu.memory_space<hbm>> -> memref<112x128xf32, #tpu.memory_space<hbm>>
    tpu.enqueue_dma source(%dma_start3A_86 : memref<112x128xf32, #tpu.memory_space<hbm>>) target(%arg13 : memref<112x128xf32, #tpu.memory_space<vmem>>) target_semaphore(%arg15 : memref<!tpu.dma_semaphore, #tpu.memory_space<semaphore_mem>>)
    %scan3A_87 = arith.constant 0 : i32
    %scan3A_88 = arith.constant 0 : i32
    %scan3A_89 = arith.constant 45 : i32
    %scan3A_90 = arith.addi %scan3A_88, %scan3A_89 : i32
    %scan3A_91 = arith.constant 1 : i32
    scf.for %scan3A_161 = %scan3A_88 to %scan3A_90 step %scan3A_91  : i32 {
      %jit3A_162 = arith.constant 2 : i32
      %eq3A = arith.constant 0 : i32
      %eq3A_163 = arith.cmpi eq, %jit3A_162, %eq3A : i32
      %jit3A_164 = arith.constant 1 : i32
      %select_n3A_165 = arith.select %eq3A_163, %jit3A_164, %jit3A_162 : i32
      %rem3A_166 = arith.remsi %scan3A_161, %select_n3A_165 : i32
      %ne3A_167 = arith.constant 0 : i32
      %ne3A_168 = arith.cmpi ne, %rem3A_166, %ne3A_167 : i32
      %lt3A = arith.constant 0 : i32
      %lt3A_169 = arith.cmpi slt, %rem3A_166, %lt3A : i32
      %lt3A_170 = arith.constant 0 : i32
      %lt3A_171 = arith.cmpi slt, %select_n3A_165, %lt3A_170 : i32
      %ne3A_172 = arith.xori %lt3A_169, %lt3A_171 : i1
      %and3A_173 = arith.andi %ne3A_172, %ne3A_168 : i1
      %add3A_174 = arith.addi %rem3A_166, %select_n3A_165 : i32
      %select_n3A_175 = arith.select %and3A_173, %add3A_174, %rem3A_166 : i32
      %eq3A_176 = arith.constant 0 : i32
      %eq3A_177 = arith.cmpi eq, %select_n3A_175, %eq3A_176 : i32
      %convert_element_type3A = arith.extui %eq3A_177 : i1 to i32
      %cond3A = arith.constant 0 : i32
      %cond3A_178 = arith.cmpi ne, %convert_element_type3A, %cond3A : i32
      scf.if %cond3A_178 {
        %mul3A_200 = arith.constant 112 : i32
        %mul3A_201 = arith.muli %scan3A_161, %mul3A_200 : i32
        %add3A_202 = arith.addi %add3A, %mul3A_201 : i32
        %dma_wait3A_203 = arith.constant 0 : i32
        %dma_wait3A_204 = arith.constant 0 : i32
        %dma_wait3A_205 = tpu.memref_slice %arg2[%select_n3A, %dma_wait3A_203, %dma_wait3A_204] : memref<1440x1x112xi32, #tpu.memory_space<hbm>> -> memref<1x1x112xi32, #tpu.memory_space<hbm>>
        %dma_wait3A_206 = tpu.memref_squeeze %dma_wait3A_205 : memref<1x1x112xi32, #tpu.memory_space<hbm>> -> memref<1x112xi32, #tpu.memory_space<hbm>>
        %dma_wait3A_207 = arith.constant 0 : i32
        %dma_wait3A_208 = arith.constant 0 : i32
        %dma_wait3A_209 = tpu.memref_slice %arg2[%select_n3A, %dma_wait3A_207, %dma_wait3A_208] : memref<1440x1x112xi32, #tpu.memory_space<hbm>> -> memref<1x1x112xi32, #tpu.memory_space<hbm>>
        %dma_wait3A_210 = tpu.memref_squeeze %dma_wait3A_209 : memref<1x1x112xi32, #tpu.memory_space<hbm>> -> memref<1x112xi32, #tpu.memory_space<hbm>>
        tpu.wait_dma2 semaphore(%arg15 : memref<!tpu.dma_semaphore, #tpu.memory_space<semaphore_mem>>) src(%dma_wait3A_210 : memref<1x112xi32, #tpu.memory_space<hbm>>) dst(%arg11 : memref<1x112xi32, #tpu.memory_space<vmem>>)
        %dma_wait3A_211 = arith.constant 0 : i32
        %dma_wait3A_212 = tpu.memref_slice %arg6[%add3A_202, %dma_wait3A_211] : memref<161280x128xf32, #tpu.memory_space<hbm>> -> memref<112x128xf32, #tpu.memory_space<hbm>>
        %dma_wait3A_213 = arith.constant 0 : i32
        %dma_wait3A_214 = tpu.memref_slice %arg6[%add3A_202, %dma_wait3A_213] : memref<161280x128xf32, #tpu.memory_space<hbm>> -> memref<112x128xf32, #tpu.memory_space<hbm>>
        tpu.wait_dma2 semaphore(%arg15 : memref<!tpu.dma_semaphore, #tpu.memory_space<semaphore_mem>>) src(%dma_wait3A_214 : memref<112x128xf32, #tpu.memory_space<hbm>>) dst(%arg13 : memref<112x128xf32, #tpu.memory_space<vmem>>)
        %ge3A = arith.constant 1 : i32
        %ge3A_215 = arith.cmpi sge, %scan3A_161, %ge3A : i32
        %convert_element_type3A_216 = arith.extui %ge3A_215 : i1 to i32
        %cond3A_217 = arith.constant 0 : i32
        %cond3A_218 = arith.cmpi ne, %convert_element_type3A_216, %cond3A_217 : i32
        scf.if %cond3A_218 {
          %dma_wait3A_233 = arith.constant 0 : i32
          %dma_wait3A_234 = arith.constant 0 : i32
          %dma_wait3A_235 = tpu.memref_slice %arg12[%dma_wait3A_233, %dma_wait3A_234] : memref<1x112xi32, #tpu.memory_space<vmem>> -> memref<1x112xi32, #tpu.memory_space<vmem>>
          %dma_wait3A_236 = tpu.memref_squeeze %dma_wait3A_235 : memref<1x112xi32, #tpu.memory_space<vmem>> -> memref<112xi32, #tpu.memory_space<vmem>>
          %dma_wait3A_237 = arith.constant 0 : i32
          %dma_wait3A_238 = arith.constant 0 : i32
          %dma_wait3A_239 = tpu.memref_slice %arg10[%dma_wait3A_237, %dma_wait3A_238] : memref<10112x128xf32, #tpu.memory_space<vmem_shared>> -> memref<10112x128xf32, #tpu.memory_space<vmem_shared>>
          tpu.wait_indirect_dma semaphore(%arg18 : memref<!tpu.dma_semaphore, #tpu.memory_space<semaphore_mem>>) src(%arg14 : memref<112x128xf32, #tpu.memory_space<vmem>>) dst(%dma_wait3A_239 : memref<10112x128xf32, #tpu.memory_space<vmem_shared>>)
        } else {
        }
        %add3A_219 = arith.constant 1 : i32
        %add3A_220 = arith.addi %scan3A_161, %add3A_219 : i32
        %lt3A_221 = arith.constant 45 : i32
        %lt3A_222 = arith.cmpi slt, %add3A_220, %lt3A_221 : i32
        %convert_element_type3A_223 = arith.extui %lt3A_222 : i1 to i32
        %cond3A_224 = arith.constant 0 : i32
        %cond3A_225 = arith.cmpi ne, %convert_element_type3A_223, %cond3A_224 : i32
        scf.if %cond3A_225 {
          %add3A_233 = arith.addi %select_n3A, %scan3A_161 : i32
          %add3A_234 = arith.constant 1 : i32
          %add3A_235 = arith.addi %add3A_233, %add3A_234 : i32
          %dma_start3A_236 = arith.constant 0 : i32
          %dma_start3A_237 = arith.constant 0 : i32
          %dma_start3A_238 = tpu.memref_slice %arg2[%add3A_235, %dma_start3A_236, %dma_start3A_237] : memref<1440x1x112xi32, #tpu.memory_space<hbm>> -> memref<1x1x112xi32, #tpu.memory_space<hbm>>
          %dma_start3A_239 = tpu.memref_squeeze %dma_start3A_238 : memref<1x1x112xi32, #tpu.memory_space<hbm>> -> memref<1x112xi32, #tpu.memory_space<hbm>>
          %dma_start3A_240 = arith.constant 0 : i32
          %dma_start3A_241 = arith.constant 0 : i32
          %dma_start3A_242 = tpu.memref_slice %arg2[%add3A_235, %dma_start3A_240, %dma_start3A_241] : memref<1440x1x112xi32, #tpu.memory_space<hbm>> -> memref<1x1x112xi32, #tpu.memory_space<hbm>>
          %dma_start3A_243 = tpu.memref_squeeze %dma_start3A_242 : memref<1x1x112xi32, #tpu.memory_space<hbm>> -> memref<1x112xi32, #tpu.memory_space<hbm>>
          tpu.enqueue_dma source(%dma_start3A_243 : memref<1x112xi32, #tpu.memory_space<hbm>>) target(%arg12 : memref<1x112xi32, #tpu.memory_space<vmem>>) target_semaphore(%arg16 : memref<!tpu.dma_semaphore, #tpu.memory_space<semaphore_mem>>)
          %add3A_244 = arith.constant 112 : i32
          %add3A_245 = arith.addi %add3A_202, %add3A_244 : i32
          %dma_start3A_246 = arith.constant 0 : i32
          %dma_start3A_247 = tpu.memref_slice %arg6[%add3A_245, %dma_start3A_246] : memref<161280x128xf32, #tpu.memory_space<hbm>> -> memref<112x128xf32, #tpu.memory_space<hbm>>
          %dma_start3A_248 = arith.constant 0 : i32
          %dma_start3A_249 = tpu.memref_slice %arg6[%add3A_245, %dma_start3A_248] : memref<161280x128xf32, #tpu.memory_space<hbm>> -> memref<112x128xf32, #tpu.memory_space<hbm>>
          tpu.enqueue_dma source(%dma_start3A_249 : memref<112x128xf32, #tpu.memory_space<hbm>>) target(%arg14 : memref<112x128xf32, #tpu.memory_space<vmem>>) target_semaphore(%arg16 : memref<!tpu.dma_semaphore, #tpu.memory_space<semaphore_mem>>)
        } else {
        }
        %dma_start3A_226 = arith.constant 0 : i32
        %dma_start3A_227 = arith.constant 0 : i32
        %dma_start3A_228 = tpu.memref_slice %arg11[%dma_start3A_226, %dma_start3A_227] : memref<1x112xi32, #tpu.memory_space<vmem>> -> memref<1x112xi32, #tpu.memory_space<vmem>>
        %dma_start3A_229 = tpu.memref_squeeze %dma_start3A_228 : memref<1x112xi32, #tpu.memory_space<vmem>> -> memref<112xi32, #tpu.memory_space<vmem>>
        %dma_start3A_230 = arith.constant 0 : i32
        %dma_start3A_231 = arith.constant 0 : i32
        %dma_start3A_232 = tpu.memref_slice %arg10[%dma_start3A_230, %dma_start3A_231] : memref<10112x128xf32, #tpu.memory_space<vmem_shared>> -> memref<10112x128xf32, #tpu.memory_space<vmem_shared>>
        tpu.enqueue_indirect_dma source(%arg13 : memref<112x128xf32, #tpu.memory_space<vmem>>) target(%dma_start3A_232 : memref<10112x128xf32, #tpu.memory_space<vmem_shared>>) offsets(%dma_start3A_229 : memref<112xi32, #tpu.memory_space<vmem>>) semaphore(%arg17 : memref<!tpu.dma_semaphore, #tpu.memory_space<semaphore_mem>>) {add = true}
      } else {
      }
      %jit3A_179 = arith.constant 2 : i32
      %eq3A_180 = arith.constant 0 : i32
      %eq3A_181 = arith.cmpi eq, %jit3A_179, %eq3A_180 : i32
      %jit3A_182 = arith.constant 1 : i32
      %select_n3A_183 = arith.select %eq3A_181, %jit3A_182, %jit3A_179 : i32
      %rem3A_184 = arith.remsi %scan3A_161, %select_n3A_183 : i32
      %ne3A_185 = arith.constant 0 : i32
      %ne3A_186 = arith.cmpi ne, %rem3A_184, %ne3A_185 : i32
      %lt3A_187 = arith.constant 0 : i32
      %lt3A_188 = arith.cmpi slt, %rem3A_184, %lt3A_187 : i32
      %lt3A_189 = arith.constant 0 : i32
      %lt3A_190 = arith.cmpi slt, %select_n3A_183, %lt3A_189 : i32
      %ne3A_191 = arith.xori %lt3A_188, %lt3A_190 : i1
      %and3A_192 = arith.andi %ne3A_191, %ne3A_186 : i1
      %add3A_193 = arith.addi %rem3A_184, %select_n3A_183 : i32
      %select_n3A_194 = arith.select %and3A_192, %add3A_193, %rem3A_184 : i32
      %eq3A_195 = arith.constant 1 : i32
      %eq3A_196 = arith.cmpi eq, %select_n3A_194, %eq3A_195 : i32
      %convert_element_type3A_197 = arith.extui %eq3A_196 : i1 to i32
      %cond3A_198 = arith.constant 0 : i32
      %cond3A_199 = arith.cmpi ne, %convert_element_type3A_197, %cond3A_198 : i32
      scf.if %cond3A_199 {
        %mul3A_200 = arith.constant 112 : i32
        %mul3A_201 = arith.muli %scan3A_161, %mul3A_200 : i32
        %add3A_202 = arith.addi %add3A, %mul3A_201 : i32
        %dma_wait3A_203 = arith.constant 0 : i32
        %dma_wait3A_204 = arith.constant 0 : i32
        %dma_wait3A_205 = tpu.memref_slice %arg2[%select_n3A, %dma_wait3A_203, %dma_wait3A_204] : memref<1440x1x112xi32, #tpu.memory_space<hbm>> -> memref<1x1x112xi32, #tpu.memory_space<hbm>>
        %dma_wait3A_206 = tpu.memref_squeeze %dma_wait3A_205 : memref<1x1x112xi32, #tpu.memory_space<hbm>> -> memref<1x112xi32, #tpu.memory_space<hbm>>
        %dma_wait3A_207 = arith.constant 0 : i32
        %dma_wait3A_208 = arith.constant 0 : i32
        %dma_wait3A_209 = tpu.memref_slice %arg2[%select_n3A, %dma_wait3A_207, %dma_wait3A_208] : memref<1440x1x112xi32, #tpu.memory_space<hbm>> -> memref<1x1x112xi32, #tpu.memory_space<hbm>>
        %dma_wait3A_210 = tpu.memref_squeeze %dma_wait3A_209 : memref<1x1x112xi32, #tpu.memory_space<hbm>> -> memref<1x112xi32, #tpu.memory_space<hbm>>
        tpu.wait_dma2 semaphore(%arg16 : memref<!tpu.dma_semaphore, #tpu.memory_space<semaphore_mem>>) src(%dma_wait3A_210 : memref<1x112xi32, #tpu.memory_space<hbm>>) dst(%arg12 : memref<1x112xi32, #tpu.memory_space<vmem>>)
        %dma_wait3A_211 = arith.constant 0 : i32
        %dma_wait3A_212 = tpu.memref_slice %arg6[%add3A_202, %dma_wait3A_211] : memref<161280x128xf32, #tpu.memory_space<hbm>> -> memref<112x128xf32, #tpu.memory_space<hbm>>
        %dma_wait3A_213 = arith.constant 0 : i32
        %dma_wait3A_214 = tpu.memref_slice %arg6[%add3A_202, %dma_wait3A_213] : memref<161280x128xf32, #tpu.memory_space<hbm>> -> memref<112x128xf32, #tpu.memory_space<hbm>>
        tpu.wait_dma2 semaphore(%arg16 : memref<!tpu.dma_semaphore, #tpu.memory_space<semaphore_mem>>) src(%dma_wait3A_214 : memref<112x128xf32, #tpu.memory_space<hbm>>) dst(%arg14 : memref<112x128xf32, #tpu.memory_space<vmem>>)
        %ge3A = arith.constant 1 : i32
        %ge3A_215 = arith.cmpi sge, %scan3A_161, %ge3A : i32
        %convert_element_type3A_216 = arith.extui %ge3A_215 : i1 to i32
        %cond3A_217 = arith.constant 0 : i32
        %cond3A_218 = arith.cmpi ne, %convert_element_type3A_216, %cond3A_217 : i32
        scf.if %cond3A_218 {
          %dma_wait3A_233 = arith.constant 0 : i32
          %dma_wait3A_234 = arith.constant 0 : i32
          %dma_wait3A_235 = tpu.memref_slice %arg11[%dma_wait3A_233, %dma_wait3A_234] : memref<1x112xi32, #tpu.memory_space<vmem>> -> memref<1x112xi32, #tpu.memory_space<vmem>>
          %dma_wait3A_236 = tpu.memref_squeeze %dma_wait3A_235 : memref<1x112xi32, #tpu.memory_space<vmem>> -> memref<112xi32, #tpu.memory_space<vmem>>
          %dma_wait3A_237 = arith.constant 0 : i32
          %dma_wait3A_238 = arith.constant 0 : i32
          %dma_wait3A_239 = tpu.memref_slice %arg10[%dma_wait3A_237, %dma_wait3A_238] : memref<10112x128xf32, #tpu.memory_space<vmem_shared>> -> memref<10112x128xf32, #tpu.memory_space<vmem_shared>>
          tpu.wait_indirect_dma semaphore(%arg17 : memref<!tpu.dma_semaphore, #tpu.memory_space<semaphore_mem>>) src(%arg13 : memref<112x128xf32, #tpu.memory_space<vmem>>) dst(%dma_wait3A_239 : memref<10112x128xf32, #tpu.memory_space<vmem_shared>>)
        } else {
        }
        %add3A_219 = arith.constant 1 : i32
        %add3A_220 = arith.addi %scan3A_161, %add3A_219 : i32
        %lt3A_221 = arith.constant 45 : i32
        %lt3A_222 = arith.cmpi slt, %add3A_220, %lt3A_221 : i32
        %convert_element_type3A_223 = arith.extui %lt3A_222 : i1 to i32
        %cond3A_224 = arith.constant 0 : i32
        %cond3A_225 = arith.cmpi ne, %convert_element_type3A_223, %cond3A_224 : i32
        scf.if %cond3A_225 {
          %add3A_233 = arith.addi %select_n3A, %scan3A_161 : i32
          %add3A_234 = arith.constant 1 : i32
          %add3A_235 = arith.addi %add3A_233, %add3A_234 : i32
          %dma_start3A_236 = arith.constant 0 : i32
          %dma_start3A_237 = arith.constant 0 : i32
          %dma_start3A_238 = tpu.memref_slice %arg2[%add3A_235, %dma_start3A_236, %dma_start3A_237] : memref<1440x1x112xi32, #tpu.memory_space<hbm>> -> memref<1x1x112xi32, #tpu.memory_space<hbm>>
          %dma_start3A_239 = tpu.memref_squeeze %dma_start3A_238 : memref<1x1x112xi32, #tpu.memory_space<hbm>> -> memref<1x112xi32, #tpu.memory_space<hbm>>
          %dma_start3A_240 = arith.constant 0 : i32
          %dma_start3A_241 = arith.constant 0 : i32
          %dma_start3A_242 = tpu.memref_slice %arg2[%add3A_235, %dma_start3A_240, %dma_start3A_241] : memref<1440x1x112xi32, #tpu.memory_space<hbm>> -> memref<1x1x112xi32, #tpu.memory_space<hbm>>
          %dma_start3A_243 = tpu.memref_squeeze %dma_start3A_242 : memref<1x1x112xi32, #tpu.memory_space<hbm>> -> memref<1x112xi32, #tpu.memory_space<hbm>>
          tpu.enqueue_dma source(%dma_start3A_243 : memref<1x112xi32, #tpu.memory_space<hbm>>) target(%arg11 : memref<1x112xi32, #tpu.memory_space<vmem>>) target_semaphore(%arg15 : memref<!tpu.dma_semaphore, #tpu.memory_space<semaphore_mem>>)
          %add3A_244 = arith.constant 112 : i32
          %add3A_245 = arith.addi %add3A_202, %add3A_244 : i32
          %dma_start3A_246 = arith.constant 0 : i32
          %dma_start3A_247 = tpu.memref_slice %arg6[%add3A_245, %dma_start3A_246] : memref<161280x128xf32, #tpu.memory_space<hbm>> -> memref<112x128xf32, #tpu.memory_space<hbm>>
          %dma_start3A_248 = arith.constant 0 : i32
          %dma_start3A_249 = tpu.memref_slice %arg6[%add3A_245, %dma_start3A_248] : memref<161280x128xf32, #tpu.memory_space<hbm>> -> memref<112x128xf32, #tpu.memory_space<hbm>>
          tpu.enqueue_dma source(%dma_start3A_249 : memref<112x128xf32, #tpu.memory_space<hbm>>) target(%arg13 : memref<112x128xf32, #tpu.memory_space<vmem>>) target_semaphore(%arg15 : memref<!tpu.dma_semaphore, #tpu.memory_space<semaphore_mem>>)
        } else {
        }
        %dma_start3A_226 = arith.constant 0 : i32
        %dma_start3A_227 = arith.constant 0 : i32
        %dma_start3A_228 = tpu.memref_slice %arg12[%dma_start3A_226, %dma_start3A_227] : memref<1x112xi32, #tpu.memory_space<vmem>> -> memref<1x112xi32, #tpu.memory_space<vmem>>
        %dma_start3A_229 = tpu.memref_squeeze %dma_start3A_228 : memref<1x112xi32, #tpu.memory_space<vmem>> -> memref<112xi32, #tpu.memory_space<vmem>>
        %dma_start3A_230 = arith.constant 0 : i32
        %dma_start3A_231 = arith.constant 0 : i32
        %dma_start3A_232 = tpu.memref_slice %arg10[%dma_start3A_230, %dma_start3A_231] : memref<10112x128xf32, #tpu.memory_space<vmem_shared>> -> memref<10112x128xf32, #tpu.memory_space<vmem_shared>>
        tpu.enqueue_indirect_dma source(%arg14 : memref<112x128xf32, #tpu.memory_space<vmem>>) target(%dma_start3A_232 : memref<10112x128xf32, #tpu.memory_space<vmem_shared>>) offsets(%dma_start3A_229 : memref<112xi32, #tpu.memory_space<vmem>>) semaphore(%arg18 : memref<!tpu.dma_semaphore, #tpu.memory_space<semaphore_mem>>) {add = true}
      } else {
      }
    }
    %scan3A_92 = arith.constant 45 : i32
    %dma_wait3A_93 = arith.constant 0 : i32
    %dma_wait3A_94 = arith.constant 0 : i32
    %dma_wait3A_95 = tpu.memref_slice %arg11[%dma_wait3A_93, %dma_wait3A_94] : memref<1x112xi32, #tpu.memory_space<vmem>> -> memref<1x112xi32, #tpu.memory_space<vmem>>
    %dma_wait3A_96 = tpu.memref_squeeze %dma_wait3A_95 : memref<1x112xi32, #tpu.memory_space<vmem>> -> memref<112xi32, #tpu.memory_space<vmem>>
    %dma_wait3A_97 = arith.constant 0 : i32
    %dma_wait3A_98 = arith.constant 0 : i32
    %dma_wait3A_99 = tpu.memref_slice %arg10[%dma_wait3A_97, %dma_wait3A_98] : memref<10112x128xf32, #tpu.memory_space<vmem_shared>> -> memref<10112x128xf32, #tpu.memory_space<vmem_shared>>
    tpu.wait_indirect_dma semaphore(%arg17 : memref<!tpu.dma_semaphore, #tpu.memory_space<semaphore_mem>>) src(%arg13 : memref<112x128xf32, #tpu.memory_space<vmem>>) dst(%dma_wait3A_99 : memref<10112x128xf32, #tpu.memory_space<vmem_shared>>)
    %barrier3A_100 = arith.constant 0 : index
    tpu.barrier barrier_id(%barrier3A_100)
    %run_scoped3A_101 = arith.constant 2 : i32
    "tpu.region"() ({
      %run_scoped3A_161 = tpu.sem_alloc : memref<!tpu.dma_semaphore, #tpu.memory_space<semaphore_mem>>
      %dma_start3A_162 = arith.constant 0 : i32
      %dma_start3A_163 = tpu.memref_slice %arg9[%arg0, %run_scoped3A_101, %mul3A_20, %dma_start3A_162] : memref<2x5x10112x128xf32, #tpu.memory_space<hbm>> -> memref<1x1x632x128xf32, #tpu.memory_space<hbm>>
      %dma_start3A_164 = tpu.memref_squeeze %dma_start3A_163 : memref<1x1x632x128xf32, #tpu.memory_space<hbm>> -> memref<632x128xf32, #tpu.memory_space<hbm>>
      %dma_start3A_165 = arith.constant 0 : i32
      %dma_start3A_166 = tpu.memref_slice %arg10[%mul3A_20, %dma_start3A_165] : memref<10112x128xf32, #tpu.memory_space<vmem_shared>> -> memref<632x128xf32, #tpu.memory_space<vmem_shared>>
      tpu.enqueue_dma source(%dma_start3A_166 : memref<632x128xf32, #tpu.memory_space<vmem_shared>>) target(%dma_start3A_164 : memref<632x128xf32, #tpu.memory_space<hbm>>) target_semaphore(%run_scoped3A_161 : memref<!tpu.dma_semaphore, #tpu.memory_space<semaphore_mem>>)
      %dma_wait3A_167 = arith.constant 0 : i32
      %dma_wait3A_168 = tpu.memref_slice %arg9[%arg0, %run_scoped3A_101, %mul3A_20, %dma_wait3A_167] : memref<2x5x10112x128xf32, #tpu.memory_space<hbm>> -> memref<1x1x632x128xf32, #tpu.memory_space<hbm>>
      %dma_wait3A_169 = tpu.memref_squeeze %dma_wait3A_168 : memref<1x1x632x128xf32, #tpu.memory_space<hbm>> -> memref<632x128xf32, #tpu.memory_space<hbm>>
      %dma_wait3A_170 = arith.constant 0 : i32
      %dma_wait3A_171 = tpu.memref_slice %arg10[%mul3A_20, %dma_wait3A_170] : memref<10112x128xf32, #tpu.memory_space<vmem_shared>> -> memref<632x128xf32, #tpu.memory_space<vmem_shared>>
      tpu.wait_dma2 semaphore(%run_scoped3A_161 : memref<!tpu.dma_semaphore, #tpu.memory_space<semaphore_mem>>) src(%dma_wait3A_171 : memref<632x128xf32, #tpu.memory_space<vmem_shared>>) dst(%dma_wait3A_169 : memref<632x128xf32, #tpu.memory_space<hbm>>)
      tpu.yield
    }) : () -> ()
    %barrier3A_102 = arith.constant 0 : index
    tpu.barrier barrier_id(%barrier3A_102)
    "tpu.region"() ({
      %run_scoped3A_161 = tpu.sem_alloc : memref<!tpu.dma_semaphore, #tpu.memory_space<semaphore_mem>>
      %dma_start3A_162 = arith.constant 0 : i32
      %dma_start3A_163 = tpu.memref_slice %arg10[%mul3A_20, %dma_start3A_162] : memref<10112x128xf32, #tpu.memory_space<vmem_shared>> -> memref<632x128xf32, #tpu.memory_space<vmem_shared>>
      %dma_start3A_164 = arith.constant 0 : i32
      %dma_start3A_165 = tpu.memref_slice %arg3[%mul3A_20, %dma_start3A_164] : memref<10112x128xf32, #tpu.memory_space<hbm>> -> memref<632x128xf32, #tpu.memory_space<hbm>>
      tpu.enqueue_dma source(%dma_start3A_165 : memref<632x128xf32, #tpu.memory_space<hbm>>) target(%dma_start3A_163 : memref<632x128xf32, #tpu.memory_space<vmem_shared>>) target_semaphore(%run_scoped3A_161 : memref<!tpu.dma_semaphore, #tpu.memory_space<semaphore_mem>>)
      %dma_wait3A_166 = arith.constant 0 : i32
      %dma_wait3A_167 = tpu.memref_slice %arg10[%mul3A_20, %dma_wait3A_166] : memref<10112x128xf32, #tpu.memory_space<vmem_shared>> -> memref<632x128xf32, #tpu.memory_space<vmem_shared>>
      %dma_wait3A_168 = arith.constant 0 : i32
      %dma_wait3A_169 = tpu.memref_slice %arg3[%mul3A_20, %dma_wait3A_168] : memref<10112x128xf32, #tpu.memory_space<hbm>> -> memref<632x128xf32, #tpu.memory_space<hbm>>
      tpu.wait_dma2 semaphore(%run_scoped3A_161 : memref<!tpu.dma_semaphore, #tpu.memory_space<semaphore_mem>>) src(%dma_wait3A_169 : memref<632x128xf32, #tpu.memory_space<hbm>>) dst(%dma_wait3A_167 : memref<632x128xf32, #tpu.memory_space<vmem_shared>>)
      tpu.yield
    }) : () -> ()
    %barrier3A_103 = arith.constant 0 : index
    tpu.barrier barrier_id(%barrier3A_103)
    %dma_start3A_104 = arith.constant 0 : i32
    %dma_start3A_105 = arith.constant 0 : i32
    %dma_start3A_106 = tpu.memref_slice %arg2[%select_n3A, %dma_start3A_104, %dma_start3A_105] : memref<1440x1x112xi32, #tpu.memory_space<hbm>> -> memref<1x1x112xi32, #tpu.memory_space<hbm>>
    %dma_start3A_107 = tpu.memref_squeeze %dma_start3A_106 : memref<1x1x112xi32, #tpu.memory_space<hbm>> -> memref<1x112xi32, #tpu.memory_space<hbm>>
    %dma_start3A_108 = arith.constant 0 : i32
    %dma_start3A_109 = arith.constant 0 : i32
    %dma_start3A_110 = tpu.memref_slice %arg2[%select_n3A, %dma_start3A_108, %dma_start3A_109] : memref<1440x1x112xi32, #tpu.memory_space<hbm>> -> memref<1x1x112xi32, #tpu.memory_space<hbm>>
    %dma_start3A_111 = tpu.memref_squeeze %dma_start3A_110 : memref<1x1x112xi32, #tpu.memory_space<hbm>> -> memref<1x112xi32, #tpu.memory_space<hbm>>
    tpu.enqueue_dma source(%dma_start3A_111 : memref<1x112xi32, #tpu.memory_space<hbm>>) target(%arg11 : memref<1x112xi32, #tpu.memory_space<vmem>>) target_semaphore(%arg15 : memref<!tpu.dma_semaphore, #tpu.memory_space<semaphore_mem>>)
    %dma_start3A_112 = arith.constant 0 : i32
    %dma_start3A_113 = tpu.memref_slice %arg7[%add3A, %dma_start3A_112] : memref<161280x128xf32, #tpu.memory_space<hbm>> -> memref<112x128xf32, #tpu.memory_space<hbm>>
    %dma_start3A_114 = arith.constant 0 : i32
    %dma_start3A_115 = tpu.memref_slice %arg7[%add3A, %dma_start3A_114] : memref<161280x128xf32, #tpu.memory_space<hbm>> -> memref<112x128xf32, #tpu.memory_space<hbm>>
    tpu.enqueue_dma source(%dma_start3A_115 : memref<112x128xf32, #tpu.memory_space<hbm>>) target(%arg13 : memref<112x128xf32, #tpu.memory_space<vmem>>) target_semaphore(%arg15 : memref<!tpu.dma_semaphore, #tpu.memory_space<semaphore_mem>>)
    %scan3A_116 = arith.constant 0 : i32
    %scan3A_117 = arith.constant 0 : i32
    %scan3A_118 = arith.constant 45 : i32
    %scan3A_119 = arith.addi %scan3A_117, %scan3A_118 : i32
    %scan3A_120 = arith.constant 1 : i32
    scf.for %scan3A_161 = %scan3A_117 to %scan3A_119 step %scan3A_120  : i32 {
      %jit3A_162 = arith.constant 2 : i32
      %eq3A = arith.constant 0 : i32
      %eq3A_163 = arith.cmpi eq, %jit3A_162, %eq3A : i32
      %jit3A_164 = arith.constant 1 : i32
      %select_n3A_165 = arith.select %eq3A_163, %jit3A_164, %jit3A_162 : i32
      %rem3A_166 = arith.remsi %scan3A_161, %select_n3A_165 : i32
      %ne3A_167 = arith.constant 0 : i32
      %ne3A_168 = arith.cmpi ne, %rem3A_166, %ne3A_167 : i32
      %lt3A = arith.constant 0 : i32
      %lt3A_169 = arith.cmpi slt, %rem3A_166, %lt3A : i32
      %lt3A_170 = arith.constant 0 : i32
      %lt3A_171 = arith.cmpi slt, %select_n3A_165, %lt3A_170 : i32
      %ne3A_172 = arith.xori %lt3A_169, %lt3A_171 : i1
      %and3A_173 = arith.andi %ne3A_172, %ne3A_168 : i1
      %add3A_174 = arith.addi %rem3A_166, %select_n3A_165 : i32
      %select_n3A_175 = arith.select %and3A_173, %add3A_174, %rem3A_166 : i32
      %eq3A_176 = arith.constant 0 : i32
      %eq3A_177 = arith.cmpi eq, %select_n3A_175, %eq3A_176 : i32
      %convert_element_type3A = arith.extui %eq3A_177 : i1 to i32
      %cond3A = arith.constant 0 : i32
      %cond3A_178 = arith.cmpi ne, %convert_element_type3A, %cond3A : i32
      scf.if %cond3A_178 {
        %mul3A_200 = arith.constant 112 : i32
        %mul3A_201 = arith.muli %scan3A_161, %mul3A_200 : i32
        %add3A_202 = arith.addi %add3A, %mul3A_201 : i32
        %dma_wait3A_203 = arith.constant 0 : i32
        %dma_wait3A_204 = arith.constant 0 : i32
        %dma_wait3A_205 = tpu.memref_slice %arg2[%select_n3A, %dma_wait3A_203, %dma_wait3A_204] : memref<1440x1x112xi32, #tpu.memory_space<hbm>> -> memref<1x1x112xi32, #tpu.memory_space<hbm>>
        %dma_wait3A_206 = tpu.memref_squeeze %dma_wait3A_205 : memref<1x1x112xi32, #tpu.memory_space<hbm>> -> memref<1x112xi32, #tpu.memory_space<hbm>>
        %dma_wait3A_207 = arith.constant 0 : i32
        %dma_wait3A_208 = arith.constant 0 : i32
        %dma_wait3A_209 = tpu.memref_slice %arg2[%select_n3A, %dma_wait3A_207, %dma_wait3A_208] : memref<1440x1x112xi32, #tpu.memory_space<hbm>> -> memref<1x1x112xi32, #tpu.memory_space<hbm>>
        %dma_wait3A_210 = tpu.memref_squeeze %dma_wait3A_209 : memref<1x1x112xi32, #tpu.memory_space<hbm>> -> memref<1x112xi32, #tpu.memory_space<hbm>>
        tpu.wait_dma2 semaphore(%arg15 : memref<!tpu.dma_semaphore, #tpu.memory_space<semaphore_mem>>) src(%dma_wait3A_210 : memref<1x112xi32, #tpu.memory_space<hbm>>) dst(%arg11 : memref<1x112xi32, #tpu.memory_space<vmem>>)
        %dma_wait3A_211 = arith.constant 0 : i32
        %dma_wait3A_212 = tpu.memref_slice %arg7[%add3A_202, %dma_wait3A_211] : memref<161280x128xf32, #tpu.memory_space<hbm>> -> memref<112x128xf32, #tpu.memory_space<hbm>>
        %dma_wait3A_213 = arith.constant 0 : i32
        %dma_wait3A_214 = tpu.memref_slice %arg7[%add3A_202, %dma_wait3A_213] : memref<161280x128xf32, #tpu.memory_space<hbm>> -> memref<112x128xf32, #tpu.memory_space<hbm>>
        tpu.wait_dma2 semaphore(%arg15 : memref<!tpu.dma_semaphore, #tpu.memory_space<semaphore_mem>>) src(%dma_wait3A_214 : memref<112x128xf32, #tpu.memory_space<hbm>>) dst(%arg13 : memref<112x128xf32, #tpu.memory_space<vmem>>)
        %ge3A = arith.constant 1 : i32
        %ge3A_215 = arith.cmpi sge, %scan3A_161, %ge3A : i32
        %convert_element_type3A_216 = arith.extui %ge3A_215 : i1 to i32
        %cond3A_217 = arith.constant 0 : i32
        %cond3A_218 = arith.cmpi ne, %convert_element_type3A_216, %cond3A_217 : i32
        scf.if %cond3A_218 {
          %dma_wait3A_233 = arith.constant 0 : i32
          %dma_wait3A_234 = arith.constant 0 : i32
          %dma_wait3A_235 = tpu.memref_slice %arg12[%dma_wait3A_233, %dma_wait3A_234] : memref<1x112xi32, #tpu.memory_space<vmem>> -> memref<1x112xi32, #tpu.memory_space<vmem>>
          %dma_wait3A_236 = tpu.memref_squeeze %dma_wait3A_235 : memref<1x112xi32, #tpu.memory_space<vmem>> -> memref<112xi32, #tpu.memory_space<vmem>>
          %dma_wait3A_237 = arith.constant 0 : i32
          %dma_wait3A_238 = arith.constant 0 : i32
          %dma_wait3A_239 = tpu.memref_slice %arg10[%dma_wait3A_237, %dma_wait3A_238] : memref<10112x128xf32, #tpu.memory_space<vmem_shared>> -> memref<10112x128xf32, #tpu.memory_space<vmem_shared>>
          tpu.wait_indirect_dma semaphore(%arg18 : memref<!tpu.dma_semaphore, #tpu.memory_space<semaphore_mem>>) src(%arg14 : memref<112x128xf32, #tpu.memory_space<vmem>>) dst(%dma_wait3A_239 : memref<10112x128xf32, #tpu.memory_space<vmem_shared>>)
        } else {
        }
        %add3A_219 = arith.constant 1 : i32
        %add3A_220 = arith.addi %scan3A_161, %add3A_219 : i32
        %lt3A_221 = arith.constant 45 : i32
        %lt3A_222 = arith.cmpi slt, %add3A_220, %lt3A_221 : i32
        %convert_element_type3A_223 = arith.extui %lt3A_222 : i1 to i32
        %cond3A_224 = arith.constant 0 : i32
        %cond3A_225 = arith.cmpi ne, %convert_element_type3A_223, %cond3A_224 : i32
        scf.if %cond3A_225 {
          %add3A_233 = arith.addi %select_n3A, %scan3A_161 : i32
          %add3A_234 = arith.constant 1 : i32
          %add3A_235 = arith.addi %add3A_233, %add3A_234 : i32
          %dma_start3A_236 = arith.constant 0 : i32
          %dma_start3A_237 = arith.constant 0 : i32
          %dma_start3A_238 = tpu.memref_slice %arg2[%add3A_235, %dma_start3A_236, %dma_start3A_237] : memref<1440x1x112xi32, #tpu.memory_space<hbm>> -> memref<1x1x112xi32, #tpu.memory_space<hbm>>
          %dma_start3A_239 = tpu.memref_squeeze %dma_start3A_238 : memref<1x1x112xi32, #tpu.memory_space<hbm>> -> memref<1x112xi32, #tpu.memory_space<hbm>>
          %dma_start3A_240 = arith.constant 0 : i32
          %dma_start3A_241 = arith.constant 0 : i32
          %dma_start3A_242 = tpu.memref_slice %arg2[%add3A_235, %dma_start3A_240, %dma_start3A_241] : memref<1440x1x112xi32, #tpu.memory_space<hbm>> -> memref<1x1x112xi32, #tpu.memory_space<hbm>>
          %dma_start3A_243 = tpu.memref_squeeze %dma_start3A_242 : memref<1x1x112xi32, #tpu.memory_space<hbm>> -> memref<1x112xi32, #tpu.memory_space<hbm>>
          tpu.enqueue_dma source(%dma_start3A_243 : memref<1x112xi32, #tpu.memory_space<hbm>>) target(%arg12 : memref<1x112xi32, #tpu.memory_space<vmem>>) target_semaphore(%arg16 : memref<!tpu.dma_semaphore, #tpu.memory_space<semaphore_mem>>)
          %add3A_244 = arith.constant 112 : i32
          %add3A_245 = arith.addi %add3A_202, %add3A_244 : i32
          %dma_start3A_246 = arith.constant 0 : i32
          %dma_start3A_247 = tpu.memref_slice %arg7[%add3A_245, %dma_start3A_246] : memref<161280x128xf32, #tpu.memory_space<hbm>> -> memref<112x128xf32, #tpu.memory_space<hbm>>
          %dma_start3A_248 = arith.constant 0 : i32
          %dma_start3A_249 = tpu.memref_slice %arg7[%add3A_245, %dma_start3A_248] : memref<161280x128xf32, #tpu.memory_space<hbm>> -> memref<112x128xf32, #tpu.memory_space<hbm>>
          tpu.enqueue_dma source(%dma_start3A_249 : memref<112x128xf32, #tpu.memory_space<hbm>>) target(%arg14 : memref<112x128xf32, #tpu.memory_space<vmem>>) target_semaphore(%arg16 : memref<!tpu.dma_semaphore, #tpu.memory_space<semaphore_mem>>)
        } else {
        }
        %dma_start3A_226 = arith.constant 0 : i32
        %dma_start3A_227 = arith.constant 0 : i32
        %dma_start3A_228 = tpu.memref_slice %arg11[%dma_start3A_226, %dma_start3A_227] : memref<1x112xi32, #tpu.memory_space<vmem>> -> memref<1x112xi32, #tpu.memory_space<vmem>>
        %dma_start3A_229 = tpu.memref_squeeze %dma_start3A_228 : memref<1x112xi32, #tpu.memory_space<vmem>> -> memref<112xi32, #tpu.memory_space<vmem>>
        %dma_start3A_230 = arith.constant 0 : i32
        %dma_start3A_231 = arith.constant 0 : i32
        %dma_start3A_232 = tpu.memref_slice %arg10[%dma_start3A_230, %dma_start3A_231] : memref<10112x128xf32, #tpu.memory_space<vmem_shared>> -> memref<10112x128xf32, #tpu.memory_space<vmem_shared>>
        tpu.enqueue_indirect_dma source(%arg13 : memref<112x128xf32, #tpu.memory_space<vmem>>) target(%dma_start3A_232 : memref<10112x128xf32, #tpu.memory_space<vmem_shared>>) offsets(%dma_start3A_229 : memref<112xi32, #tpu.memory_space<vmem>>) semaphore(%arg17 : memref<!tpu.dma_semaphore, #tpu.memory_space<semaphore_mem>>) {add = true}
      } else {
      }
      %jit3A_179 = arith.constant 2 : i32
      %eq3A_180 = arith.constant 0 : i32
      %eq3A_181 = arith.cmpi eq, %jit3A_179, %eq3A_180 : i32
      %jit3A_182 = arith.constant 1 : i32
      %select_n3A_183 = arith.select %eq3A_181, %jit3A_182, %jit3A_179 : i32
      %rem3A_184 = arith.remsi %scan3A_161, %select_n3A_183 : i32
      %ne3A_185 = arith.constant 0 : i32
      %ne3A_186 = arith.cmpi ne, %rem3A_184, %ne3A_185 : i32
      %lt3A_187 = arith.constant 0 : i32
      %lt3A_188 = arith.cmpi slt, %rem3A_184, %lt3A_187 : i32
      %lt3A_189 = arith.constant 0 : i32
      %lt3A_190 = arith.cmpi slt, %select_n3A_183, %lt3A_189 : i32
      %ne3A_191 = arith.xori %lt3A_188, %lt3A_190 : i1
      %and3A_192 = arith.andi %ne3A_191, %ne3A_186 : i1
      %add3A_193 = arith.addi %rem3A_184, %select_n3A_183 : i32
      %select_n3A_194 = arith.select %and3A_192, %add3A_193, %rem3A_184 : i32
      %eq3A_195 = arith.constant 1 : i32
      %eq3A_196 = arith.cmpi eq, %select_n3A_194, %eq3A_195 : i32
      %convert_element_type3A_197 = arith.extui %eq3A_196 : i1 to i32
      %cond3A_198 = arith.constant 0 : i32
      %cond3A_199 = arith.cmpi ne, %convert_element_type3A_197, %cond3A_198 : i32
      scf.if %cond3A_199 {
        %mul3A_200 = arith.constant 112 : i32
        %mul3A_201 = arith.muli %scan3A_161, %mul3A_200 : i32
        %add3A_202 = arith.addi %add3A, %mul3A_201 : i32
        %dma_wait3A_203 = arith.constant 0 : i32
        %dma_wait3A_204 = arith.constant 0 : i32
        %dma_wait3A_205 = tpu.memref_slice %arg2[%select_n3A, %dma_wait3A_203, %dma_wait3A_204] : memref<1440x1x112xi32, #tpu.memory_space<hbm>> -> memref<1x1x112xi32, #tpu.memory_space<hbm>>
        %dma_wait3A_206 = tpu.memref_squeeze %dma_wait3A_205 : memref<1x1x112xi32, #tpu.memory_space<hbm>> -> memref<1x112xi32, #tpu.memory_space<hbm>>
        %dma_wait3A_207 = arith.constant 0 : i32
        %dma_wait3A_208 = arith.constant 0 : i32
        %dma_wait3A_209 = tpu.memref_slice %arg2[%select_n3A, %dma_wait3A_207, %dma_wait3A_208] : memref<1440x1x112xi32, #tpu.memory_space<hbm>> -> memref<1x1x112xi32, #tpu.memory_space<hbm>>
        %dma_wait3A_210 = tpu.memref_squeeze %dma_wait3A_209 : memref<1x1x112xi32, #tpu.memory_space<hbm>> -> memref<1x112xi32, #tpu.memory_space<hbm>>
        tpu.wait_dma2 semaphore(%arg16 : memref<!tpu.dma_semaphore, #tpu.memory_space<semaphore_mem>>) src(%dma_wait3A_210 : memref<1x112xi32, #tpu.memory_space<hbm>>) dst(%arg12 : memref<1x112xi32, #tpu.memory_space<vmem>>)
        %dma_wait3A_211 = arith.constant 0 : i32
        %dma_wait3A_212 = tpu.memref_slice %arg7[%add3A_202, %dma_wait3A_211] : memref<161280x128xf32, #tpu.memory_space<hbm>> -> memref<112x128xf32, #tpu.memory_space<hbm>>
        %dma_wait3A_213 = arith.constant 0 : i32
        %dma_wait3A_214 = tpu.memref_slice %arg7[%add3A_202, %dma_wait3A_213] : memref<161280x128xf32, #tpu.memory_space<hbm>> -> memref<112x128xf32, #tpu.memory_space<hbm>>
        tpu.wait_dma2 semaphore(%arg16 : memref<!tpu.dma_semaphore, #tpu.memory_space<semaphore_mem>>) src(%dma_wait3A_214 : memref<112x128xf32, #tpu.memory_space<hbm>>) dst(%arg14 : memref<112x128xf32, #tpu.memory_space<vmem>>)
        %ge3A = arith.constant 1 : i32
        %ge3A_215 = arith.cmpi sge, %scan3A_161, %ge3A : i32
        %convert_element_type3A_216 = arith.extui %ge3A_215 : i1 to i32
        %cond3A_217 = arith.constant 0 : i32
        %cond3A_218 = arith.cmpi ne, %convert_element_type3A_216, %cond3A_217 : i32
        scf.if %cond3A_218 {
          %dma_wait3A_233 = arith.constant 0 : i32
          %dma_wait3A_234 = arith.constant 0 : i32
          %dma_wait3A_235 = tpu.memref_slice %arg11[%dma_wait3A_233, %dma_wait3A_234] : memref<1x112xi32, #tpu.memory_space<vmem>> -> memref<1x112xi32, #tpu.memory_space<vmem>>
          %dma_wait3A_236 = tpu.memref_squeeze %dma_wait3A_235 : memref<1x112xi32, #tpu.memory_space<vmem>> -> memref<112xi32, #tpu.memory_space<vmem>>
          %dma_wait3A_237 = arith.constant 0 : i32
          %dma_wait3A_238 = arith.constant 0 : i32
          %dma_wait3A_239 = tpu.memref_slice %arg10[%dma_wait3A_237, %dma_wait3A_238] : memref<10112x128xf32, #tpu.memory_space<vmem_shared>> -> memref<10112x128xf32, #tpu.memory_space<vmem_shared>>
          tpu.wait_indirect_dma semaphore(%arg17 : memref<!tpu.dma_semaphore, #tpu.memory_space<semaphore_mem>>) src(%arg13 : memref<112x128xf32, #tpu.memory_space<vmem>>) dst(%dma_wait3A_239 : memref<10112x128xf32, #tpu.memory_space<vmem_shared>>)
        } else {
        }
        %add3A_219 = arith.constant 1 : i32
        %add3A_220 = arith.addi %scan3A_161, %add3A_219 : i32
        %lt3A_221 = arith.constant 45 : i32
        %lt3A_222 = arith.cmpi slt, %add3A_220, %lt3A_221 : i32
        %convert_element_type3A_223 = arith.extui %lt3A_222 : i1 to i32
        %cond3A_224 = arith.constant 0 : i32
        %cond3A_225 = arith.cmpi ne, %convert_element_type3A_223, %cond3A_224 : i32
        scf.if %cond3A_225 {
          %add3A_233 = arith.addi %select_n3A, %scan3A_161 : i32
          %add3A_234 = arith.constant 1 : i32
          %add3A_235 = arith.addi %add3A_233, %add3A_234 : i32
          %dma_start3A_236 = arith.constant 0 : i32
          %dma_start3A_237 = arith.constant 0 : i32
          %dma_start3A_238 = tpu.memref_slice %arg2[%add3A_235, %dma_start3A_236, %dma_start3A_237] : memref<1440x1x112xi32, #tpu.memory_space<hbm>> -> memref<1x1x112xi32, #tpu.memory_space<hbm>>
          %dma_start3A_239 = tpu.memref_squeeze %dma_start3A_238 : memref<1x1x112xi32, #tpu.memory_space<hbm>> -> memref<1x112xi32, #tpu.memory_space<hbm>>
          %dma_start3A_240 = arith.constant 0 : i32
          %dma_start3A_241 = arith.constant 0 : i32
          %dma_start3A_242 = tpu.memref_slice %arg2[%add3A_235, %dma_start3A_240, %dma_start3A_241] : memref<1440x1x112xi32, #tpu.memory_space<hbm>> -> memref<1x1x112xi32, #tpu.memory_space<hbm>>
          %dma_start3A_243 = tpu.memref_squeeze %dma_start3A_242 : memref<1x1x112xi32, #tpu.memory_space<hbm>> -> memref<1x112xi32, #tpu.memory_space<hbm>>
          tpu.enqueue_dma source(%dma_start3A_243 : memref<1x112xi32, #tpu.memory_space<hbm>>) target(%arg11 : memref<1x112xi32, #tpu.memory_space<vmem>>) target_semaphore(%arg15 : memref<!tpu.dma_semaphore, #tpu.memory_space<semaphore_mem>>)
          %add3A_244 = arith.constant 112 : i32
          %add3A_245 = arith.addi %add3A_202, %add3A_244 : i32
          %dma_start3A_246 = arith.constant 0 : i32
          %dma_start3A_247 = tpu.memref_slice %arg7[%add3A_245, %dma_start3A_246] : memref<161280x128xf32, #tpu.memory_space<hbm>> -> memref<112x128xf32, #tpu.memory_space<hbm>>
          %dma_start3A_248 = arith.constant 0 : i32
          %dma_start3A_249 = tpu.memref_slice %arg7[%add3A_245, %dma_start3A_248] : memref<161280x128xf32, #tpu.memory_space<hbm>> -> memref<112x128xf32, #tpu.memory_space<hbm>>
          tpu.enqueue_dma source(%dma_start3A_249 : memref<112x128xf32, #tpu.memory_space<hbm>>) target(%arg13 : memref<112x128xf32, #tpu.memory_space<vmem>>) target_semaphore(%arg15 : memref<!tpu.dma_semaphore, #tpu.memory_space<semaphore_mem>>)
        } else {
        }
        %dma_start3A_226 = arith.constant 0 : i32
        %dma_start3A_227 = arith.constant 0 : i32
        %dma_start3A_228 = tpu.memref_slice %arg12[%dma_start3A_226, %dma_start3A_227] : memref<1x112xi32, #tpu.memory_space<vmem>> -> memref<1x112xi32, #tpu.memory_space<vmem>>
        %dma_start3A_229 = tpu.memref_squeeze %dma_start3A_228 : memref<1x112xi32, #tpu.memory_space<vmem>> -> memref<112xi32, #tpu.memory_space<vmem>>
        %dma_start3A_230 = arith.constant 0 : i32
        %dma_start3A_231 = arith.constant 0 : i32
        %dma_start3A_232 = tpu.memref_slice %arg10[%dma_start3A_230, %dma_start3A_231] : memref<10112x128xf32, #tpu.memory_space<vmem_shared>> -> memref<10112x128xf32, #tpu.memory_space<vmem_shared>>
        tpu.enqueue_indirect_dma source(%arg14 : memref<112x128xf32, #tpu.memory_space<vmem>>) target(%dma_start3A_232 : memref<10112x128xf32, #tpu.memory_space<vmem_shared>>) offsets(%dma_start3A_229 : memref<112xi32, #tpu.memory_space<vmem>>) semaphore(%arg18 : memref<!tpu.dma_semaphore, #tpu.memory_space<semaphore_mem>>) {add = true}
      } else {
      }
    }
    %scan3A_121 = arith.constant 45 : i32
    %dma_wait3A_122 = arith.constant 0 : i32
    %dma_wait3A_123 = arith.constant 0 : i32
    %dma_wait3A_124 = tpu.memref_slice %arg11[%dma_wait3A_122, %dma_wait3A_123] : memref<1x112xi32, #tpu.memory_space<vmem>> -> memref<1x112xi32, #tpu.memory_space<vmem>>
    %dma_wait3A_125 = tpu.memref_squeeze %dma_wait3A_124 : memref<1x112xi32, #tpu.memory_space<vmem>> -> memref<112xi32, #tpu.memory_space<vmem>>
    %dma_wait3A_126 = arith.constant 0 : i32
    %dma_wait3A_127 = arith.constant 0 : i32
    %dma_wait3A_128 = tpu.memref_slice %arg10[%dma_wait3A_126, %dma_wait3A_127] : memref<10112x128xf32, #tpu.memory_space<vmem_shared>> -> memref<10112x128xf32, #tpu.memory_space<vmem_shared>>
    tpu.wait_indirect_dma semaphore(%arg17 : memref<!tpu.dma_semaphore, #tpu.memory_space<semaphore_mem>>) src(%arg13 : memref<112x128xf32, #tpu.memory_space<vmem>>) dst(%dma_wait3A_128 : memref<10112x128xf32, #tpu.memory_space<vmem_shared>>)
    %barrier3A_129 = arith.constant 0 : index
    tpu.barrier barrier_id(%barrier3A_129)
    %run_scoped3A_130 = arith.constant 3 : i32
    "tpu.region"() ({
      %run_scoped3A_161 = tpu.sem_alloc : memref<!tpu.dma_semaphore, #tpu.memory_space<semaphore_mem>>
      %dma_start3A_162 = arith.constant 0 : i32
      %dma_start3A_163 = tpu.memref_slice %arg9[%arg0, %run_scoped3A_130, %mul3A_20, %dma_start3A_162] : memref<2x5x10112x128xf32, #tpu.memory_space<hbm>> -> memref<1x1x632x128xf32, #tpu.memory_space<hbm>>
      %dma_start3A_164 = tpu.memref_squeeze %dma_start3A_163 : memref<1x1x632x128xf32, #tpu.memory_space<hbm>> -> memref<632x128xf32, #tpu.memory_space<hbm>>
      %dma_start3A_165 = arith.constant 0 : i32
      %dma_start3A_166 = tpu.memref_slice %arg10[%mul3A_20, %dma_start3A_165] : memref<10112x128xf32, #tpu.memory_space<vmem_shared>> -> memref<632x128xf32, #tpu.memory_space<vmem_shared>>
      tpu.enqueue_dma source(%dma_start3A_166 : memref<632x128xf32, #tpu.memory_space<vmem_shared>>) target(%dma_start3A_164 : memref<632x128xf32, #tpu.memory_space<hbm>>) target_semaphore(%run_scoped3A_161 : memref<!tpu.dma_semaphore, #tpu.memory_space<semaphore_mem>>)
      %dma_wait3A_167 = arith.constant 0 : i32
      %dma_wait3A_168 = tpu.memref_slice %arg9[%arg0, %run_scoped3A_130, %mul3A_20, %dma_wait3A_167] : memref<2x5x10112x128xf32, #tpu.memory_space<hbm>> -> memref<1x1x632x128xf32, #tpu.memory_space<hbm>>
      %dma_wait3A_169 = tpu.memref_squeeze %dma_wait3A_168 : memref<1x1x632x128xf32, #tpu.memory_space<hbm>> -> memref<632x128xf32, #tpu.memory_space<hbm>>
      %dma_wait3A_170 = arith.constant 0 : i32
      %dma_wait3A_171 = tpu.memref_slice %arg10[%mul3A_20, %dma_wait3A_170] : memref<10112x128xf32, #tpu.memory_space<vmem_shared>> -> memref<632x128xf32, #tpu.memory_space<vmem_shared>>
      tpu.wait_dma2 semaphore(%run_scoped3A_161 : memref<!tpu.dma_semaphore, #tpu.memory_space<semaphore_mem>>) src(%dma_wait3A_171 : memref<632x128xf32, #tpu.memory_space<vmem_shared>>) dst(%dma_wait3A_169 : memref<632x128xf32, #tpu.memory_space<hbm>>)
      tpu.yield
    }) : () -> ()
    %barrier3A_131 = arith.constant 0 : index
    tpu.barrier barrier_id(%barrier3A_131)
    "tpu.region"() ({
      %run_scoped3A_161 = tpu.sem_alloc : memref<!tpu.dma_semaphore, #tpu.memory_space<semaphore_mem>>
      %dma_start3A_162 = arith.constant 0 : i32
      %dma_start3A_163 = tpu.memref_slice %arg10[%mul3A_20, %dma_start3A_162] : memref<10112x128xf32, #tpu.memory_space<vmem_shared>> -> memref<632x128xf32, #tpu.memory_space<vmem_shared>>
      %dma_start3A_164 = arith.constant 0 : i32
      %dma_start3A_165 = tpu.memref_slice %arg3[%mul3A_20, %dma_start3A_164] : memref<10112x128xf32, #tpu.memory_space<hbm>> -> memref<632x128xf32, #tpu.memory_space<hbm>>
      tpu.enqueue_dma source(%dma_start3A_165 : memref<632x128xf32, #tpu.memory_space<hbm>>) target(%dma_start3A_163 : memref<632x128xf32, #tpu.memory_space<vmem_shared>>) target_semaphore(%run_scoped3A_161 : memref<!tpu.dma_semaphore, #tpu.memory_space<semaphore_mem>>)
      %dma_wait3A_166 = arith.constant 0 : i32
      %dma_wait3A_167 = tpu.memref_slice %arg10[%mul3A_20, %dma_wait3A_166] : memref<10112x128xf32, #tpu.memory_space<vmem_shared>> -> memref<632x128xf32, #tpu.memory_space<vmem_shared>>
      %dma_wait3A_168 = arith.constant 0 : i32
      %dma_wait3A_169 = tpu.memref_slice %arg3[%mul3A_20, %dma_wait3A_168] : memref<10112x128xf32, #tpu.memory_space<hbm>> -> memref<632x128xf32, #tpu.memory_space<hbm>>
      tpu.wait_dma2 semaphore(%run_scoped3A_161 : memref<!tpu.dma_semaphore, #tpu.memory_space<semaphore_mem>>) src(%dma_wait3A_169 : memref<632x128xf32, #tpu.memory_space<hbm>>) dst(%dma_wait3A_167 : memref<632x128xf32, #tpu.memory_space<vmem_shared>>)
      tpu.yield
    }) : () -> ()
    %barrier3A_132 = arith.constant 0 : index
    tpu.barrier barrier_id(%barrier3A_132)
    %dma_start3A_133 = arith.constant 0 : i32
    %dma_start3A_134 = arith.constant 0 : i32
    %dma_start3A_135 = tpu.memref_slice %arg2[%select_n3A, %dma_start3A_133, %dma_start3A_134] : memref<1440x1x112xi32, #tpu.memory_space<hbm>> -> memref<1x1x112xi32, #tpu.memory_space<hbm>>
    %dma_start3A_136 = tpu.memref_squeeze %dma_start3A_135 : memref<1x1x112xi32, #tpu.memory_space<hbm>> -> memref<1x112xi32, #tpu.memory_space<hbm>>
    %dma_start3A_137 = arith.constant 0 : i32
    %dma_start3A_138 = arith.constant 0 : i32
    %dma_start3A_139 = tpu.memref_slice %arg2[%select_n3A, %dma_start3A_137, %dma_start3A_138] : memref<1440x1x112xi32, #tpu.memory_space<hbm>> -> memref<1x1x112xi32, #tpu.memory_space<hbm>>
    %dma_start3A_140 = tpu.memref_squeeze %dma_start3A_139 : memref<1x1x112xi32, #tpu.memory_space<hbm>> -> memref<1x112xi32, #tpu.memory_space<hbm>>
    tpu.enqueue_dma source(%dma_start3A_140 : memref<1x112xi32, #tpu.memory_space<hbm>>) target(%arg11 : memref<1x112xi32, #tpu.memory_space<vmem>>) target_semaphore(%arg15 : memref<!tpu.dma_semaphore, #tpu.memory_space<semaphore_mem>>)
    %dma_start3A_141 = arith.constant 0 : i32
    %dma_start3A_142 = tpu.memref_slice %arg8[%add3A, %dma_start3A_141] : memref<161280x128xf32, #tpu.memory_space<hbm>> -> memref<112x128xf32, #tpu.memory_space<hbm>>
    %dma_start3A_143 = arith.constant 0 : i32
    %dma_start3A_144 = tpu.memref_slice %arg8[%add3A, %dma_start3A_143] : memref<161280x128xf32, #tpu.memory_space<hbm>> -> memref<112x128xf32, #tpu.memory_space<hbm>>
    tpu.enqueue_dma source(%dma_start3A_144 : memref<112x128xf32, #tpu.memory_space<hbm>>) target(%arg13 : memref<112x128xf32, #tpu.memory_space<vmem>>) target_semaphore(%arg15 : memref<!tpu.dma_semaphore, #tpu.memory_space<semaphore_mem>>)
    %scan3A_145 = arith.constant 0 : i32
    %scan3A_146 = arith.constant 0 : i32
    %scan3A_147 = arith.constant 45 : i32
    %scan3A_148 = arith.addi %scan3A_146, %scan3A_147 : i32
    %scan3A_149 = arith.constant 1 : i32
    scf.for %scan3A_161 = %scan3A_146 to %scan3A_148 step %scan3A_149  : i32 {
      %jit3A_162 = arith.constant 2 : i32
      %eq3A = arith.constant 0 : i32
      %eq3A_163 = arith.cmpi eq, %jit3A_162, %eq3A : i32
      %jit3A_164 = arith.constant 1 : i32
      %select_n3A_165 = arith.select %eq3A_163, %jit3A_164, %jit3A_162 : i32
      %rem3A_166 = arith.remsi %scan3A_161, %select_n3A_165 : i32
      %ne3A_167 = arith.constant 0 : i32
      %ne3A_168 = arith.cmpi ne, %rem3A_166, %ne3A_167 : i32
      %lt3A = arith.constant 0 : i32
      %lt3A_169 = arith.cmpi slt, %rem3A_166, %lt3A : i32
      %lt3A_170 = arith.constant 0 : i32
      %lt3A_171 = arith.cmpi slt, %select_n3A_165, %lt3A_170 : i32
      %ne3A_172 = arith.xori %lt3A_169, %lt3A_171 : i1
      %and3A_173 = arith.andi %ne3A_172, %ne3A_168 : i1
      %add3A_174 = arith.addi %rem3A_166, %select_n3A_165 : i32
      %select_n3A_175 = arith.select %and3A_173, %add3A_174, %rem3A_166 : i32
      %eq3A_176 = arith.constant 0 : i32
      %eq3A_177 = arith.cmpi eq, %select_n3A_175, %eq3A_176 : i32
      %convert_element_type3A = arith.extui %eq3A_177 : i1 to i32
      %cond3A = arith.constant 0 : i32
      %cond3A_178 = arith.cmpi ne, %convert_element_type3A, %cond3A : i32
      scf.if %cond3A_178 {
        %mul3A_200 = arith.constant 112 : i32
        %mul3A_201 = arith.muli %scan3A_161, %mul3A_200 : i32
        %add3A_202 = arith.addi %add3A, %mul3A_201 : i32
        %dma_wait3A_203 = arith.constant 0 : i32
        %dma_wait3A_204 = arith.constant 0 : i32
        %dma_wait3A_205 = tpu.memref_slice %arg2[%select_n3A, %dma_wait3A_203, %dma_wait3A_204] : memref<1440x1x112xi32, #tpu.memory_space<hbm>> -> memref<1x1x112xi32, #tpu.memory_space<hbm>>
        %dma_wait3A_206 = tpu.memref_squeeze %dma_wait3A_205 : memref<1x1x112xi32, #tpu.memory_space<hbm>> -> memref<1x112xi32, #tpu.memory_space<hbm>>
        %dma_wait3A_207 = arith.constant 0 : i32
        %dma_wait3A_208 = arith.constant 0 : i32
        %dma_wait3A_209 = tpu.memref_slice %arg2[%select_n3A, %dma_wait3A_207, %dma_wait3A_208] : memref<1440x1x112xi32, #tpu.memory_space<hbm>> -> memref<1x1x112xi32, #tpu.memory_space<hbm>>
        %dma_wait3A_210 = tpu.memref_squeeze %dma_wait3A_209 : memref<1x1x112xi32, #tpu.memory_space<hbm>> -> memref<1x112xi32, #tpu.memory_space<hbm>>
        tpu.wait_dma2 semaphore(%arg15 : memref<!tpu.dma_semaphore, #tpu.memory_space<semaphore_mem>>) src(%dma_wait3A_210 : memref<1x112xi32, #tpu.memory_space<hbm>>) dst(%arg11 : memref<1x112xi32, #tpu.memory_space<vmem>>)
        %dma_wait3A_211 = arith.constant 0 : i32
        %dma_wait3A_212 = tpu.memref_slice %arg8[%add3A_202, %dma_wait3A_211] : memref<161280x128xf32, #tpu.memory_space<hbm>> -> memref<112x128xf32, #tpu.memory_space<hbm>>
        %dma_wait3A_213 = arith.constant 0 : i32
        %dma_wait3A_214 = tpu.memref_slice %arg8[%add3A_202, %dma_wait3A_213] : memref<161280x128xf32, #tpu.memory_space<hbm>> -> memref<112x128xf32, #tpu.memory_space<hbm>>
        tpu.wait_dma2 semaphore(%arg15 : memref<!tpu.dma_semaphore, #tpu.memory_space<semaphore_mem>>) src(%dma_wait3A_214 : memref<112x128xf32, #tpu.memory_space<hbm>>) dst(%arg13 : memref<112x128xf32, #tpu.memory_space<vmem>>)
        %ge3A = arith.constant 1 : i32
        %ge3A_215 = arith.cmpi sge, %scan3A_161, %ge3A : i32
        %convert_element_type3A_216 = arith.extui %ge3A_215 : i1 to i32
        %cond3A_217 = arith.constant 0 : i32
        %cond3A_218 = arith.cmpi ne, %convert_element_type3A_216, %cond3A_217 : i32
        scf.if %cond3A_218 {
          %dma_wait3A_233 = arith.constant 0 : i32
          %dma_wait3A_234 = arith.constant 0 : i32
          %dma_wait3A_235 = tpu.memref_slice %arg12[%dma_wait3A_233, %dma_wait3A_234] : memref<1x112xi32, #tpu.memory_space<vmem>> -> memref<1x112xi32, #tpu.memory_space<vmem>>
          %dma_wait3A_236 = tpu.memref_squeeze %dma_wait3A_235 : memref<1x112xi32, #tpu.memory_space<vmem>> -> memref<112xi32, #tpu.memory_space<vmem>>
          %dma_wait3A_237 = arith.constant 0 : i32
          %dma_wait3A_238 = arith.constant 0 : i32
          %dma_wait3A_239 = tpu.memref_slice %arg10[%dma_wait3A_237, %dma_wait3A_238] : memref<10112x128xf32, #tpu.memory_space<vmem_shared>> -> memref<10112x128xf32, #tpu.memory_space<vmem_shared>>
          tpu.wait_indirect_dma semaphore(%arg18 : memref<!tpu.dma_semaphore, #tpu.memory_space<semaphore_mem>>) src(%arg14 : memref<112x128xf32, #tpu.memory_space<vmem>>) dst(%dma_wait3A_239 : memref<10112x128xf32, #tpu.memory_space<vmem_shared>>)
        } else {
        }
        %add3A_219 = arith.constant 1 : i32
        %add3A_220 = arith.addi %scan3A_161, %add3A_219 : i32
        %lt3A_221 = arith.constant 45 : i32
        %lt3A_222 = arith.cmpi slt, %add3A_220, %lt3A_221 : i32
        %convert_element_type3A_223 = arith.extui %lt3A_222 : i1 to i32
        %cond3A_224 = arith.constant 0 : i32
        %cond3A_225 = arith.cmpi ne, %convert_element_type3A_223, %cond3A_224 : i32
        scf.if %cond3A_225 {
          %add3A_233 = arith.addi %select_n3A, %scan3A_161 : i32
          %add3A_234 = arith.constant 1 : i32
          %add3A_235 = arith.addi %add3A_233, %add3A_234 : i32
          %dma_start3A_236 = arith.constant 0 : i32
          %dma_start3A_237 = arith.constant 0 : i32
          %dma_start3A_238 = tpu.memref_slice %arg2[%add3A_235, %dma_start3A_236, %dma_start3A_237] : memref<1440x1x112xi32, #tpu.memory_space<hbm>> -> memref<1x1x112xi32, #tpu.memory_space<hbm>>
          %dma_start3A_239 = tpu.memref_squeeze %dma_start3A_238 : memref<1x1x112xi32, #tpu.memory_space<hbm>> -> memref<1x112xi32, #tpu.memory_space<hbm>>
          %dma_start3A_240 = arith.constant 0 : i32
          %dma_start3A_241 = arith.constant 0 : i32
          %dma_start3A_242 = tpu.memref_slice %arg2[%add3A_235, %dma_start3A_240, %dma_start3A_241] : memref<1440x1x112xi32, #tpu.memory_space<hbm>> -> memref<1x1x112xi32, #tpu.memory_space<hbm>>
          %dma_start3A_243 = tpu.memref_squeeze %dma_start3A_242 : memref<1x1x112xi32, #tpu.memory_space<hbm>> -> memref<1x112xi32, #tpu.memory_space<hbm>>
          tpu.enqueue_dma source(%dma_start3A_243 : memref<1x112xi32, #tpu.memory_space<hbm>>) target(%arg12 : memref<1x112xi32, #tpu.memory_space<vmem>>) target_semaphore(%arg16 : memref<!tpu.dma_semaphore, #tpu.memory_space<semaphore_mem>>)
          %add3A_244 = arith.constant 112 : i32
          %add3A_245 = arith.addi %add3A_202, %add3A_244 : i32
          %dma_start3A_246 = arith.constant 0 : i32
          %dma_start3A_247 = tpu.memref_slice %arg8[%add3A_245, %dma_start3A_246] : memref<161280x128xf32, #tpu.memory_space<hbm>> -> memref<112x128xf32, #tpu.memory_space<hbm>>
          %dma_start3A_248 = arith.constant 0 : i32
          %dma_start3A_249 = tpu.memref_slice %arg8[%add3A_245, %dma_start3A_248] : memref<161280x128xf32, #tpu.memory_space<hbm>> -> memref<112x128xf32, #tpu.memory_space<hbm>>
          tpu.enqueue_dma source(%dma_start3A_249 : memref<112x128xf32, #tpu.memory_space<hbm>>) target(%arg14 : memref<112x128xf32, #tpu.memory_space<vmem>>) target_semaphore(%arg16 : memref<!tpu.dma_semaphore, #tpu.memory_space<semaphore_mem>>)
        } else {
        }
        %dma_start3A_226 = arith.constant 0 : i32
        %dma_start3A_227 = arith.constant 0 : i32
        %dma_start3A_228 = tpu.memref_slice %arg11[%dma_start3A_226, %dma_start3A_227] : memref<1x112xi32, #tpu.memory_space<vmem>> -> memref<1x112xi32, #tpu.memory_space<vmem>>
        %dma_start3A_229 = tpu.memref_squeeze %dma_start3A_228 : memref<1x112xi32, #tpu.memory_space<vmem>> -> memref<112xi32, #tpu.memory_space<vmem>>
        %dma_start3A_230 = arith.constant 0 : i32
        %dma_start3A_231 = arith.constant 0 : i32
        %dma_start3A_232 = tpu.memref_slice %arg10[%dma_start3A_230, %dma_start3A_231] : memref<10112x128xf32, #tpu.memory_space<vmem_shared>> -> memref<10112x128xf32, #tpu.memory_space<vmem_shared>>
        tpu.enqueue_indirect_dma source(%arg13 : memref<112x128xf32, #tpu.memory_space<vmem>>) target(%dma_start3A_232 : memref<10112x128xf32, #tpu.memory_space<vmem_shared>>) offsets(%dma_start3A_229 : memref<112xi32, #tpu.memory_space<vmem>>) semaphore(%arg17 : memref<!tpu.dma_semaphore, #tpu.memory_space<semaphore_mem>>) {add = true}
      } else {
      }
      %jit3A_179 = arith.constant 2 : i32
      %eq3A_180 = arith.constant 0 : i32
      %eq3A_181 = arith.cmpi eq, %jit3A_179, %eq3A_180 : i32
      %jit3A_182 = arith.constant 1 : i32
      %select_n3A_183 = arith.select %eq3A_181, %jit3A_182, %jit3A_179 : i32
      %rem3A_184 = arith.remsi %scan3A_161, %select_n3A_183 : i32
      %ne3A_185 = arith.constant 0 : i32
      %ne3A_186 = arith.cmpi ne, %rem3A_184, %ne3A_185 : i32
      %lt3A_187 = arith.constant 0 : i32
      %lt3A_188 = arith.cmpi slt, %rem3A_184, %lt3A_187 : i32
      %lt3A_189 = arith.constant 0 : i32
      %lt3A_190 = arith.cmpi slt, %select_n3A_183, %lt3A_189 : i32
      %ne3A_191 = arith.xori %lt3A_188, %lt3A_190 : i1
      %and3A_192 = arith.andi %ne3A_191, %ne3A_186 : i1
      %add3A_193 = arith.addi %rem3A_184, %select_n3A_183 : i32
      %select_n3A_194 = arith.select %and3A_192, %add3A_193, %rem3A_184 : i32
      %eq3A_195 = arith.constant 1 : i32
      %eq3A_196 = arith.cmpi eq, %select_n3A_194, %eq3A_195 : i32
      %convert_element_type3A_197 = arith.extui %eq3A_196 : i1 to i32
      %cond3A_198 = arith.constant 0 : i32
      %cond3A_199 = arith.cmpi ne, %convert_element_type3A_197, %cond3A_198 : i32
      scf.if %cond3A_199 {
        %mul3A_200 = arith.constant 112 : i32
        %mul3A_201 = arith.muli %scan3A_161, %mul3A_200 : i32
        %add3A_202 = arith.addi %add3A, %mul3A_201 : i32
        %dma_wait3A_203 = arith.constant 0 : i32
        %dma_wait3A_204 = arith.constant 0 : i32
        %dma_wait3A_205 = tpu.memref_slice %arg2[%select_n3A, %dma_wait3A_203, %dma_wait3A_204] : memref<1440x1x112xi32, #tpu.memory_space<hbm>> -> memref<1x1x112xi32, #tpu.memory_space<hbm>>
        %dma_wait3A_206 = tpu.memref_squeeze %dma_wait3A_205 : memref<1x1x112xi32, #tpu.memory_space<hbm>> -> memref<1x112xi32, #tpu.memory_space<hbm>>
        %dma_wait3A_207 = arith.constant 0 : i32
        %dma_wait3A_208 = arith.constant 0 : i32
        %dma_wait3A_209 = tpu.memref_slice %arg2[%select_n3A, %dma_wait3A_207, %dma_wait3A_208] : memref<1440x1x112xi32, #tpu.memory_space<hbm>> -> memref<1x1x112xi32, #tpu.memory_space<hbm>>
        %dma_wait3A_210 = tpu.memref_squeeze %dma_wait3A_209 : memref<1x1x112xi32, #tpu.memory_space<hbm>> -> memref<1x112xi32, #tpu.memory_space<hbm>>
        tpu.wait_dma2 semaphore(%arg16 : memref<!tpu.dma_semaphore, #tpu.memory_space<semaphore_mem>>) src(%dma_wait3A_210 : memref<1x112xi32, #tpu.memory_space<hbm>>) dst(%arg12 : memref<1x112xi32, #tpu.memory_space<vmem>>)
        %dma_wait3A_211 = arith.constant 0 : i32
        %dma_wait3A_212 = tpu.memref_slice %arg8[%add3A_202, %dma_wait3A_211] : memref<161280x128xf32, #tpu.memory_space<hbm>> -> memref<112x128xf32, #tpu.memory_space<hbm>>
        %dma_wait3A_213 = arith.constant 0 : i32
        %dma_wait3A_214 = tpu.memref_slice %arg8[%add3A_202, %dma_wait3A_213] : memref<161280x128xf32, #tpu.memory_space<hbm>> -> memref<112x128xf32, #tpu.memory_space<hbm>>
        tpu.wait_dma2 semaphore(%arg16 : memref<!tpu.dma_semaphore, #tpu.memory_space<semaphore_mem>>) src(%dma_wait3A_214 : memref<112x128xf32, #tpu.memory_space<hbm>>) dst(%arg14 : memref<112x128xf32, #tpu.memory_space<vmem>>)
        %ge3A = arith.constant 1 : i32
        %ge3A_215 = arith.cmpi sge, %scan3A_161, %ge3A : i32
        %convert_element_type3A_216 = arith.extui %ge3A_215 : i1 to i32
        %cond3A_217 = arith.constant 0 : i32
        %cond3A_218 = arith.cmpi ne, %convert_element_type3A_216, %cond3A_217 : i32
        scf.if %cond3A_218 {
          %dma_wait3A_233 = arith.constant 0 : i32
          %dma_wait3A_234 = arith.constant 0 : i32
          %dma_wait3A_235 = tpu.memref_slice %arg11[%dma_wait3A_233, %dma_wait3A_234] : memref<1x112xi32, #tpu.memory_space<vmem>> -> memref<1x112xi32, #tpu.memory_space<vmem>>
          %dma_wait3A_236 = tpu.memref_squeeze %dma_wait3A_235 : memref<1x112xi32, #tpu.memory_space<vmem>> -> memref<112xi32, #tpu.memory_space<vmem>>
          %dma_wait3A_237 = arith.constant 0 : i32
          %dma_wait3A_238 = arith.constant 0 : i32
          %dma_wait3A_239 = tpu.memref_slice %arg10[%dma_wait3A_237, %dma_wait3A_238] : memref<10112x128xf32, #tpu.memory_space<vmem_shared>> -> memref<10112x128xf32, #tpu.memory_space<vmem_shared>>
          tpu.wait_indirect_dma semaphore(%arg17 : memref<!tpu.dma_semaphore, #tpu.memory_space<semaphore_mem>>) src(%arg13 : memref<112x128xf32, #tpu.memory_space<vmem>>) dst(%dma_wait3A_239 : memref<10112x128xf32, #tpu.memory_space<vmem_shared>>)
        } else {
        }
        %add3A_219 = arith.constant 1 : i32
        %add3A_220 = arith.addi %scan3A_161, %add3A_219 : i32
        %lt3A_221 = arith.constant 45 : i32
        %lt3A_222 = arith.cmpi slt, %add3A_220, %lt3A_221 : i32
        %convert_element_type3A_223 = arith.extui %lt3A_222 : i1 to i32
        %cond3A_224 = arith.constant 0 : i32
        %cond3A_225 = arith.cmpi ne, %convert_element_type3A_223, %cond3A_224 : i32
        scf.if %cond3A_225 {
          %add3A_233 = arith.addi %select_n3A, %scan3A_161 : i32
          %add3A_234 = arith.constant 1 : i32
          %add3A_235 = arith.addi %add3A_233, %add3A_234 : i32
          %dma_start3A_236 = arith.constant 0 : i32
          %dma_start3A_237 = arith.constant 0 : i32
          %dma_start3A_238 = tpu.memref_slice %arg2[%add3A_235, %dma_start3A_236, %dma_start3A_237] : memref<1440x1x112xi32, #tpu.memory_space<hbm>> -> memref<1x1x112xi32, #tpu.memory_space<hbm>>
          %dma_start3A_239 = tpu.memref_squeeze %dma_start3A_238 : memref<1x1x112xi32, #tpu.memory_space<hbm>> -> memref<1x112xi32, #tpu.memory_space<hbm>>
          %dma_start3A_240 = arith.constant 0 : i32
          %dma_start3A_241 = arith.constant 0 : i32
          %dma_start3A_242 = tpu.memref_slice %arg2[%add3A_235, %dma_start3A_240, %dma_start3A_241] : memref<1440x1x112xi32, #tpu.memory_space<hbm>> -> memref<1x1x112xi32, #tpu.memory_space<hbm>>
          %dma_start3A_243 = tpu.memref_squeeze %dma_start3A_242 : memref<1x1x112xi32, #tpu.memory_space<hbm>> -> memref<1x112xi32, #tpu.memory_space<hbm>>
          tpu.enqueue_dma source(%dma_start3A_243 : memref<1x112xi32, #tpu.memory_space<hbm>>) target(%arg11 : memref<1x112xi32, #tpu.memory_space<vmem>>) target_semaphore(%arg15 : memref<!tpu.dma_semaphore, #tpu.memory_space<semaphore_mem>>)
          %add3A_244 = arith.constant 112 : i32
          %add3A_245 = arith.addi %add3A_202, %add3A_244 : i32
          %dma_start3A_246 = arith.constant 0 : i32
          %dma_start3A_247 = tpu.memref_slice %arg8[%add3A_245, %dma_start3A_246] : memref<161280x128xf32, #tpu.memory_space<hbm>> -> memref<112x128xf32, #tpu.memory_space<hbm>>
          %dma_start3A_248 = arith.constant 0 : i32
          %dma_start3A_249 = tpu.memref_slice %arg8[%add3A_245, %dma_start3A_248] : memref<161280x128xf32, #tpu.memory_space<hbm>> -> memref<112x128xf32, #tpu.memory_space<hbm>>
          tpu.enqueue_dma source(%dma_start3A_249 : memref<112x128xf32, #tpu.memory_space<hbm>>) target(%arg13 : memref<112x128xf32, #tpu.memory_space<vmem>>) target_semaphore(%arg15 : memref<!tpu.dma_semaphore, #tpu.memory_space<semaphore_mem>>)
        } else {
        }
        %dma_start3A_226 = arith.constant 0 : i32
        %dma_start3A_227 = arith.constant 0 : i32
        %dma_start3A_228 = tpu.memref_slice %arg12[%dma_start3A_226, %dma_start3A_227] : memref<1x112xi32, #tpu.memory_space<vmem>> -> memref<1x112xi32, #tpu.memory_space<vmem>>
        %dma_start3A_229 = tpu.memref_squeeze %dma_start3A_228 : memref<1x112xi32, #tpu.memory_space<vmem>> -> memref<112xi32, #tpu.memory_space<vmem>>
        %dma_start3A_230 = arith.constant 0 : i32
        %dma_start3A_231 = arith.constant 0 : i32
        %dma_start3A_232 = tpu.memref_slice %arg10[%dma_start3A_230, %dma_start3A_231] : memref<10112x128xf32, #tpu.memory_space<vmem_shared>> -> memref<10112x128xf32, #tpu.memory_space<vmem_shared>>
        tpu.enqueue_indirect_dma source(%arg14 : memref<112x128xf32, #tpu.memory_space<vmem>>) target(%dma_start3A_232 : memref<10112x128xf32, #tpu.memory_space<vmem_shared>>) offsets(%dma_start3A_229 : memref<112xi32, #tpu.memory_space<vmem>>) semaphore(%arg18 : memref<!tpu.dma_semaphore, #tpu.memory_space<semaphore_mem>>) {add = true}
      } else {
      }
    }
    %scan3A_150 = arith.constant 45 : i32
    %dma_wait3A_151 = arith.constant 0 : i32
    %dma_wait3A_152 = arith.constant 0 : i32
    %dma_wait3A_153 = tpu.memref_slice %arg11[%dma_wait3A_151, %dma_wait3A_152] : memref<1x112xi32, #tpu.memory_space<vmem>> -> memref<1x112xi32, #tpu.memory_space<vmem>>
    %dma_wait3A_154 = tpu.memref_squeeze %dma_wait3A_153 : memref<1x112xi32, #tpu.memory_space<vmem>> -> memref<112xi32, #tpu.memory_space<vmem>>
    %dma_wait3A_155 = arith.constant 0 : i32
    %dma_wait3A_156 = arith.constant 0 : i32
    %dma_wait3A_157 = tpu.memref_slice %arg10[%dma_wait3A_155, %dma_wait3A_156] : memref<10112x128xf32, #tpu.memory_space<vmem_shared>> -> memref<10112x128xf32, #tpu.memory_space<vmem_shared>>
    tpu.wait_indirect_dma semaphore(%arg17 : memref<!tpu.dma_semaphore, #tpu.memory_space<semaphore_mem>>) src(%arg13 : memref<112x128xf32, #tpu.memory_space<vmem>>) dst(%dma_wait3A_157 : memref<10112x128xf32, #tpu.memory_space<vmem_shared>>)
    %barrier3A_158 = arith.constant 0 : index
    tpu.barrier barrier_id(%barrier3A_158)
    %run_scoped3A_159 = arith.constant 4 : i32
    "tpu.region"() ({
      %run_scoped3A_161 = tpu.sem_alloc : memref<!tpu.dma_semaphore, #tpu.memory_space<semaphore_mem>>
      %dma_start3A_162 = arith.constant 0 : i32
      %dma_start3A_163 = tpu.memref_slice %arg9[%arg0, %run_scoped3A_159, %mul3A_20, %dma_start3A_162] : memref<2x5x10112x128xf32, #tpu.memory_space<hbm>> -> memref<1x1x632x128xf32, #tpu.memory_space<hbm>>
      %dma_start3A_164 = tpu.memref_squeeze %dma_start3A_163 : memref<1x1x632x128xf32, #tpu.memory_space<hbm>> -> memref<632x128xf32, #tpu.memory_space<hbm>>
      %dma_start3A_165 = arith.constant 0 : i32
      %dma_start3A_166 = tpu.memref_slice %arg10[%mul3A_20, %dma_start3A_165] : memref<10112x128xf32, #tpu.memory_space<vmem_shared>> -> memref<632x128xf32, #tpu.memory_space<vmem_shared>>
      tpu.enqueue_dma source(%dma_start3A_166 : memref<632x128xf32, #tpu.memory_space<vmem_shared>>) target(%dma_start3A_164 : memref<632x128xf32, #tpu.memory_space<hbm>>) target_semaphore(%run_scoped3A_161 : memref<!tpu.dma_semaphore, #tpu.memory_space<semaphore_mem>>)
      %dma_wait3A_167 = arith.constant 0 : i32
      %dma_wait3A_168 = tpu.memref_slice %arg9[%arg0, %run_scoped3A_159, %mul3A_20, %dma_wait3A_167] : memref<2x5x10112x128xf32, #tpu.memory_space<hbm>> -> memref<1x1x632x128xf32, #tpu.memory_space<hbm>>
      %dma_wait3A_169 = tpu.memref_squeeze %dma_wait3A_168 : memref<1x1x632x128xf32, #tpu.memory_space<hbm>> -> memref<632x128xf32, #tpu.memory_space<hbm>>
      %dma_wait3A_170 = arith.constant 0 : i32
      %dma_wait3A_171 = tpu.memref_slice %arg10[%mul3A_20, %dma_wait3A_170] : memref<10112x128xf32, #tpu.memory_space<vmem_shared>> -> memref<632x128xf32, #tpu.memory_space<vmem_shared>>
      tpu.wait_dma2 semaphore(%run_scoped3A_161 : memref<!tpu.dma_semaphore, #tpu.memory_space<semaphore_mem>>) src(%dma_wait3A_171 : memref<632x128xf32, #tpu.memory_space<vmem_shared>>) dst(%dma_wait3A_169 : memref<632x128xf32, #tpu.memory_space<hbm>>)
      tpu.yield
    }) : () -> ()
    %barrier3A_160 = arith.constant 0 : index
    tpu.barrier barrier_id(%barrier3A_160)
    return
  }
}

module attributes {stable_mosaic.version = 14 : i64} {
  func.func @_edge_body(%arg0: i32, %arg1: memref<1280x1xi32, #tpu.memory_space<vmem>>, %arg2: memref<1280x1xi32, #tpu.memory_space<vmem>>, %arg3: memref<1280x1xf32, #tpu.memory_space<vmem>>, %arg4: memref<1280x1xf32, #tpu.memory_space<vmem>>, %arg5: memref<1280x1xf32, #tpu.memory_space<vmem>>, %arg6: memref<1280x1xf32, #tpu.memory_space<vmem>>, %arg7: memref<100x64xf32, #tpu.memory_space<vmem>>, %arg8: memref<64x128xf32, #tpu.memory_space<vmem>>, %arg9: memref<1x64xf32, #tpu.memory_space<vmem>>, %arg10: memref<64x32xf32, #tpu.memory_space<vmem>>, %arg11: memref<1x64xf32, #tpu.memory_space<vmem>>, %arg12: memref<64x32xf32, #tpu.memory_space<vmem>>, %arg13: memref<1x64xf32, #tpu.memory_space<vmem>>, %arg14: memref<64x32xf32, #tpu.memory_space<vmem>>, %arg15: memref<1x64xf32, #tpu.memory_space<vmem>>, %arg16: memref<1280x32xf32, #tpu.memory_space<vmem>>, %arg17: memref<1280x128xf32, #tpu.memory_space<vmem>>, %arg18: memref<1280x128xf32, #tpu.memory_space<vmem>>, %arg19: memref<1280x128xf32, #tpu.memory_space<vmem>>, %arg20: memref<1280x128xf32, #tpu.memory_space<vmem>>, %arg21: memref<1280x128xf32, #tpu.memory_space<vmem>>) attributes {dimension_semantics = [#tpu.dimension_semantics<arbitrary>], iteration_bounds = array<i64: 126>, scalar_prefetch = 0 : i64, scratch_operands = 0 : i64, tpu.core_type = #tpu.core_type<tc>, window_params = [{transform_indices = @transform_0, window_bounds = array<i64: 1280, 1>}, {transform_indices = @transform_1, window_bounds = array<i64: 1280, 1>}, {transform_indices = @transform_2, window_bounds = array<i64: 1280, 1>}, {transform_indices = @transform_3, window_bounds = array<i64: 1280, 1>}, {transform_indices = @transform_4, window_bounds = array<i64: 1280, 1>}, {transform_indices = @transform_5, window_bounds = array<i64: 1280, 1>}, {pipeline_mode = #tpu.pipeline_mode<synchronous>, transform_indices = @transform_6, window_bounds = array<i64: 100, 64>}, {pipeline_mode = #tpu.pipeline_mode<synchronous>, transform_indices = @transform_7, window_bounds = array<i64: 64, 128>}, {pipeline_mode = #tpu.pipeline_mode<synchronous>, transform_indices = @transform_8, window_bounds = array<i64: 1, 64>}, {pipeline_mode = #tpu.pipeline_mode<synchronous>, transform_indices = @transform_9, window_bounds = array<i64: 64, 32>}, {pipeline_mode = #tpu.pipeline_mode<synchronous>, transform_indices = @transform_10, window_bounds = array<i64: 1, 64>}, {pipeline_mode = #tpu.pipeline_mode<synchronous>, transform_indices = @transform_11, window_bounds = array<i64: 64, 32>}, {pipeline_mode = #tpu.pipeline_mode<synchronous>, transform_indices = @transform_12, window_bounds = array<i64: 1, 64>}, {pipeline_mode = #tpu.pipeline_mode<synchronous>, transform_indices = @transform_13, window_bounds = array<i64: 64, 32>}, {pipeline_mode = #tpu.pipeline_mode<synchronous>, transform_indices = @transform_14, window_bounds = array<i64: 1, 64>}, {transform_indices = @transform_15, window_bounds = array<i64: 1280, 32>}, {transform_indices = @transform_16, window_bounds = array<i64: 1280, 128>}, {transform_indices = @transform_17, window_bounds = array<i64: 1280, 128>}, {transform_indices = @transform_18, window_bounds = array<i64: 1280, 128>}, {transform_indices = @transform_19, window_bounds = array<i64: 1280, 128>}, {transform_indices = @transform_20, window_bounds = array<i64: 1280, 128>}]} {
    %get3A = arith.constant 0 : index
    %get3A_0 = arith.constant 0 : index
    %get3A_1 = vector.load %arg1[%get3A, %get3A_0] : memref<1280x1xi32, #tpu.memory_space<vmem>>, vector<1280x1xi32>
    %get3A_2 = arith.constant 0 : index
    %get3A_3 = arith.constant 0 : index
    %get3A_4 = vector.load %arg2[%get3A_2, %get3A_3] : memref<1280x1xi32, #tpu.memory_space<vmem>>, vector<1280x1xi32>
    %iota3A = tpu.iota {dimensions = array<i32: 1>} : vector<1280x100xi32>
    %eq3A = vector.broadcast %get3A_1 : vector<1280x1xi32> to vector<1280x100xi32>
    %eq3A_5 = arith.cmpi eq, %eq3A, %iota3A : vector<1280x100xi32>
    %convert_element_type3A = arith.extui %eq3A_5 : vector<1280x100xi1> to vector<1280x100xi32>
    %convert_element_type3A_6 = arith.sitofp %convert_element_type3A : vector<1280x100xi32> to vector<1280x100xf32>
    %eq3A_7 = vector.broadcast %get3A_4 : vector<1280x1xi32> to vector<1280x100xi32>
    %eq3A_8 = arith.cmpi eq, %eq3A_7, %iota3A : vector<1280x100xi32>
    %convert_element_type3A_9 = arith.extui %eq3A_8 : vector<1280x100xi1> to vector<1280x100xi32>
    %convert_element_type3A_10 = arith.sitofp %convert_element_type3A_9 : vector<1280x100xi32> to vector<1280x100xf32>
    %get3A_11 = arith.constant 0 : index
    %get3A_12 = arith.constant 0 : index
    %get3A_13 = vector.load %arg7[%get3A_11, %get3A_12] : memref<100x64xf32, #tpu.memory_space<vmem>>, vector<100x64xf32>
    %dot_general3A = arith.constant dense<0.000000e+00> : vector<1280x64xf32>
    %dot_general3A_14 = tpu.matmul %convert_element_type3A_6, %get3A_13, %dot_general3A {dimension_numbers = #tpu.dot_dimension_numbers<[1], [0], [0], [1], [0, 0, 1, 1], [], []>, transpose_lhs_hint = false} : vector<1280x100xf32>, vector<100x64xf32>, vector<1280x64xf32> -> vector<1280x64xf32>
    %dot_general3A_15 = arith.constant dense<0.000000e+00> : vector<1280x64xf32>
    %dot_general3A_16 = tpu.matmul %convert_element_type3A_10, %get3A_13, %dot_general3A_15 {dimension_numbers = #tpu.dot_dimension_numbers<[1], [0], [0], [1], [0, 0, 1, 1], [], []>, transpose_lhs_hint = false} : vector<1280x100xf32>, vector<100x64xf32>, vector<1280x64xf32> -> vector<1280x64xf32>
    %get3A_17 = arith.constant 0 : index
    %get3A_18 = arith.constant 0 : index
    %get3A_19 = vector.load %arg8[%get3A_17, %get3A_18] : memref<64x128xf32, #tpu.memory_space<vmem>>, vector<64x128xf32>
    %slice3A = vector.extract_strided_slice %get3A_19 {offsets = [0, 0], sizes = [64, 64], strides = [1, 1]} : vector<64x128xf32> to vector<64x64xf32>
    %slice3A_20 = vector.extract_strided_slice %get3A_19 {offsets = [0, 64], sizes = [64, 64], strides = [1, 1]} : vector<64x128xf32> to vector<64x64xf32>
    %dot_general3A_21 = arith.constant dense<0.000000e+00> : vector<1280x64xf32>
    %dot_general3A_22 = tpu.matmul %dot_general3A_14, %slice3A, %dot_general3A_21 {dimension_numbers = #tpu.dot_dimension_numbers<[1], [1], [0], [0], [0, 0, 1, 0], [], []>, transpose_lhs_hint = false} : vector<1280x64xf32>, vector<64x64xf32>, vector<1280x64xf32> -> vector<1280x64xf32>
    %dot_general3A_23 = arith.constant dense<0.000000e+00> : vector<1280x64xf32>
    %dot_general3A_24 = tpu.matmul %dot_general3A_16, %slice3A_20, %dot_general3A_23 {dimension_numbers = #tpu.dot_dimension_numbers<[1], [1], [0], [0], [0, 0, 1, 0], [], []>, transpose_lhs_hint = false} : vector<1280x64xf32>, vector<64x64xf32>, vector<1280x64xf32> -> vector<1280x64xf32>
    %add3A = arith.addf %dot_general3A_22, %dot_general3A_24 : vector<1280x64xf32>
    %get3A_25 = arith.constant 0 : index
    %get3A_26 = arith.constant 0 : index
    %get3A_27 = vector.load %arg9[%get3A_25, %get3A_26] : memref<1x64xf32, #tpu.memory_space<vmem>>, vector<1x64xf32>
    %add3A_28 = vector.broadcast %get3A_27 : vector<1x64xf32> to vector<1280x64xf32>
    %add3A_29 = arith.addf %add3A, %add3A_28 : vector<1280x64xf32>
    %get3A_30 = arith.constant 0 : index
    %get3A_31 = arith.constant 0 : index
    %get3A_32 = vector.load %arg6[%get3A_30, %get3A_31] : memref<1280x1xf32, #tpu.memory_space<vmem>>, vector<1280x1xf32>
    %mul3A = arith.constant 0.628318548 : f32
    %mul3A_33 = vector.broadcast %mul3A : f32 to vector<1280x1xf32>
    %mul3A_34 = arith.mulf %mul3A_33, %get3A_32 : vector<1280x1xf32>
    %mul3A_35 = arith.constant 0.628318548 : f32
    %mul3A_36 = vector.broadcast %mul3A_35 : f32 to vector<1280x1xf32>
    %mul3A_37 = arith.mulf %mul3A_36, %get3A_32 : vector<1280x1xf32>
    %mul3A_38 = arith.mulf %mul3A_34, %mul3A_37 : vector<1280x1xf32>
    %mul3A_39 = arith.constant 2.06207318E-9 : f32
    %mul3A_40 = vector.broadcast %mul3A_39 : f32 to vector<1280x1xf32>
    %mul3A_41 = arith.mulf %mul3A_38, %mul3A_40 : vector<1280x1xf32>
    %add3A_42 = arith.constant -2.75369928E-7 : f32
    %add3A_43 = vector.broadcast %add3A_42 : f32 to vector<1280x1xf32>
    %add3A_44 = arith.addf %add3A_43, %mul3A_41 : vector<1280x1xf32>
    %mul3A_45 = arith.mulf %mul3A_38, %add3A_44 : vector<1280x1xf32>
    %add3A_46 = arith.constant 2.48006909E-5 : f32
    %add3A_47 = vector.broadcast %add3A_46 : f32 to vector<1280x1xf32>
    %add3A_48 = arith.addf %add3A_47, %mul3A_45 : vector<1280x1xf32>
    %mul3A_49 = arith.mulf %mul3A_38, %add3A_48 : vector<1280x1xf32>
    %add3A_50 = arith.constant -0.00138888671 : f32
    %add3A_51 = vector.broadcast %add3A_50 : f32 to vector<1280x1xf32>
    %add3A_52 = arith.addf %add3A_51, %mul3A_49 : vector<1280x1xf32>
    %mul3A_53 = arith.mulf %mul3A_38, %add3A_52 : vector<1280x1xf32>
    %add3A_54 = arith.constant 0.0416666642 : f32
    %add3A_55 = vector.broadcast %add3A_54 : f32 to vector<1280x1xf32>
    %add3A_56 = arith.addf %add3A_55, %mul3A_53 : vector<1280x1xf32>
    %mul3A_57 = arith.mulf %mul3A_38, %add3A_56 : vector<1280x1xf32>
    %add3A_58 = arith.constant -5.000000e-01 : f32
    %add3A_59 = vector.broadcast %add3A_58 : f32 to vector<1280x1xf32>
    %add3A_60 = arith.addf %add3A_59, %mul3A_57 : vector<1280x1xf32>
    %mul3A_61 = arith.mulf %mul3A_38, %add3A_60 : vector<1280x1xf32>
    %add3A_62 = arith.constant 1.000000e+00 : f32
    %add3A_63 = vector.broadcast %add3A_62 : f32 to vector<1280x1xf32>
    %add3A_64 = arith.addf %add3A_63, %mul3A_61 : vector<1280x1xf32>
    %add3A_65 = arith.constant 1.000000e+00 : f32
    %add3A_66 = vector.broadcast %add3A_65 : f32 to vector<1280x1xf32>
    %add3A_67 = arith.addf %add3A_64, %add3A_66 : vector<1280x1xf32>
    %mul3A_68 = arith.constant 5.000000e-01 : f32
    %mul3A_69 = vector.broadcast %mul3A_68 : f32 to vector<1280x1xf32>
    %mul3A_70 = arith.mulf %mul3A_69, %add3A_67 : vector<1280x1xf32>
    %neg3A = arith.constant 0.000000e+00 : f32
    %neg3A_71 = vector.broadcast %neg3A : f32 to vector<1280x1xf32>
    %neg3A_72 = arith.subf %neg3A_71, %get3A_32 : vector<1280x1xf32>
    %exp3A = math.exp %neg3A_72 : vector<1280x1xf32>
    %div3A = arith.constant 1.000000e+00 : f32
    %div3A_73 = vector.broadcast %div3A : f32 to vector<1280x1xf32>
    %div3A_74 = arith.divf %div3A_73, %get3A_32 : vector<1280x1xf32>
    %get3A_75 = arith.constant 0 : index
    %get3A_76 = arith.constant 0 : index
    %get3A_77 = vector.load %arg3[%get3A_75, %get3A_76] : memref<1280x1xf32, #tpu.memory_space<vmem>>, vector<1280x1xf32>
    %mul3A_78 = arith.mulf %get3A_77, %div3A_74 : vector<1280x1xf32>
    %get3A_79 = arith.constant 0 : index
    %get3A_80 = arith.constant 0 : index
    %get3A_81 = vector.load %arg4[%get3A_79, %get3A_80] : memref<1280x1xf32, #tpu.memory_space<vmem>>, vector<1280x1xf32>
    %mul3A_82 = arith.mulf %get3A_81, %div3A_74 : vector<1280x1xf32>
    %get3A_83 = arith.constant 0 : index
    %get3A_84 = arith.constant 0 : index
    %get3A_85 = vector.load %arg5[%get3A_83, %get3A_84] : memref<1280x1xf32, #tpu.memory_space<vmem>>, vector<1280x1xf32>
    %mul3A_86 = arith.mulf %get3A_85, %div3A_74 : vector<1280x1xf32>
    %exp3A_87 = arith.constant -5.000000e+00 : f32
    %exp3A_88 = math.exp %exp3A_87 : f32
    %iota3A_89 = tpu.iota {dimensions = array<i32: 1>} : vector<1x32xi32>
    %convert_element_type3A_90 = arith.sitofp %iota3A_89 : vector<1x32xi32> to vector<1x32xf32>
    %sub3A = arith.constant 1.000000e+00 : f32
    %sub3A_91 = arith.subf %sub3A, %exp3A_88 : f32
    %div3A_92 = arith.constant 3.100000e+01 : f32
    %div3A_93 = arith.divf %sub3A_91, %div3A_92 : f32
    %mul3A_94 = vector.broadcast %div3A_93 : f32 to vector<1x32xf32>
    %mul3A_95 = arith.mulf %convert_element_type3A_90, %mul3A_94 : vector<1x32xf32>
    %add3A_96 = vector.broadcast %exp3A_88 : f32 to vector<1x32xf32>
    %add3A_97 = arith.addf %add3A_96, %mul3A_95 : vector<1x32xf32>
    %sub3A_98 = arith.constant 1.000000e+00 : f32
    %sub3A_99 = arith.subf %sub3A_98, %exp3A_88 : f32
    %mul3A_100 = arith.constant 6.250000e-02 : f32
    %mul3A_101 = arith.mulf %mul3A_100, %sub3A_99 : f32
    %integer_pow3A = arith.mulf %mul3A_101, %mul3A_101 : f32
    %integer_pow3A_102 = arith.constant 1.000000e+00 : f32
    %integer_pow3A_103 = arith.divf %integer_pow3A_102, %integer_pow3A : f32
    %neg3A_104 = arith.constant 0.000000e+00 : f32
    %neg3A_105 = arith.subf %neg3A_104, %integer_pow3A_103 : f32
    %sub3A_106 = vector.broadcast %exp3A : vector<1280x1xf32> to vector<1280x32xf32>
    %sub3A_107 = vector.broadcast %add3A_97 : vector<1x32xf32> to vector<1280x32xf32>
    %sub3A_108 = arith.subf %sub3A_106, %sub3A_107 : vector<1280x32xf32>
    %integer_pow3A_109 = arith.mulf %sub3A_108, %sub3A_108 : vector<1280x32xf32>
    %mul3A_110 = vector.broadcast %neg3A_105 : f32 to vector<1280x32xf32>
    %mul3A_111 = arith.mulf %mul3A_110, %integer_pow3A_109 : vector<1280x32xf32>
    %exp3A_112 = math.exp %mul3A_111 : vector<1280x32xf32>
    %mul3A_113 = vector.broadcast %mul3A_70 : vector<1280x1xf32> to vector<1280x32xf32>
    %mul3A_114 = arith.mulf %exp3A_112, %mul3A_113 : vector<1280x32xf32>
    %swap3A = arith.constant 0 : index
    %swap3A_115 = arith.constant 0 : index
    %swap3A_116 = vector.load %arg16[%swap3A, %swap3A_115] : memref<1280x32xf32, #tpu.memory_space<vmem>>, vector<1280x32xf32>
    tpu.vector_store %arg16[%swap3A, %swap3A_115], %mul3A_114 {strides = array<i32>} : memref<1280x32xf32, #tpu.memory_space<vmem>>, vector<1280x32xf32>,
    %get3A_117 = arith.constant 0 : index
    %get3A_118 = arith.constant 0 : index
    %get3A_119 = vector.load %arg10[%get3A_117, %get3A_118] : memref<64x32xf32, #tpu.memory_space<vmem>>, vector<64x32xf32>
    %dot_general3A_120 = arith.constant dense<0.000000e+00> : vector<1280x64xf32>
    %dot_general3A_121 = tpu.matmul %mul3A_114, %get3A_119, %dot_general3A_120 {dimension_numbers = #tpu.dot_dimension_numbers<[1], [1], [0], [0], [0, 0, 1, 0], [], []>, transpose_lhs_hint = false} : vector<1280x32xf32>, vector<64x32xf32>, vector<1280x64xf32> -> vector<1280x64xf32>
    %get3A_122 = arith.constant 0 : index
    %get3A_123 = arith.constant 0 : index
    %get3A_124 = vector.load %arg11[%get3A_122, %get3A_123] : memref<1x64xf32, #tpu.memory_space<vmem>>, vector<1x64xf32>
    %add3A_125 = vector.broadcast %get3A_124 : vector<1x64xf32> to vector<1280x64xf32>
    %add3A_126 = arith.addf %dot_general3A_121, %add3A_125 : vector<1280x64xf32>
    %get3A_127 = arith.constant 0 : index
    %get3A_128 = arith.constant 0 : index
    %get3A_129 = vector.load %arg12[%get3A_127, %get3A_128] : memref<64x32xf32, #tpu.memory_space<vmem>>, vector<64x32xf32>
    %dot_general3A_130 = arith.constant dense<0.000000e+00> : vector<1280x64xf32>
    %dot_general3A_131 = tpu.matmul %mul3A_114, %get3A_129, %dot_general3A_130 {dimension_numbers = #tpu.dot_dimension_numbers<[1], [1], [0], [0], [0, 0, 1, 0], [], []>, transpose_lhs_hint = false} : vector<1280x32xf32>, vector<64x32xf32>, vector<1280x64xf32> -> vector<1280x64xf32>
    %get3A_132 = arith.constant 0 : index
    %get3A_133 = arith.constant 0 : index
    %get3A_134 = vector.load %arg13[%get3A_132, %get3A_133] : memref<1x64xf32, #tpu.memory_space<vmem>>, vector<1x64xf32>
    %add3A_135 = vector.broadcast %get3A_134 : vector<1x64xf32> to vector<1280x64xf32>
    %add3A_136 = arith.addf %dot_general3A_131, %add3A_135 : vector<1280x64xf32>
    %get3A_137 = arith.constant 0 : index
    %get3A_138 = arith.constant 0 : index
    %get3A_139 = vector.load %arg14[%get3A_137, %get3A_138] : memref<64x32xf32, #tpu.memory_space<vmem>>, vector<64x32xf32>
    %dot_general3A_140 = arith.constant dense<0.000000e+00> : vector<1280x64xf32>
    %dot_general3A_141 = tpu.matmul %mul3A_114, %get3A_139, %dot_general3A_140 {dimension_numbers = #tpu.dot_dimension_numbers<[1], [1], [0], [0], [0, 0, 1, 0], [], []>, transpose_lhs_hint = false} : vector<1280x32xf32>, vector<64x32xf32>, vector<1280x64xf32> -> vector<1280x64xf32>
    %get3A_142 = arith.constant 0 : index
    %get3A_143 = arith.constant 0 : index
    %get3A_144 = vector.load %arg15[%get3A_142, %get3A_143] : memref<1x64xf32, #tpu.memory_space<vmem>>, vector<1x64xf32>
    %add3A_145 = vector.broadcast %get3A_144 : vector<1x64xf32> to vector<1280x64xf32>
    %add3A_146 = arith.addf %dot_general3A_141, %add3A_145 : vector<1280x64xf32>
    %mul3A_147 = vector.broadcast %mul3A_70 : vector<1280x1xf32> to vector<1280x64xf32>
    %mul3A_148 = arith.mulf %mul3A_147, %add3A_29 : vector<1280x64xf32>
    %mul3A_149 = arith.mulf %add3A_126, %mul3A_148 : vector<1280x64xf32>
    %mul3A_150 = arith.mulf %add3A_136, %mul3A_148 : vector<1280x64xf32>
    %mul3A_151 = arith.mulf %add3A_146, %mul3A_148 : vector<1280x64xf32>
    %broadcast_in_dim3A = vector.shape_cast %mul3A_78 : vector<1280x1xf32> to vector<1280x1xf32>
    %broadcast_in_dim3A_152 = vector.broadcast %broadcast_in_dim3A : vector<1280x1xf32> to vector<1280x64xf32>
    %broadcast_in_dim3A_153 = vector.shape_cast %mul3A_82 : vector<1280x1xf32> to vector<1280x1xf32>
    %broadcast_in_dim3A_154 = vector.broadcast %broadcast_in_dim3A_153 : vector<1280x1xf32> to vector<1280x64xf32>
    %broadcast_in_dim3A_155 = vector.shape_cast %mul3A_86 : vector<1280x1xf32> to vector<1280x1xf32>
    %broadcast_in_dim3A_156 = vector.broadcast %broadcast_in_dim3A_155 : vector<1280x1xf32> to vector<1280x64xf32>
    %mul3A_157 = arith.mulf %mul3A_151, %broadcast_in_dim3A_152 : vector<1280x64xf32>
    %mul3A_158 = arith.mulf %mul3A_151, %broadcast_in_dim3A_154 : vector<1280x64xf32>
    %mul3A_159 = arith.mulf %mul3A_151, %broadcast_in_dim3A_156 : vector<1280x64xf32>
    %mul3A_160 = arith.mulf %mul3A_150, %broadcast_in_dim3A_152 : vector<1280x64xf32>
    %concatenate3A = tpu.concatenate %mul3A_149, %mul3A_160 in 1 : vector<1280x64xf32>, vector<1280x64xf32> -> vector<1280x128xf32>
    %swap3A_161 = arith.constant 0 : index
    %swap3A_162 = arith.constant 0 : index
    %swap3A_163 = vector.load %arg17[%swap3A_161, %swap3A_162] : memref<1280x128xf32, #tpu.memory_space<vmem>>, vector<1280x128xf32>
    tpu.vector_store %arg17[%swap3A_161, %swap3A_162], %concatenate3A {strides = array<i32>} : memref<1280x128xf32, #tpu.memory_space<vmem>>, vector<1280x128xf32>,
    %mul3A_164 = arith.mulf %mul3A_150, %broadcast_in_dim3A_154 : vector<1280x64xf32>
    %mul3A_165 = arith.mulf %mul3A_150, %broadcast_in_dim3A_156 : vector<1280x64xf32>
    %concatenate3A_166 = tpu.concatenate %mul3A_164, %mul3A_165 in 1 : vector<1280x64xf32>, vector<1280x64xf32> -> vector<1280x128xf32>
    %swap3A_167 = arith.constant 0 : index
    %swap3A_168 = arith.constant 0 : index
    %swap3A_169 = vector.load %arg18[%swap3A_167, %swap3A_168] : memref<1280x128xf32, #tpu.memory_space<vmem>>, vector<1280x128xf32>
    tpu.vector_store %arg18[%swap3A_167, %swap3A_168], %concatenate3A_166 {strides = array<i32>} : memref<1280x128xf32, #tpu.memory_space<vmem>>, vector<1280x128xf32>,
    %mul3A_170 = arith.mulf %mul3A_157, %broadcast_in_dim3A_152 : vector<1280x64xf32>
    %mul3A_171 = arith.mulf %mul3A_158, %broadcast_in_dim3A_154 : vector<1280x64xf32>
    %concatenate3A_172 = tpu.concatenate %mul3A_170, %mul3A_171 in 1 : vector<1280x64xf32>, vector<1280x64xf32> -> vector<1280x128xf32>
    %swap3A_173 = arith.constant 0 : index
    %swap3A_174 = arith.constant 0 : index
    %swap3A_175 = vector.load %arg19[%swap3A_173, %swap3A_174] : memref<1280x128xf32, #tpu.memory_space<vmem>>, vector<1280x128xf32>
    tpu.vector_store %arg19[%swap3A_173, %swap3A_174], %concatenate3A_172 {strides = array<i32>} : memref<1280x128xf32, #tpu.memory_space<vmem>>, vector<1280x128xf32>,
    %mul3A_176 = arith.mulf %mul3A_159, %broadcast_in_dim3A_156 : vector<1280x64xf32>
    %mul3A_177 = arith.mulf %mul3A_157, %broadcast_in_dim3A_154 : vector<1280x64xf32>
    %concatenate3A_178 = tpu.concatenate %mul3A_176, %mul3A_177 in 1 : vector<1280x64xf32>, vector<1280x64xf32> -> vector<1280x128xf32>
    %swap3A_179 = arith.constant 0 : index
    %swap3A_180 = arith.constant 0 : index
    %swap3A_181 = vector.load %arg20[%swap3A_179, %swap3A_180] : memref<1280x128xf32, #tpu.memory_space<vmem>>, vector<1280x128xf32>
    tpu.vector_store %arg20[%swap3A_179, %swap3A_180], %concatenate3A_178 {strides = array<i32>} : memref<1280x128xf32, #tpu.memory_space<vmem>>, vector<1280x128xf32>,
    %mul3A_182 = arith.mulf %mul3A_157, %broadcast_in_dim3A_156 : vector<1280x64xf32>
    %mul3A_183 = arith.mulf %mul3A_158, %broadcast_in_dim3A_156 : vector<1280x64xf32>
    %concatenate3A_184 = tpu.concatenate %mul3A_182, %mul3A_183 in 1 : vector<1280x64xf32>, vector<1280x64xf32> -> vector<1280x128xf32>
    %swap3A_185 = arith.constant 0 : index
    %swap3A_186 = arith.constant 0 : index
    %swap3A_187 = vector.load %arg21[%swap3A_185, %swap3A_186] : memref<1280x128xf32, #tpu.memory_space<vmem>>, vector<1280x128xf32>
    tpu.vector_store %arg21[%swap3A_185, %swap3A_186], %concatenate3A_184 {strides = array<i32>} : memref<1280x128xf32, #tpu.memory_space<vmem>>, vector<1280x128xf32>,
    return
  }
  func.func @transform_0(%arg0: i32) -> (i32, i32) {
    %c0_i32 = arith.constant 0 : i32
    %c0_i32_0 = arith.constant 0 : i32
    return %arg0, %c0_i32 : i32, i32
  }
  func.func @transform_1(%arg0: i32) -> (i32, i32) {
    %c0_i32 = arith.constant 0 : i32
    %c0_i32_0 = arith.constant 0 : i32
    return %arg0, %c0_i32 : i32, i32
  }
  func.func @transform_2(%arg0: i32) -> (i32, i32) {
    %c0_i32 = arith.constant 0 : i32
    %c0_i32_0 = arith.constant 0 : i32
    return %arg0, %c0_i32 : i32, i32
  }
  func.func @transform_3(%arg0: i32) -> (i32, i32) {
    %c0_i32 = arith.constant 0 : i32
    %c0_i32_0 = arith.constant 0 : i32
    return %arg0, %c0_i32 : i32, i32
  }
  func.func @transform_4(%arg0: i32) -> (i32, i32) {
    %c0_i32 = arith.constant 0 : i32
    %c0_i32_0 = arith.constant 0 : i32
    return %arg0, %c0_i32 : i32, i32
  }
  func.func @transform_5(%arg0: i32) -> (i32, i32) {
    %c0_i32 = arith.constant 0 : i32
    %c0_i32_0 = arith.constant 0 : i32
    return %arg0, %c0_i32 : i32, i32
  }
  func.func @transform_6(%arg0: i32) -> (i32, i32) {
    %c0_i32 = arith.constant 0 : i32
    %c0_i32_0 = arith.constant 0 : i32
    %c0_i32_1 = arith.constant 0 : i32
    return %c0_i32, %c0_i32_0 : i32, i32
  }
  func.func @transform_7(%arg0: i32) -> (i32, i32) {
    %c0_i32 = arith.constant 0 : i32
    %c0_i32_0 = arith.constant 0 : i32
    %c0_i32_1 = arith.constant 0 : i32
    return %c0_i32, %c0_i32_0 : i32, i32
  }
  func.func @transform_8(%arg0: i32) -> (i32, i32) {
    %c0_i32 = arith.constant 0 : i32
    %c0_i32_0 = arith.constant 0 : i32
    %c0_i32_1 = arith.constant 0 : i32
    return %c0_i32, %c0_i32_0 : i32, i32
  }
  func.func @transform_9(%arg0: i32) -> (i32, i32) {
    %c0_i32 = arith.constant 0 : i32
    %c0_i32_0 = arith.constant 0 : i32
    %c0_i32_1 = arith.constant 0 : i32
    return %c0_i32, %c0_i32_0 : i32, i32
  }
  func.func @transform_10(%arg0: i32) -> (i32, i32) {
    %c0_i32 = arith.constant 0 : i32
    %c0_i32_0 = arith.constant 0 : i32
    %c0_i32_1 = arith.constant 0 : i32
    return %c0_i32, %c0_i32_0 : i32, i32
  }
  func.func @transform_11(%arg0: i32) -> (i32, i32) {
    %c0_i32 = arith.constant 0 : i32
    %c0_i32_0 = arith.constant 0 : i32
    %c0_i32_1 = arith.constant 0 : i32
    return %c0_i32, %c0_i32_0 : i32, i32
  }
  func.func @transform_12(%arg0: i32) -> (i32, i32) {
    %c0_i32 = arith.constant 0 : i32
    %c0_i32_0 = arith.constant 0 : i32
    %c0_i32_1 = arith.constant 0 : i32
    return %c0_i32, %c0_i32_0 : i32, i32
  }
  func.func @transform_13(%arg0: i32) -> (i32, i32) {
    %c0_i32 = arith.constant 0 : i32
    %c0_i32_0 = arith.constant 0 : i32
    %c0_i32_1 = arith.constant 0 : i32
    return %c0_i32, %c0_i32_0 : i32, i32
  }
  func.func @transform_14(%arg0: i32) -> (i32, i32) {
    %c0_i32 = arith.constant 0 : i32
    %c0_i32_0 = arith.constant 0 : i32
    %c0_i32_1 = arith.constant 0 : i32
    return %c0_i32, %c0_i32_0 : i32, i32
  }
  func.func @transform_15(%arg0: i32) -> (i32, i32) {
    %c0_i32 = arith.constant 0 : i32
    %c0_i32_0 = arith.constant 0 : i32
    return %arg0, %c0_i32 : i32, i32
  }
  func.func @transform_16(%arg0: i32) -> (i32, i32) {
    %c0_i32 = arith.constant 0 : i32
    %c0_i32_0 = arith.constant 0 : i32
    return %arg0, %c0_i32 : i32, i32
  }
  func.func @transform_17(%arg0: i32) -> (i32, i32) {
    %c0_i32 = arith.constant 0 : i32
    %c0_i32_0 = arith.constant 0 : i32
    return %arg0, %c0_i32 : i32, i32
  }
  func.func @transform_18(%arg0: i32) -> (i32, i32) {
    %c0_i32 = arith.constant 0 : i32
    %c0_i32_0 = arith.constant 0 : i32
    return %arg0, %c0_i32 : i32, i32
  }
  func.func @transform_19(%arg0: i32) -> (i32, i32) {
    %c0_i32 = arith.constant 0 : i32
    %c0_i32_0 = arith.constant 0 : i32
    return %arg0, %c0_i32 : i32, i32
  }
  func.func @transform_20(%arg0: i32) -> (i32, i32) {
    %c0_i32 = arith.constant 0 : i32
    %c0_i32_0 = arith.constant 0 : i32
    return %arg0, %c0_i32 : i32, i32
  }
}

module attributes {stable_mosaic.version = 14 : i64} {
  func.func @_node_body(%arg0: i32, %arg1: memref<2x5x1000x128xf32, #tpu.memory_space<vmem>>, %arg2: memref<64x64xf32, #tpu.memory_space<vmem>>, %arg3: memref<64x64xf32, #tpu.memory_space<vmem>>, %arg4: memref<64x64xf32, #tpu.memory_space<vmem>>, %arg5: memref<128x64xf32, #tpu.memory_space<vmem>>, %arg6: memref<1x128xf32, #tpu.memory_space<vmem>>, %arg7: memref<192x128xf32, #tpu.memory_space<vmem>>, %arg8: memref<1x192xf32, #tpu.memory_space<vmem>>, %arg9: memref<1x64xf32, #tpu.memory_space<vmem>>, %arg10: memref<1x64xf32, #tpu.memory_space<vmem>>, %arg11: memref<1000x64xf32, #tpu.memory_space<vmem>>, %arg12: memref<1000x64xf32, #tpu.memory_space<vmem>>, %arg13: memref<1000x64xf32, #tpu.memory_space<vmem>>, %arg14: memref<1000x64xf32, #tpu.memory_space<vmem>>, %arg15: memref<1000x64xf32, #tpu.memory_space<vmem>>, %arg16: memref<1000x64xf32, #tpu.memory_space<vmem>>, %arg17: memref<1000x64xf32, #tpu.memory_space<vmem>>, %arg18: memref<1000x64xf32, #tpu.memory_space<vmem>>, %arg19: memref<1000x64xf32, #tpu.memory_space<vmem>>) attributes {dimension_semantics = [#tpu.dimension_semantics<arbitrary>], iteration_bounds = array<i64: 10>, scalar_prefetch = 0 : i64, scratch_operands = 0 : i64, tpu.core_type = #tpu.core_type<tc>, window_params = [{transform_indices = @transform_0, window_bounds = array<i64: 2, 5, 1000, 128>}, {pipeline_mode = #tpu.pipeline_mode<synchronous>, transform_indices = @transform_1, window_bounds = array<i64: 64, 64>}, {pipeline_mode = #tpu.pipeline_mode<synchronous>, transform_indices = @transform_2, window_bounds = array<i64: 64, 64>}, {pipeline_mode = #tpu.pipeline_mode<synchronous>, transform_indices = @transform_3, window_bounds = array<i64: 64, 64>}, {pipeline_mode = #tpu.pipeline_mode<synchronous>, transform_indices = @transform_4, window_bounds = array<i64: 128, 64>}, {pipeline_mode = #tpu.pipeline_mode<synchronous>, transform_indices = @transform_5, window_bounds = array<i64: 1, 128>}, {pipeline_mode = #tpu.pipeline_mode<synchronous>, transform_indices = @transform_6, window_bounds = array<i64: 192, 128>}, {pipeline_mode = #tpu.pipeline_mode<synchronous>, transform_indices = @transform_7, window_bounds = array<i64: 1, 192>}, {pipeline_mode = #tpu.pipeline_mode<synchronous>, transform_indices = @transform_8, window_bounds = array<i64: 1, 64>}, {pipeline_mode = #tpu.pipeline_mode<synchronous>, transform_indices = @transform_9, window_bounds = array<i64: 1, 64>}, {transform_indices = @transform_10, window_bounds = array<i64: 1000, 64>}, {transform_indices = @transform_11, window_bounds = array<i64: 1000, 64>}, {transform_indices = @transform_12, window_bounds = array<i64: 1000, 64>}, {transform_indices = @transform_13, window_bounds = array<i64: 1000, 64>}, {transform_indices = @transform_14, window_bounds = array<i64: 1000, 64>}, {transform_indices = @transform_15, window_bounds = array<i64: 1000, 64>}, {transform_indices = @transform_16, window_bounds = array<i64: 1000, 64>}, {transform_indices = @transform_17, window_bounds = array<i64: 1000, 64>}, {transform_indices = @transform_18, window_bounds = array<i64: 1000, 64>}]} {
    %get3A = arith.constant 0 : index
    %get3A_0 = arith.constant 0 : index
    %get3A_1 = arith.constant 0 : index
    %get3A_2 = arith.constant 0 : index
    %get3A_3 = vector.load %arg1[%get3A, %get3A_0, %get3A_1, %get3A_2] : memref<2x5x1000x128xf32, #tpu.memory_space<vmem>>, vector<1x1x1000x64xf32>
    %get3A_4 = vector.shape_cast %get3A_3 : vector<1x1x1000x64xf32> to vector<1000x64xf32>
    %get3A_5 = arith.constant 1 : index
    %get3A_6 = arith.constant 0 : index
    %get3A_7 = arith.constant 0 : index
    %get3A_8 = arith.constant 0 : index
    %get3A_9 = vector.load %arg1[%get3A_5, %get3A_6, %get3A_7, %get3A_8] : memref<2x5x1000x128xf32, #tpu.memory_space<vmem>>, vector<1x1x1000x64xf32>
    %get3A_10 = vector.shape_cast %get3A_9 : vector<1x1x1000x64xf32> to vector<1000x64xf32>
    %add3A = arith.addf %get3A_4, %get3A_10 : vector<1000x64xf32>
    %get3A_11 = arith.constant 0 : index
    %get3A_12 = arith.constant 0 : index
    %get3A_13 = arith.constant 0 : index
    %get3A_14 = arith.constant 64 : index
    %get3A_15 = vector.load %arg1[%get3A_11, %get3A_12, %get3A_13, %get3A_14] : memref<2x5x1000x128xf32, #tpu.memory_space<vmem>>, vector<1x1x1000x64xf32>
    %get3A_16 = vector.shape_cast %get3A_15 : vector<1x1x1000x64xf32> to vector<1000x64xf32>
    %get3A_17 = arith.constant 1 : index
    %get3A_18 = arith.constant 0 : index
    %get3A_19 = arith.constant 0 : index
    %get3A_20 = arith.constant 64 : index
    %get3A_21 = vector.load %arg1[%get3A_17, %get3A_18, %get3A_19, %get3A_20] : memref<2x5x1000x128xf32, #tpu.memory_space<vmem>>, vector<1x1x1000x64xf32>
    %get3A_22 = vector.shape_cast %get3A_21 : vector<1x1x1000x64xf32> to vector<1000x64xf32>
    %add3A_23 = arith.addf %get3A_16, %get3A_22 : vector<1000x64xf32>
    %get3A_24 = arith.constant 0 : index
    %get3A_25 = arith.constant 1 : index
    %get3A_26 = arith.constant 0 : index
    %get3A_27 = arith.constant 0 : index
    %get3A_28 = vector.load %arg1[%get3A_24, %get3A_25, %get3A_26, %get3A_27] : memref<2x5x1000x128xf32, #tpu.memory_space<vmem>>, vector<1x1x1000x64xf32>
    %get3A_29 = vector.shape_cast %get3A_28 : vector<1x1x1000x64xf32> to vector<1000x64xf32>
    %get3A_30 = arith.constant 1 : index
    %get3A_31 = arith.constant 1 : index
    %get3A_32 = arith.constant 0 : index
    %get3A_33 = arith.constant 0 : index
    %get3A_34 = vector.load %arg1[%get3A_30, %get3A_31, %get3A_32, %get3A_33] : memref<2x5x1000x128xf32, #tpu.memory_space<vmem>>, vector<1x1x1000x64xf32>
    %get3A_35 = vector.shape_cast %get3A_34 : vector<1x1x1000x64xf32> to vector<1000x64xf32>
    %add3A_36 = arith.addf %get3A_29, %get3A_35 : vector<1000x64xf32>
    %get3A_37 = arith.constant 0 : index
    %get3A_38 = arith.constant 1 : index
    %get3A_39 = arith.constant 0 : index
    %get3A_40 = arith.constant 64 : index
    %get3A_41 = vector.load %arg1[%get3A_37, %get3A_38, %get3A_39, %get3A_40] : memref<2x5x1000x128xf32, #tpu.memory_space<vmem>>, vector<1x1x1000x64xf32>
    %get3A_42 = vector.shape_cast %get3A_41 : vector<1x1x1000x64xf32> to vector<1000x64xf32>
    %get3A_43 = arith.constant 1 : index
    %get3A_44 = arith.constant 1 : index
    %get3A_45 = arith.constant 0 : index
    %get3A_46 = arith.constant 64 : index
    %get3A_47 = vector.load %arg1[%get3A_43, %get3A_44, %get3A_45, %get3A_46] : memref<2x5x1000x128xf32, #tpu.memory_space<vmem>>, vector<1x1x1000x64xf32>
    %get3A_48 = vector.shape_cast %get3A_47 : vector<1x1x1000x64xf32> to vector<1000x64xf32>
    %add3A_49 = arith.addf %get3A_42, %get3A_48 : vector<1000x64xf32>
    %get3A_50 = arith.constant 0 : index
    %get3A_51 = arith.constant 2 : index
    %get3A_52 = arith.constant 0 : index
    %get3A_53 = arith.constant 0 : index
    %get3A_54 = vector.load %arg1[%get3A_50, %get3A_51, %get3A_52, %get3A_53] : memref<2x5x1000x128xf32, #tpu.memory_space<vmem>>, vector<1x1x1000x64xf32>
    %get3A_55 = vector.shape_cast %get3A_54 : vector<1x1x1000x64xf32> to vector<1000x64xf32>
    %get3A_56 = arith.constant 1 : index
    %get3A_57 = arith.constant 2 : index
    %get3A_58 = arith.constant 0 : index
    %get3A_59 = arith.constant 0 : index
    %get3A_60 = vector.load %arg1[%get3A_56, %get3A_57, %get3A_58, %get3A_59] : memref<2x5x1000x128xf32, #tpu.memory_space<vmem>>, vector<1x1x1000x64xf32>
    %get3A_61 = vector.shape_cast %get3A_60 : vector<1x1x1000x64xf32> to vector<1000x64xf32>
    %add3A_62 = arith.addf %get3A_55, %get3A_61 : vector<1000x64xf32>
    %get3A_63 = arith.constant 0 : index
    %get3A_64 = arith.constant 2 : index
    %get3A_65 = arith.constant 0 : index
    %get3A_66 = arith.constant 64 : index
    %get3A_67 = vector.load %arg1[%get3A_63, %get3A_64, %get3A_65, %get3A_66] : memref<2x5x1000x128xf32, #tpu.memory_space<vmem>>, vector<1x1x1000x64xf32>
    %get3A_68 = vector.shape_cast %get3A_67 : vector<1x1x1000x64xf32> to vector<1000x64xf32>
    %get3A_69 = arith.constant 1 : index
    %get3A_70 = arith.constant 2 : index
    %get3A_71 = arith.constant 0 : index
    %get3A_72 = arith.constant 64 : index
    %get3A_73 = vector.load %arg1[%get3A_69, %get3A_70, %get3A_71, %get3A_72] : memref<2x5x1000x128xf32, #tpu.memory_space<vmem>>, vector<1x1x1000x64xf32>
    %get3A_74 = vector.shape_cast %get3A_73 : vector<1x1x1000x64xf32> to vector<1000x64xf32>
    %add3A_75 = arith.addf %get3A_68, %get3A_74 : vector<1000x64xf32>
    %get3A_76 = arith.constant 0 : index
    %get3A_77 = arith.constant 3 : index
    %get3A_78 = arith.constant 0 : index
    %get3A_79 = arith.constant 0 : index
    %get3A_80 = vector.load %arg1[%get3A_76, %get3A_77, %get3A_78, %get3A_79] : memref<2x5x1000x128xf32, #tpu.memory_space<vmem>>, vector<1x1x1000x64xf32>
    %get3A_81 = vector.shape_cast %get3A_80 : vector<1x1x1000x64xf32> to vector<1000x64xf32>
    %get3A_82 = arith.constant 1 : index
    %get3A_83 = arith.constant 3 : index
    %get3A_84 = arith.constant 0 : index
    %get3A_85 = arith.constant 0 : index
    %get3A_86 = vector.load %arg1[%get3A_82, %get3A_83, %get3A_84, %get3A_85] : memref<2x5x1000x128xf32, #tpu.memory_space<vmem>>, vector<1x1x1000x64xf32>
    %get3A_87 = vector.shape_cast %get3A_86 : vector<1x1x1000x64xf32> to vector<1000x64xf32>
    %add3A_88 = arith.addf %get3A_81, %get3A_87 : vector<1000x64xf32>
    %get3A_89 = arith.constant 0 : index
    %get3A_90 = arith.constant 3 : index
    %get3A_91 = arith.constant 0 : index
    %get3A_92 = arith.constant 64 : index
    %get3A_93 = vector.load %arg1[%get3A_89, %get3A_90, %get3A_91, %get3A_92] : memref<2x5x1000x128xf32, #tpu.memory_space<vmem>>, vector<1x1x1000x64xf32>
    %get3A_94 = vector.shape_cast %get3A_93 : vector<1x1x1000x64xf32> to vector<1000x64xf32>
    %get3A_95 = arith.constant 1 : index
    %get3A_96 = arith.constant 3 : index
    %get3A_97 = arith.constant 0 : index
    %get3A_98 = arith.constant 64 : index
    %get3A_99 = vector.load %arg1[%get3A_95, %get3A_96, %get3A_97, %get3A_98] : memref<2x5x1000x128xf32, #tpu.memory_space<vmem>>, vector<1x1x1000x64xf32>
    %get3A_100 = vector.shape_cast %get3A_99 : vector<1x1x1000x64xf32> to vector<1000x64xf32>
    %add3A_101 = arith.addf %get3A_94, %get3A_100 : vector<1000x64xf32>
    %get3A_102 = arith.constant 0 : index
    %get3A_103 = arith.constant 4 : index
    %get3A_104 = arith.constant 0 : index
    %get3A_105 = arith.constant 0 : index
    %get3A_106 = vector.load %arg1[%get3A_102, %get3A_103, %get3A_104, %get3A_105] : memref<2x5x1000x128xf32, #tpu.memory_space<vmem>>, vector<1x1x1000x64xf32>
    %get3A_107 = vector.shape_cast %get3A_106 : vector<1x1x1000x64xf32> to vector<1000x64xf32>
    %get3A_108 = arith.constant 1 : index
    %get3A_109 = arith.constant 4 : index
    %get3A_110 = arith.constant 0 : index
    %get3A_111 = arith.constant 0 : index
    %get3A_112 = vector.load %arg1[%get3A_108, %get3A_109, %get3A_110, %get3A_111] : memref<2x5x1000x128xf32, #tpu.memory_space<vmem>>, vector<1x1x1000x64xf32>
    %get3A_113 = vector.shape_cast %get3A_112 : vector<1x1x1000x64xf32> to vector<1000x64xf32>
    %add3A_114 = arith.addf %get3A_107, %get3A_113 : vector<1000x64xf32>
    %get3A_115 = arith.constant 0 : index
    %get3A_116 = arith.constant 4 : index
    %get3A_117 = arith.constant 0 : index
    %get3A_118 = arith.constant 64 : index
    %get3A_119 = vector.load %arg1[%get3A_115, %get3A_116, %get3A_117, %get3A_118] : memref<2x5x1000x128xf32, #tpu.memory_space<vmem>>, vector<1x1x1000x64xf32>
    %get3A_120 = vector.shape_cast %get3A_119 : vector<1x1x1000x64xf32> to vector<1000x64xf32>
    %get3A_121 = arith.constant 1 : index
    %get3A_122 = arith.constant 4 : index
    %get3A_123 = arith.constant 0 : index
    %get3A_124 = arith.constant 64 : index
    %get3A_125 = vector.load %arg1[%get3A_121, %get3A_122, %get3A_123, %get3A_124] : memref<2x5x1000x128xf32, #tpu.memory_space<vmem>>, vector<1x1x1000x64xf32>
    %get3A_126 = vector.shape_cast %get3A_125 : vector<1x1x1000x64xf32> to vector<1000x64xf32>
    %add3A_127 = arith.addf %get3A_120, %get3A_126 : vector<1000x64xf32>
    %add3A_128 = arith.addf %add3A_62, %add3A_75 : vector<1000x64xf32>
    %add3A_129 = arith.addf %add3A_128, %add3A_88 : vector<1000x64xf32>
    %mul3A = arith.constant 0.333333343 : f32
    %mul3A_130 = vector.broadcast %mul3A : f32 to vector<1000x64xf32>
    %mul3A_131 = arith.mulf %add3A_129, %mul3A_130 : vector<1000x64xf32>
    %sub3A = arith.subf %add3A_62, %mul3A_131 : vector<1000x64xf32>
    %sub3A_132 = arith.subf %add3A_75, %mul3A_131 : vector<1000x64xf32>
    %sub3A_133 = arith.subf %add3A_88, %mul3A_131 : vector<1000x64xf32>
    %add3A_134 = arith.addf %add3A, %sub3A : vector<1000x64xf32>
    %integer_pow3A = arith.mulf %add3A_134, %add3A_134 : vector<1000x64xf32>
    %add3A_135 = arith.addf %add3A, %sub3A_132 : vector<1000x64xf32>
    %integer_pow3A_136 = arith.mulf %add3A_135, %add3A_135 : vector<1000x64xf32>
    %add3A_137 = arith.addf %integer_pow3A, %integer_pow3A_136 : vector<1000x64xf32>
    %add3A_138 = arith.addf %add3A, %sub3A_133 : vector<1000x64xf32>
    %integer_pow3A_139 = arith.mulf %add3A_138, %add3A_138 : vector<1000x64xf32>
    %add3A_140 = arith.addf %add3A_137, %integer_pow3A_139 : vector<1000x64xf32>
    %mul3A_141 = arith.mulf %add3A_101, %add3A_101 : vector<1000x64xf32>
    %mul3A_142 = arith.mulf %add3A_49, %add3A_49 : vector<1000x64xf32>
    %add3A_143 = arith.addf %mul3A_141, %mul3A_142 : vector<1000x64xf32>
    %mul3A_144 = arith.mulf %add3A_114, %add3A_114 : vector<1000x64xf32>
    %add3A_145 = arith.addf %add3A_143, %mul3A_144 : vector<1000x64xf32>
    %mul3A_146 = arith.mulf %add3A_36, %add3A_36 : vector<1000x64xf32>
    %add3A_147 = arith.addf %add3A_145, %mul3A_146 : vector<1000x64xf32>
    %mul3A_148 = arith.mulf %add3A_127, %add3A_127 : vector<1000x64xf32>
    %add3A_149 = arith.addf %add3A_147, %mul3A_148 : vector<1000x64xf32>
    %mul3A_150 = arith.mulf %add3A_23, %add3A_23 : vector<1000x64xf32>
    %add3A_151 = arith.addf %add3A_149, %mul3A_150 : vector<1000x64xf32>
    %mul3A_152 = arith.constant 2.000000e+00 : f32
    %mul3A_153 = vector.broadcast %mul3A_152 : f32 to vector<1000x64xf32>
    %mul3A_154 = arith.mulf %mul3A_153, %add3A_151 : vector<1000x64xf32>
    %add3A_155 = arith.addf %add3A_140, %mul3A_154 : vector<1000x64xf32>
    %reduce_sum3A = arith.constant dense<0.000000e+00> : vector<1000xf32>
    %reduce_sum3A_156 = vector.multi_reduction <add>, %add3A_155, %reduce_sum3A [1] : vector<1000x64xf32> to vector<1000xf32>
    %broadcast_in_dim3A = vector.shape_cast %reduce_sum3A_156 : vector<1000xf32> to vector<1000x1xf32>
    %div3A = arith.constant 6.400000e+01 : f32
    %div3A_157 = vector.broadcast %div3A : f32 to vector<1000x1xf32>
    %div3A_158 = arith.divf %broadcast_in_dim3A, %div3A_157 : vector<1000x1xf32>
    %sub3A_159 = vector.broadcast %div3A_158 : vector<1000x1xf32> to vector<1000x64xf32>
    %sub3A_160 = arith.subf %add3A_155, %sub3A_159 : vector<1000x64xf32>
    %mul3A_161 = arith.mulf %sub3A_160, %sub3A_160 : vector<1000x64xf32>
    %reduce_sum3A_162 = arith.constant dense<0.000000e+00> : vector<1000xf32>
    %reduce_sum3A_163 = vector.multi_reduction <add>, %mul3A_161, %reduce_sum3A_162 [1] : vector<1000x64xf32> to vector<1000xf32>
    %broadcast_in_dim3A_164 = vector.shape_cast %reduce_sum3A_163 : vector<1000xf32> to vector<1000x1xf32>
    %div3A_165 = arith.constant 6.400000e+01 : f32
    %div3A_166 = vector.broadcast %div3A_165 : f32 to vector<1000x1xf32>
    %div3A_167 = arith.divf %broadcast_in_dim3A_164, %div3A_166 : vector<1000x1xf32>
    %add3A_168 = arith.constant 9.99999974E-6 : f32
    %add3A_169 = vector.broadcast %add3A_168 : f32 to vector<1000x1xf32>
    %add3A_170 = arith.addf %div3A_167, %add3A_169 : vector<1000x1xf32>
    %rsqrt3A = math.rsqrt %add3A_170 : vector<1000x1xf32>
    %mul3A_171 = vector.broadcast %rsqrt3A : vector<1000x1xf32> to vector<1000x64xf32>
    %mul3A_172 = arith.mulf %sub3A_160, %mul3A_171 : vector<1000x64xf32>
    %get3A_173 = arith.constant 0 : index
    %get3A_174 = arith.constant 0 : index
    %get3A_175 = vector.load %arg9[%get3A_173, %get3A_174] : memref<1x64xf32, #tpu.memory_space<vmem>>, vector<1x64xf32>
    %mul3A_176 = vector.broadcast %get3A_175 : vector<1x64xf32> to vector<1000x64xf32>
    %mul3A_177 = arith.mulf %mul3A_172, %mul3A_176 : vector<1000x64xf32>
    %get3A_178 = arith.constant 0 : index
    %get3A_179 = arith.constant 0 : index
    %get3A_180 = vector.load %arg10[%get3A_178, %get3A_179] : memref<1x64xf32, #tpu.memory_space<vmem>>, vector<1x64xf32>
    %add3A_181 = vector.broadcast %get3A_180 : vector<1x64xf32> to vector<1000x64xf32>
    %add3A_182 = arith.addf %mul3A_177, %add3A_181 : vector<1000x64xf32>
    %get3A_183 = arith.constant 0 : index
    %get3A_184 = arith.constant 0 : index
    %get3A_185 = vector.load %arg5[%get3A_183, %get3A_184] : memref<128x64xf32, #tpu.memory_space<vmem>>, vector<128x64xf32>
    %dot_general3A = arith.constant dense<0.000000e+00> : vector<1000x128xf32>
    %dot_general3A_186 = tpu.matmul %add3A_182, %get3A_185, %dot_general3A {dimension_numbers = #tpu.dot_dimension_numbers<[1], [1], [0], [0], [0, 0, 1, 0], [], []>, transpose_lhs_hint = false} : vector<1000x64xf32>, vector<128x64xf32>, vector<1000x128xf32> -> vector<1000x128xf32>
    %get3A_187 = arith.constant 0 : index
    %get3A_188 = arith.constant 0 : index
    %get3A_189 = vector.load %arg6[%get3A_187, %get3A_188] : memref<1x128xf32, #tpu.memory_space<vmem>>, vector<1x128xf32>
    %add3A_190 = vector.broadcast %get3A_189 : vector<1x128xf32> to vector<1000x128xf32>
    %add3A_191 = arith.addf %dot_general3A_186, %add3A_190 : vector<1000x128xf32>
    %neg3A = arith.constant 0.000000e+00 : f32
    %neg3A_192 = vector.broadcast %neg3A : f32 to vector<1000x128xf32>
    %neg3A_193 = arith.subf %neg3A_192, %add3A_191 : vector<1000x128xf32>
    %exp3A = math.exp %neg3A_193 : vector<1000x128xf32>
    %add3A_194 = arith.constant 1.000000e+00 : f32
    %add3A_195 = vector.broadcast %add3A_194 : f32 to vector<1000x128xf32>
    %add3A_196 = arith.addf %add3A_195, %exp3A : vector<1000x128xf32>
    %div3A_197 = arith.constant 1.000000e+00 : f32
    %div3A_198 = vector.broadcast %div3A_197 : f32 to vector<1000x128xf32>
    %div3A_199 = arith.divf %div3A_198, %add3A_196 : vector<1000x128xf32>
    %mul3A_200 = arith.mulf %add3A_191, %div3A_199 : vector<1000x128xf32>
    %get3A_201 = arith.constant 0 : index
    %get3A_202 = arith.constant 0 : index
    %get3A_203 = vector.load %arg7[%get3A_201, %get3A_202] : memref<192x128xf32, #tpu.memory_space<vmem>>, vector<192x128xf32>
    %dot_general3A_204 = arith.constant dense<0.000000e+00> : vector<1000x192xf32>
    %dot_general3A_205 = tpu.matmul %mul3A_200, %get3A_203, %dot_general3A_204 {dimension_numbers = #tpu.dot_dimension_numbers<[1], [1], [0], [0], [0, 0, 1, 0], [], []>, transpose_lhs_hint = false} : vector<1000x128xf32>, vector<192x128xf32>, vector<1000x192xf32> -> vector<1000x192xf32>
    %get3A_206 = arith.constant 0 : index
    %get3A_207 = arith.constant 0 : index
    %get3A_208 = vector.load %arg8[%get3A_206, %get3A_207] : memref<1x192xf32, #tpu.memory_space<vmem>>, vector<1x192xf32>
    %add3A_209 = vector.broadcast %get3A_208 : vector<1x192xf32> to vector<1000x192xf32>
    %add3A_210 = arith.addf %dot_general3A_205, %add3A_209 : vector<1000x192xf32>
    %neg3A_211 = arith.constant 0.000000e+00 : f32
    %neg3A_212 = vector.broadcast %neg3A_211 : f32 to vector<1000x192xf32>
    %neg3A_213 = arith.subf %neg3A_212, %add3A_210 : vector<1000x192xf32>
    %exp3A_214 = math.exp %neg3A_213 : vector<1000x192xf32>
    %add3A_215 = arith.constant 1.000000e+00 : f32
    %add3A_216 = vector.broadcast %add3A_215 : f32 to vector<1000x192xf32>
    %add3A_217 = arith.addf %add3A_216, %exp3A_214 : vector<1000x192xf32>
    %div3A_218 = arith.constant 1.000000e+00 : f32
    %div3A_219 = vector.broadcast %div3A_218 : f32 to vector<1000x192xf32>
    %div3A_220 = arith.divf %div3A_219, %add3A_217 : vector<1000x192xf32>
    %mul3A_221 = arith.mulf %add3A_210, %div3A_220 : vector<1000x192xf32>
    %slice3A = vector.extract_strided_slice %mul3A_221 {offsets = [0, 0], sizes = [1000, 64], strides = [1, 1]} : vector<1000x192xf32> to vector<1000x64xf32>
    %slice3A_222 = vector.extract_strided_slice %mul3A_221 {offsets = [0, 64], sizes = [1000, 64], strides = [1, 1]} : vector<1000x192xf32> to vector<1000x64xf32>
    %slice3A_223 = vector.extract_strided_slice %mul3A_221 {offsets = [0, 128], sizes = [1000, 64], strides = [1, 1]} : vector<1000x192xf32> to vector<1000x64xf32>
    %get3A_224 = arith.constant 0 : index
    %get3A_225 = arith.constant 0 : index
    %get3A_226 = vector.load %arg2[%get3A_224, %get3A_225] : memref<64x64xf32, #tpu.memory_space<vmem>>, vector<64x64xf32>
    %dot_general3A_227 = arith.constant dense<0.000000e+00> : vector<1000x64xf32>
    %dot_general3A_228 = tpu.matmul %add3A, %get3A_226, %dot_general3A_227 {dimension_numbers = #tpu.dot_dimension_numbers<[1], [1], [0], [0], [0, 0, 1, 0], [], []>, transpose_lhs_hint = false} : vector<1000x64xf32>, vector<64x64xf32>, vector<1000x64xf32> -> vector<1000x64xf32>
    %mul3A_229 = arith.mulf %dot_general3A_228, %slice3A : vector<1000x64xf32>
    %get3A_230 = arith.constant 0 : index
    %get3A_231 = arith.constant 0 : index
    %get3A_232 = vector.load %arg3[%get3A_230, %get3A_231] : memref<64x64xf32, #tpu.memory_space<vmem>>, vector<64x64xf32>
    %dot_general3A_233 = arith.constant dense<0.000000e+00> : vector<1000x64xf32>
    %dot_general3A_234 = tpu.matmul %add3A_23, %get3A_232, %dot_general3A_233 {dimension_numbers = #tpu.dot_dimension_numbers<[1], [1], [0], [0], [0, 0, 1, 0], [], []>, transpose_lhs_hint = false} : vector<1000x64xf32>, vector<64x64xf32>, vector<1000x64xf32> -> vector<1000x64xf32>
    %mul3A_235 = arith.mulf %dot_general3A_234, %slice3A_222 : vector<1000x64xf32>
    %get3A_236 = arith.constant 0 : index
    %get3A_237 = arith.constant 0 : index
    %get3A_238 = vector.load %arg3[%get3A_236, %get3A_237] : memref<64x64xf32, #tpu.memory_space<vmem>>, vector<64x64xf32>
    %dot_general3A_239 = arith.constant dense<0.000000e+00> : vector<1000x64xf32>
    %dot_general3A_240 = tpu.matmul %add3A_36, %get3A_238, %dot_general3A_239 {dimension_numbers = #tpu.dot_dimension_numbers<[1], [1], [0], [0], [0, 0, 1, 0], [], []>, transpose_lhs_hint = false} : vector<1000x64xf32>, vector<64x64xf32>, vector<1000x64xf32> -> vector<1000x64xf32>
    %mul3A_241 = arith.mulf %dot_general3A_240, %slice3A_222 : vector<1000x64xf32>
    %get3A_242 = arith.constant 0 : index
    %get3A_243 = arith.constant 0 : index
    %get3A_244 = vector.load %arg3[%get3A_242, %get3A_243] : memref<64x64xf32, #tpu.memory_space<vmem>>, vector<64x64xf32>
    %dot_general3A_245 = arith.constant dense<0.000000e+00> : vector<1000x64xf32>
    %dot_general3A_246 = tpu.matmul %add3A_49, %get3A_244, %dot_general3A_245 {dimension_numbers = #tpu.dot_dimension_numbers<[1], [1], [0], [0], [0, 0, 1, 0], [], []>, transpose_lhs_hint = false} : vector<1000x64xf32>, vector<64x64xf32>, vector<1000x64xf32> -> vector<1000x64xf32>
    %mul3A_247 = arith.mulf %dot_general3A_246, %slice3A_222 : vector<1000x64xf32>
    %get3A_248 = arith.constant 0 : index
    %get3A_249 = arith.constant 0 : index
    %get3A_250 = vector.load %arg4[%get3A_248, %get3A_249] : memref<64x64xf32, #tpu.memory_space<vmem>>, vector<64x64xf32>
    %dot_general3A_251 = arith.constant dense<0.000000e+00> : vector<1000x64xf32>
    %dot_general3A_252 = tpu.matmul %sub3A, %get3A_250, %dot_general3A_251 {dimension_numbers = #tpu.dot_dimension_numbers<[1], [1], [0], [0], [0, 0, 1, 0], [], []>, transpose_lhs_hint = false} : vector<1000x64xf32>, vector<64x64xf32>, vector<1000x64xf32> -> vector<1000x64xf32>
    %mul3A_253 = arith.mulf %dot_general3A_252, %slice3A_223 : vector<1000x64xf32>
    %get3A_254 = arith.constant 0 : index
    %get3A_255 = arith.constant 0 : index
    %get3A_256 = vector.load %arg4[%get3A_254, %get3A_255] : memref<64x64xf32, #tpu.memory_space<vmem>>, vector<64x64xf32>
    %dot_general3A_257 = arith.constant dense<0.000000e+00> : vector<1000x64xf32>
    %dot_general3A_258 = tpu.matmul %sub3A_132, %get3A_256, %dot_general3A_257 {dimension_numbers = #tpu.dot_dimension_numbers<[1], [1], [0], [0], [0, 0, 1, 0], [], []>, transpose_lhs_hint = false} : vector<1000x64xf32>, vector<64x64xf32>, vector<1000x64xf32> -> vector<1000x64xf32>
    %mul3A_259 = arith.mulf %dot_general3A_258, %slice3A_223 : vector<1000x64xf32>
    %get3A_260 = arith.constant 0 : index
    %get3A_261 = arith.constant 0 : index
    %get3A_262 = vector.load %arg4[%get3A_260, %get3A_261] : memref<64x64xf32, #tpu.memory_space<vmem>>, vector<64x64xf32>
    %dot_general3A_263 = arith.constant dense<0.000000e+00> : vector<1000x64xf32>
    %dot_general3A_264 = tpu.matmul %sub3A_133, %get3A_262, %dot_general3A_263 {dimension_numbers = #tpu.dot_dimension_numbers<[1], [1], [0], [0], [0, 0, 1, 0], [], []>, transpose_lhs_hint = false} : vector<1000x64xf32>, vector<64x64xf32>, vector<1000x64xf32> -> vector<1000x64xf32>
    %mul3A_265 = arith.mulf %dot_general3A_264, %slice3A_223 : vector<1000x64xf32>
    %get3A_266 = arith.constant 0 : index
    %get3A_267 = arith.constant 0 : index
    %get3A_268 = vector.load %arg4[%get3A_266, %get3A_267] : memref<64x64xf32, #tpu.memory_space<vmem>>, vector<64x64xf32>
    %dot_general3A_269 = arith.constant dense<0.000000e+00> : vector<1000x64xf32>
    %dot_general3A_270 = tpu.matmul %add3A_101, %get3A_268, %dot_general3A_269 {dimension_numbers = #tpu.dot_dimension_numbers<[1], [1], [0], [0], [0, 0, 1, 0], [], []>, transpose_lhs_hint = false} : vector<1000x64xf32>, vector<64x64xf32>, vector<1000x64xf32> -> vector<1000x64xf32>
    %mul3A_271 = arith.mulf %dot_general3A_270, %slice3A_223 : vector<1000x64xf32>
    %get3A_272 = arith.constant 0 : index
    %get3A_273 = arith.constant 0 : index
    %get3A_274 = vector.load %arg4[%get3A_272, %get3A_273] : memref<64x64xf32, #tpu.memory_space<vmem>>, vector<64x64xf32>
    %dot_general3A_275 = arith.constant dense<0.000000e+00> : vector<1000x64xf32>
    %dot_general3A_276 = tpu.matmul %add3A_114, %get3A_274, %dot_general3A_275 {dimension_numbers = #tpu.dot_dimension_numbers<[1], [1], [0], [0], [0, 0, 1, 0], [], []>, transpose_lhs_hint = false} : vector<1000x64xf32>, vector<64x64xf32>, vector<1000x64xf32> -> vector<1000x64xf32>
    %mul3A_277 = arith.mulf %dot_general3A_276, %slice3A_223 : vector<1000x64xf32>
    %get3A_278 = arith.constant 0 : index
    %get3A_279 = arith.constant 0 : index
    %get3A_280 = vector.load %arg4[%get3A_278, %get3A_279] : memref<64x64xf32, #tpu.memory_space<vmem>>, vector<64x64xf32>
    %dot_general3A_281 = arith.constant dense<0.000000e+00> : vector<1000x64xf32>
    %dot_general3A_282 = tpu.matmul %add3A_127, %get3A_280, %dot_general3A_281 {dimension_numbers = #tpu.dot_dimension_numbers<[1], [1], [0], [0], [0, 0, 1, 0], [], []>, transpose_lhs_hint = false} : vector<1000x64xf32>, vector<64x64xf32>, vector<1000x64xf32> -> vector<1000x64xf32>
    %mul3A_283 = arith.mulf %dot_general3A_282, %slice3A_223 : vector<1000x64xf32>
    %add3A_284 = arith.addf %mul3A_229, %mul3A_253 : vector<1000x64xf32>
    %swap3A = arith.constant 0 : index
    %swap3A_285 = arith.constant 0 : index
    %swap3A_286 = vector.load %arg11[%swap3A, %swap3A_285] : memref<1000x64xf32, #tpu.memory_space<vmem>>, vector<1000x64xf32>
    tpu.vector_store %arg11[%swap3A, %swap3A_285], %add3A_284 {strides = array<i32>} : memref<1000x64xf32, #tpu.memory_space<vmem>>, vector<1000x64xf32>,
    %sub3A_287 = arith.subf %mul3A_271, %mul3A_247 : vector<1000x64xf32>
    %swap3A_288 = arith.constant 0 : index
    %swap3A_289 = arith.constant 0 : index
    %swap3A_290 = vector.load %arg12[%swap3A_288, %swap3A_289] : memref<1000x64xf32, #tpu.memory_space<vmem>>, vector<1000x64xf32>
    tpu.vector_store %arg12[%swap3A_288, %swap3A_289], %sub3A_287 {strides = array<i32>} : memref<1000x64xf32, #tpu.memory_space<vmem>>, vector<1000x64xf32>,
    %add3A_291 = arith.addf %mul3A_277, %mul3A_241 : vector<1000x64xf32>
    %swap3A_292 = arith.constant 0 : index
    %swap3A_293 = arith.constant 0 : index
    %swap3A_294 = vector.load %arg13[%swap3A_292, %swap3A_293] : memref<1000x64xf32, #tpu.memory_space<vmem>>, vector<1000x64xf32>
    tpu.vector_store %arg13[%swap3A_292, %swap3A_293], %add3A_291 {strides = array<i32>} : memref<1000x64xf32, #tpu.memory_space<vmem>>, vector<1000x64xf32>,
    %add3A_295 = arith.addf %mul3A_271, %mul3A_247 : vector<1000x64xf32>
    %swap3A_296 = arith.constant 0 : index
    %swap3A_297 = arith.constant 0 : index
    %swap3A_298 = vector.load %arg14[%swap3A_296, %swap3A_297] : memref<1000x64xf32, #tpu.memory_space<vmem>>, vector<1000x64xf32>
    tpu.vector_store %arg14[%swap3A_296, %swap3A_297], %add3A_295 {strides = array<i32>} : memref<1000x64xf32, #tpu.memory_space<vmem>>, vector<1000x64xf32>,
    %add3A_299 = arith.addf %mul3A_229, %mul3A_259 : vector<1000x64xf32>
    %swap3A_300 = arith.constant 0 : index
    %swap3A_301 = arith.constant 0 : index
    %swap3A_302 = vector.load %arg15[%swap3A_300, %swap3A_301] : memref<1000x64xf32, #tpu.memory_space<vmem>>, vector<1000x64xf32>
    tpu.vector_store %arg15[%swap3A_300, %swap3A_301], %add3A_299 {strides = array<i32>} : memref<1000x64xf32, #tpu.memory_space<vmem>>, vector<1000x64xf32>,
    %sub3A_303 = arith.subf %mul3A_283, %mul3A_235 : vector<1000x64xf32>
    %swap3A_304 = arith.constant 0 : index
    %swap3A_305 = arith.constant 0 : index
    %swap3A_306 = vector.load %arg16[%swap3A_304, %swap3A_305] : memref<1000x64xf32, #tpu.memory_space<vmem>>, vector<1000x64xf32>
    tpu.vector_store %arg16[%swap3A_304, %swap3A_305], %sub3A_303 {strides = array<i32>} : memref<1000x64xf32, #tpu.memory_space<vmem>>, vector<1000x64xf32>,
    %sub3A_307 = arith.subf %mul3A_277, %mul3A_241 : vector<1000x64xf32>
    %swap3A_308 = arith.constant 0 : index
    %swap3A_309 = arith.constant 0 : index
    %swap3A_310 = vector.load %arg17[%swap3A_308, %swap3A_309] : memref<1000x64xf32, #tpu.memory_space<vmem>>, vector<1000x64xf32>
    tpu.vector_store %arg17[%swap3A_308, %swap3A_309], %sub3A_307 {strides = array<i32>} : memref<1000x64xf32, #tpu.memory_space<vmem>>, vector<1000x64xf32>,
    %add3A_311 = arith.addf %mul3A_283, %mul3A_235 : vector<1000x64xf32>
    %swap3A_312 = arith.constant 0 : index
    %swap3A_313 = arith.constant 0 : index
    %swap3A_314 = vector.load %arg18[%swap3A_312, %swap3A_313] : memref<1000x64xf32, #tpu.memory_space<vmem>>, vector<1000x64xf32>
    tpu.vector_store %arg18[%swap3A_312, %swap3A_313], %add3A_311 {strides = array<i32>} : memref<1000x64xf32, #tpu.memory_space<vmem>>, vector<1000x64xf32>,
    %add3A_315 = arith.addf %mul3A_229, %mul3A_265 : vector<1000x64xf32>
    %swap3A_316 = arith.constant 0 : index
    %swap3A_317 = arith.constant 0 : index
    %swap3A_318 = vector.load %arg19[%swap3A_316, %swap3A_317] : memref<1000x64xf32, #tpu.memory_space<vmem>>, vector<1000x64xf32>
    tpu.vector_store %arg19[%swap3A_316, %swap3A_317], %add3A_315 {strides = array<i32>} : memref<1000x64xf32, #tpu.memory_space<vmem>>, vector<1000x64xf32>,
    return
  }
  func.func @transform_0(%arg0: i32) -> (i32, i32, i32, i32) {
    %c0_i32 = arith.constant 0 : i32
    %c0_i32_0 = arith.constant 0 : i32
    %c0_i32_1 = arith.constant 0 : i32
    %c0_i32_2 = arith.constant 0 : i32
    return %c0_i32, %c0_i32_0, %arg0, %c0_i32_1 : i32, i32, i32, i32
  }
  func.func @transform_1(%arg0: i32) -> (i32, i32) {
    %c0_i32 = arith.constant 0 : i32
    %c0_i32_0 = arith.constant 0 : i32
    %c0_i32_1 = arith.constant 0 : i32
    return %c0_i32, %c0_i32_0 : i32, i32
  }
  func.func @transform_2(%arg0: i32) -> (i32, i32) {
    %c0_i32 = arith.constant 0 : i32
    %c0_i32_0 = arith.constant 0 : i32
    %c0_i32_1 = arith.constant 0 : i32
    return %c0_i32, %c0_i32_0 : i32, i32
  }
  func.func @transform_3(%arg0: i32) -> (i32, i32) {
    %c0_i32 = arith.constant 0 : i32
    %c0_i32_0 = arith.constant 0 : i32
    %c0_i32_1 = arith.constant 0 : i32
    return %c0_i32, %c0_i32_0 : i32, i32
  }
  func.func @transform_4(%arg0: i32) -> (i32, i32) {
    %c0_i32 = arith.constant 0 : i32
    %c0_i32_0 = arith.constant 0 : i32
    %c0_i32_1 = arith.constant 0 : i32
    return %c0_i32, %c0_i32_0 : i32, i32
  }
  func.func @transform_5(%arg0: i32) -> (i32, i32) {
    %c0_i32 = arith.constant 0 : i32
    %c0_i32_0 = arith.constant 0 : i32
    %c0_i32_1 = arith.constant 0 : i32
    return %c0_i32, %c0_i32_0 : i32, i32
  }
  func.func @transform_6(%arg0: i32) -> (i32, i32) {
    %c0_i32 = arith.constant 0 : i32
    %c0_i32_0 = arith.constant 0 : i32
    %c0_i32_1 = arith.constant 0 : i32
    return %c0_i32, %c0_i32_0 : i32, i32
  }
  func.func @transform_7(%arg0: i32) -> (i32, i32) {
    %c0_i32 = arith.constant 0 : i32
    %c0_i32_0 = arith.constant 0 : i32
    %c0_i32_1 = arith.constant 0 : i32
    return %c0_i32, %c0_i32_0 : i32, i32
  }
  func.func @transform_8(%arg0: i32) -> (i32, i32) {
    %c0_i32 = arith.constant 0 : i32
    %c0_i32_0 = arith.constant 0 : i32
    %c0_i32_1 = arith.constant 0 : i32
    return %c0_i32, %c0_i32_0 : i32, i32
  }
  func.func @transform_9(%arg0: i32) -> (i32, i32) {
    %c0_i32 = arith.constant 0 : i32
    %c0_i32_0 = arith.constant 0 : i32
    %c0_i32_1 = arith.constant 0 : i32
    return %c0_i32, %c0_i32_0 : i32, i32
  }
  func.func @transform_10(%arg0: i32) -> (i32, i32) {
    %c0_i32 = arith.constant 0 : i32
    %c0_i32_0 = arith.constant 0 : i32
    return %arg0, %c0_i32 : i32, i32
  }
  func.func @transform_11(%arg0: i32) -> (i32, i32) {
    %c0_i32 = arith.constant 0 : i32
    %c0_i32_0 = arith.constant 0 : i32
    return %arg0, %c0_i32 : i32, i32
  }
  func.func @transform_12(%arg0: i32) -> (i32, i32) {
    %c0_i32 = arith.constant 0 : i32
    %c0_i32_0 = arith.constant 0 : i32
    return %arg0, %c0_i32 : i32, i32
  }
  func.func @transform_13(%arg0: i32) -> (i32, i32) {
    %c0_i32 = arith.constant 0 : i32
    %c0_i32_0 = arith.constant 0 : i32
    return %arg0, %c0_i32 : i32, i32
  }
  func.func @transform_14(%arg0: i32) -> (i32, i32) {
    %c0_i32 = arith.constant 0 : i32
    %c0_i32_0 = arith.constant 0 : i32
    return %arg0, %c0_i32 : i32, i32
  }
  func.func @transform_15(%arg0: i32) -> (i32, i32) {
    %c0_i32 = arith.constant 0 : i32
    %c0_i32_0 = arith.constant 0 : i32
    return %arg0, %c0_i32 : i32, i32
  }
  func.func @transform_16(%arg0: i32) -> (i32, i32) {
    %c0_i32 = arith.constant 0 : i32
    %c0_i32_0 = arith.constant 0 : i32
    return %arg0, %c0_i32 : i32, i32
  }
  func.func @transform_17(%arg0: i32) -> (i32, i32) {
    %c0_i32 = arith.constant 0 : i32
    %c0_i32_0 = arith.constant 0 : i32
    return %arg0, %c0_i32 : i32, i32
  }
  func.func @transform_18(%arg0: i32) -> (i32, i32) {
    %c0_i32 = arith.constant 0 : i32
    %c0_i32_0 = arith.constant 0 : i32
    return %arg0, %c0_i32 : i32, i32
  }
}

</mosaic_0001>

<sc_bundles>
// kernel: kernel.6.cloned.1.call-start
scs
__scs_entry_jumppad:
0x0: {  	(pc) =	sbr.rel $0x88, $3  }
0x1: {  	(tag) =	ssettag $0x0;
	lr =	simm.s32 $0x1  }
0x2: {  	[smem:$0x3F8B] =	sst lr;
	_ =	strace $0xD0000000  }
0x3: {  	_ = 	snop  }
0x4: {  	_ = 	snop  }
0x5: {  	_ = 	snop  }
0x6: {  	_ = 	snop  }
0x7: {  	_ = 	snop  }
__scs_overlays_trampoline_lowered:
0x8: {  	[smem:$0x3F9A] =	sst s0  }
0x9: {  	[smem:$0x3F9B] =	sst s1  }
0xa: {  	[smem:$0x3F9C] =	sst s2  }
0xb: {  	[smem:$0x3F9D] =	sst s3  }
0xc: {  	[smem:$0x3F9E] =	sst s4  }
0xd: {  	[smem:$0x3F9F] =	sst s5  }
0xe: {  	[smem:$0x3FA0] =	sst s6  }
0xf: {  	[smem:$0x3FA1] =	sst s7  }
0x10: {  	[smem:$0x3FA2] =	sst s8  }
0x11: {  	[smem:$0x3FA3] =	sst s9;
	s0 =	simm.s32 @!p0 $0x0  }
0x12: {  	s1 =	sld [smem:$0x3F89];
	s0 =	simm.s32 @p0 $0x1  }
0x13: {  	[smem:$0x3FA4] =	sst s0;
	s0 =	simm.s32 @!p1 $0x0  }
0x14: {  	s2 =	sld [smem:$0x3F88];
	s0 =	simm.s32 @p1 $0x1  }
0x15: {  	[smem:$0x3FA5] =	sst s0;
	s0 =	simm.s32 @!p2 $0x0  }
0x16: {  	s3 =	sld [smem:$0x3FDB];
	s0 =	simm.s32 @p2 $0x1  }
0x17: {  	s4 =	simm.s32 $0x1BF5;
	[smem:$0x3FA7] =	sst s0  }
0x18: {  	s0 =	sld [smem:$0x3F8A];
	_ =	swait.ge [sflag:s4], $0x0  }
0x19: {  	s7 =	sld [smem:$0x3F8B]  }
0x1a: {  	s8 =	sadd.s32 $0xFFFFE003, lr  }
0x1b: {  	s9 =	sadd.s32 $0xFFFFFEF7, lr;
	s5 =	simm.s32 $0xFFFFFFFF;
	p2 =	slt.u32 s8, $0xFFFFF086  }
0x1c: {  	p1 =	slt.u32 s9, $0xF7A;
	s5 =	simm.s32 @!p2 $0x0  }
0x1d: {  	s5 =	simm.s32 @p1 $0x1;
	p0 =	seq.s32 s7, s2  }
0x1e: {  	s7 =	smul.u32 @!p0 $0xF7A, s2;
	p2 =	seq.s32 @!p0 s5, $0x0  }
0x1f: {  	s9 =	smul.u32 $0xF7A, s1;
	s8 =	simm.s32 @!p0 $0x1BF5;
	p2 =	por !p2, p0  }
0x20: {  	[sflag:s8] =	ssyncset.s32 @!p0 $0xFFFFF086;
	s6 =	sadd.s32 @!p0 s3, s7;
	s7 =	simm.s32 @!p0 $0x108  }
0x21: {  	s3 =	sadd.s32 s3, s9;
	s6 =	sadd.s32 @!p0 $0x88, s6;
	s7 =	simm.s32 @p2 $0x1082  }
0x22: {  	[simem:s7], [sflag:s8] =	dma.local @!p0 [hbm:s6], $0xF7A  }
0x23: {  	s9 =	sor.u32 $0xD0000000, s2;
	s6 =	simm.s32 $0x108;
	_ =	swait.ge @!p0 [sflag:s8], $0x0  }
0x24: {  	s3 =	sadd.s32 $0x88, s3;
	s6 =	simm.s32 @!p1 $0x1082;
	[sflag:s4] =	ssyncset.s32 $0xFFFFF086  }
0x25: {  	[simem:s6], [sflag:s4] =	dma.local [hbm:s3], $0xF7A  }
0x26: {  	[smem:$0x3F8B] =	sst s1;
	(tag) =	ssettag s2;
	_ =	strace s9  }
0x27: {  	s1 =	sld [smem:$0x3F9B]  }
0x28: {  	s2 =	sld [smem:$0x3F9C]  }
0x29: {  	s4 =	sld [smem:$0x3F9E]  }
0x2a: {  	p0 =	seq.s32 s5, $0x0;
	s5 =	sld [smem:$0x3F9F]  }
0x2b: {  	s6 =	sld [smem:$0x3FA0]  }
0x2c: {  	s7 =	sld [smem:$0x3FA1]  }
0x2d: {  	s3 =	simm.s32 $0x108;
	s8 =	sld [smem:$0x3FA2]  }
0x2e: {  	s3 =	simm.s32 @!p0 $0x1082;
	s9 =	sld [smem:$0x3FA3]  }
0x2f: {  	lr =	sadd.s32 s0, s3;
	s0 =	sld [smem:$0x3F9A]  }
0x30: {  	s3 =	sld [smem:$0x3F9D]  }
0x31: {  	[smem:$0x3FA6] =	sst s10  }
0x32: {  	s10 =	sld [smem:$0x3FA4];
	_ =	sdelay $0x3  }
0x33: {  	p0 =	seq.s32 s10, $0x1;
	s10 =	sld [smem:$0x3FA6];
	_ =	sdelay $0x3  }
0x34: {  	[smem:$0x3FA6] =	sst s10  }
0x35: {  	s10 =	sld [smem:$0x3FA5];
	_ =	sdelay $0x3  }
0x36: {  	p1 =	seq.s32 s10, $0x1;
	s10 =	sld [smem:$0x3FA6];
	_ =	sdelay $0x3  }
0x37: {  	[smem:$0x3FA6] =	sst s10  }
0x38: {  	s10 =	sld [smem:$0x3FA7]  }
0x39: {  	_ = 	snop;
	(pc) =	sbr.ind lr, $3  }
0x3a: {  	_ = 	snop  }
0x3b: {  	_ = 	snop  }
0x3c: {  	p2 =	seq.s32 s10, $0x1;
	s10 =	sld [smem:$0x3FA6]  }
0x3d: {  	_ =	shalt  }
0x3e: {  	_ =	shalt  }
0x3f: {  	_ =	shalt  }
0x40: {  	_ =	shalt  }
0x41: {  	_ =	shalt  }
0x42: {  	_ =	shalt  }
0x43: {  	_ =	shalt  }
0x44: {  	_ =	shalt  }
0x45: {  	_ =	shalt  }
0x46: {  	_ =	shalt  }
0x47: {  	_ =	shalt  }
0x48: {  	_ =	shalt  }
0x49: {  	_ =	shalt  }
0x4a: {  	_ =	shalt  }
0x4b: {  	_ =	shalt  }
0x4c: {  	_ =	shalt  }
0x4d: {  	_ =	shalt  }
0x4e: {  	_ =	shalt  }
0x4f: {  	_ =	shalt  }
0x50: {  	_ =	shalt  }
0x51: {  	_ =	shalt  }
0x52: {  	_ =	shalt  }
0x53: {  	_ =	shalt  }
0x54: {  	_ =	shalt  }
0x55: {  	_ =	shalt  }
0x56: {  	_ =	shalt  }
0x57: {  	_ =	shalt  }
0x58: {  	_ =	shalt  }
0x59: {  	_ =	shalt  }
0x5a: {  	_ =	shalt  }
0x5b: {  	_ =	shalt  }
0x5c: {  	_ =	shalt  }
0x5d: {  	_ =	shalt  }
0x5e: {  	_ =	shalt  }
0x5f: {  	_ =	shalt  }
0x60: {  	_ =	shalt  }
0x61: {  	_ =	shalt  }
0x62: {  	_ =	shalt  }
0x63: {  	_ =	shalt  }
0x64: {  	_ =	shalt  }
0x65: {  	_ =	shalt  }
0x66: {  	_ =	shalt  }
0x67: {  	_ =	shalt  }
0x68: {  	_ =	shalt  }
0x69: {  	_ =	shalt  }
0x6a: {  	_ =	shalt  }
0x6b: {  	_ =	shalt  }
0x6c: {  	_ =	shalt  }
0x6d: {  	_ =	shalt  }
0x6e: {  	_ =	shalt  }
0x6f: {  	_ =	shalt  }
0x70: {  	_ =	shalt  }
0x71: {  	_ =	shalt  }
0x72: {  	_ =	shalt  }
0x73: {  	_ =	shalt  }
0x74: {  	_ =	shalt  }
0x75: {  	_ =	shalt  }
0x76: {  	_ =	shalt  }
0x77: {  	_ =	shalt  }
0x78: {  	_ =	shalt  }
0x79: {  	_ =	shalt  }
0x7a: {  	_ =	shalt  }
0x7b: {  	_ =	shalt  }
0x7c: {  	_ =	shalt  }
0x7d: {  	_ =	shalt  }
0x7e: {  	_ =	shalt  }
0x7f: {  	_ =	shalt  }
0x80: {  	_ =	shalt  }
0x81: {  	_ =	shalt  }
0x82: {  	_ =	shalt  }
0x83: {  	_ =	shalt  }
0x84: {  	_ =	shalt  }
0x85: {  	_ =	shalt  }
0x86: {  	_ =	shalt  }
0x87: {  	_ =	shalt  }
.Lfunc_end0:
.L_simem_size_0:
called_computation_lowered:
.L_overlay_start_0:
0x88: {  	s2 =	sld [smem:$0x3FD9]  }
0x89: {  	s3 =	sld [smem:$0x3FFE];
	_ =	sdelay $0x1  }
0x8a: {  	s1 =	srdreg.scid  }
0x8b: {  	s0 =	sand.u32 $0x1, s1  }
0x8c: {  	s15 =	sshll.u32 s0, $0xA;
	s2 =	sadd.s32 s3, s2  }
0x8d: {  	s2 =	sadd.s32 s2, s15  }
0x8e: {  	[smem:$0x3FB2] =	sst s2  }
0x8f: {  	_ = 	snop  }
0x90: {  	s2 =	sld [smem:$0x3FD0];
	_ =	sdelay $0x2  }
0x91: {  	s4 =	simm.s32 $0xA;
	s5 =	simm.s32 $0x10;
	s16 =	sld [smem:$0x3FC9]  }
0x92: {  	[smem:s5], [sflag:s4] =	dma.local [hbm:s2], $0x1  }
0x93: {  	_ =	swait.eq [sflag:s4], $0x1  }
0x94: {  	[sflag:s4] =	ssyncset.done $0x0  }
0x95: {  	s17 =	sld [smem:$0x10];
	[sflag:s4] =	ssyncadd.s32 $0xFFFFFFFF  }
0x96: {  	s18 =	sld [smem:$0x11];
	(tm) =	ssettm $0x1  }
0x97: {  	s19 =	sld [smem:$0x3FFB];
	_ =	sdelay $0x3  }
0x98: {  	_ =	strace s19  }
0x99: {  	s5 =	sld [smem:$0x3FFC];
	_ =	sdelay $0x3  }
0x9a: {  	_ =	strace s5  }
0x9b: {  	s5 =	sld [smem:$0x3FFD];
	_ =	sdelay $0x3  }
0x9c: {  	_ =	strace s5  }
0x9d: {  	_ =	strace $0x8FFFFFFF  }
0x9e: {  	s20 =	sld [smem:$0x3FDB];
	_ =	sdelay $0x1  }
0x9f: {  	s6 =	simm.s32 $_scs_section_size  }
0xa0: {  	s7 =	simm.s32 $_size__tile_overlayer_lowered;
	s8 =	simm.s32 $_tile_overlayer_lowered  }
0xa1: {  	s23 =	simm.s32 $0x1BFF;
	s22 =	sshll.u32 s8, $0x1;
	s5 =	sadd.s32 s6, s20  }
0xa2: {  	s9 =	simm.s32 $0x0;
	s21 =	sshll.u32 s7, $0x1;
	s7 =	sadd.s32 s22, s5  }
0xa3: {  	[timem:s9], [sflag:s23] =	dma.local [hbm:s7], s21  }
0xa4: {  	_ =	swait.ge [sflag:s23], s21  }
0xa5: {  	s6 =	ssub.s32 $0x0, s21;
	[sflag:s23] =	ssyncset.done $0x0  }
0xa6: {  	[sflag:s23] =	ssyncadd.s32 s6;
	_ =	sdelay $0x1  }
0xa7: {  	s24 =	simm.s32 $0x1B8B  }
0xa8: {  	_ =	swait.ge [sflag:s24], $0x1  }
0xa9: {  	[sflag:s24] =	ssyncset.done $0x0  }
0xaa: {  	s25 =	simm.s32 $0x1B8E;
	[sflag:s24] =	ssyncadd.s32 $0xFFFFFFFF  }
0xab: {  	s26 =	simm.s32 $execute0_lowered;
	[smem:$0x3FD2] =	sst s25  }
0xac: {  	s6 =	sshll.u32 s26, $0x1;
	_ =	strace $0x80000046;
	[dreg:$0x1] =	wrdreg $0xFFFFFFFF  }
0xad: {  	s28 =	simm.s32 $_size_execute0_lowered;
	s5 =	sadd.s32 s5, s6;
	[dreg:$0x0] =	wrdreg $0x0  }
0xae: {  	s6 =	sshll.u32 s28, $0x1;
	[dreg:$0x2] =	wrdreg s5  }
0xaf: {  	[dreg:$0x3] =	wrdreg s6  }
0xb0: {  	[dreg:$0x4] =	wrdreg $0xC0  }
0xb1: {  	_ =	task [dreg:s9], $0x5FFFF  }
0xb2: {  	[dreg:$0x1] =	wrdreg $0xFFFFFFFF  }
0xb3: {  	[dreg:$0x0] =	wrdreg $0x60  }
0xb4: {  	[dreg:$0x2] =	wrdreg s16  }
0xb5: {  	[dreg:$0x3] =	wrdreg s18  }
0xb6: {  	[dreg:$0x4] =	wrdreg s17  }
0xb7: {  	[dreg:$0x5] =	wrdreg $0x9  }
0xb8: {  	_ =	task.clear_ibuf [dreg:s9], $0x6FFFF;
	_ =	strace $0x90000046  }
0xb9: {  	s29 =	simm.s32 $0x9;
	_ =	strace $0x80000048  }
0xba: {  	_ =	swait.ge [sflag:s29], $0x1  }
0xbb: {  	[sflag:s29] =	ssyncadd.s32 $0xFFFFFFFF  }
0xbc: {  	_ =	strace $0x90000048  }
0xbd: {  	_ =	sfence  }
0xbe: {  	s30 =	sld [smem:$0x0];
	_ =	sdelay $0x2  }
0xbf: {  	s31 =	sshll.u32 s1, $0xD;
	s1 =	sshrl.u32 s1, $0x2  }
0xc0: {  	s3 =	sand.u32 $0x4000, s31;
	s1 =	sadd.s32 s1, s30  }
0xc1: {  	s0 =	sor.u32 s3, s0;
	s1 =	sshll.u32 s1, $0x11  }
0xc2: {  	s0 =	sor.u32 s1, s0  }
0xc3: {  	s0 =	sadd.s32 $0x8F2B, s0  }
0xc4: {  	[sflag:s0] =	ssyncadd.remote.s32 $0x1  }
0xc5: {  	_ =	sfence.sel $0xFFFF  }
0xc6: {  	[dreg:$0x0] =	wrdreg $0xFFFFFFFF;
	(pc) =	sbr.abs _section_cstart, $3  }
0xc7: {  	[dreg:$0x1] =	wrdreg $0xFFFFFFFF  }
0xc8: {  	_ =	task.clear_ibuf [dreg:s9], $0x2FFFF;
	_ =	strace $0x9FFFFFFF  }
0xc9: {  	(tm) =	ssettm $0x7FFFFFFF  }
tec
execute0_lowered:
.L_overlay_start_1:
0x0: {  	(tag) =	ssettag $0x1  }
0x1: {  	s1 =	rddreg [dreg:$0x0]  }
0x2: {  	s2 =	rddreg [dreg:$0x1]  }
0x3: {  	s3 =	rddreg [dreg:$0x2]  }
0x4: {  	s4 =	srdreg.scid;
	s0 =	rddreg [dreg:$0x3];
	s5 =	simm.s32 $0x0  }
0x5: {  	s10 =	simm.s32 $0x2F80;
	s11 =	simm.s32 $0x0;
	s6 =	sand.u32 $0x1, s4  }
0x6: {  	s4 =	stileid.u32;
	[smem:$0x7FF] =	sst s5;
	s7 =	ssub.s32 $0x2, s6  }
0x7: {  	s9 =	sshll.u32 s4, $0x1;
	_ =	strace $0x80000047;
	s8 =	sshrl.u32 s7, $0x1  }
0x8: {  	s6 =	sor.u32 s6, s9;
	s9 =	simm.s32 $0x2780;
	s7 =	ssub.s32 s7, s8  }
0x9: {  	s6 =	smul.u32 $0x2710, s6;
	s8 =	simm.s32 $0x1;
	s7 =	smax.u32 s7, $0x1  }
.LBB2_1:
0xa: {  	[tilespmem:s5], [sflag:$0x1] =	stream.linear.gather [hbm4b:s1+s5], $0x2780, $0x38;
	[tilespmem:$0x3780] =	vst v63  }
0xb: {  	_ =	swait.ge [sflag:s8], $0x2780  }
0xc: {  	[sflag:s8] =	ssyncset.done $0x0  }
0xd: {  	s12 =	simm.s32 $0x0;
	[sflag:s8] =	ssyncadd.s32 $0xFFFFD880  }
.LBB2_2:
0xe: {  	s13 =	smul.u32 $0x7D0, s12;
	_ =	sdelay $0x1  }
0xf: {  	s13 =	sadd.s32 s6, s13  }
0x10: {  	s13 =	sshrl.u32 s13, $0x3  }
0x11: {  	s15 =	simm.s32 $0x0;
	s14 =	sadd.s32 s2, s13  }
0x12: {  	[tilespmem:s9], [sflag:$0x1] =	stream.linear.gather [hbm4b:s14+s15], $0x7D0, $0x38;
	[tilespmem:$0x3780] =	vst v63  }
0x13: {  	_ =	swait.ge [sflag:s8], $0x7D0  }
0x14: {  	[sflag:s8] =	ssyncset.done $0x0  }
0x15: {  	s14 =	simm.s32 $0x0;
	[sflag:s8] =	ssyncadd.s32 $0xFFFFF830  }
0x16: {  	v0 =	vld [tilespmem:s14+$0x2780];
	_ =	sdelay $0x7  }
0x17: {  	s16 =	simm.s32 $0x80;
	s15 =	simm.s32 $0x10;
	v0 =	vld.idx.msk [tilespmem:v0+s5+$0x0], $0xffff  }
.LBB2_3:
0x18: {  	p0 =	sne.s32 s16, $0x1F00;
	v1 =	vld [tilespmem:s15+$0x2780];
	_ =	sdelay $0x3  }
.Ltmp0:
0x19: {  	(pc) =	sbr.rel @p0 .LBB2_3-.Ltmp0, $2  }
0x1a: {  	[tilespmem:s14+$0x2F80] =	vst v0;
	s14 =	smov.u32 s15;
	_ =	sdelay $0x2  }
0x1b: {  	s15 =	sshra.s32 s16, $0x2;
	s16 =	sadd.s32 $0x40, s16;
	v0 =	vld.idx.msk [tilespmem:v1+s5+$0x0], $0xffff  }
0x1c: {  	v1 =	vld [tilespmem:s15+$0x2780];
	_ =	sdelay $0x6  }
0x1d: {  	[tilespmem:s14+$0x2F80] =	vst v0  }
0x1e: {  	v0 =	vld.idx.msk [tilespmem:v1+s5+$0x0], $0xffff;
	_ =	sdelay $0x2  }
0x1f: {  	s12 =	sadd.s32 $0x1, s12  }
0x20: {  	p0 =	sne.s32 s12, $0x5  }
.Ltmp1:
0x21: {  	s13 =	sadd.s32 s3, s13;
	[tilespmem:s15+$0x2F80] =	vst v0;
	(pc) =	sbr.rel @p0 .LBB2_2-.Ltmp1, $4  }
0x22: {  	[hbm4b:s13+s5] =	stream.linear.scatter [tilespmem:s10], [sflag:$0x1], $0x7D0, $0x38;
	[tilespmem:$0x3780] =	vst v63  }
0x23: {  	_ =	swait.ge [sflag:s8], $0x7D0  }
0x24: {  	[sflag:s8] =	ssyncset.done $0x0  }
0x25: {  	[sflag:s8] =	ssyncadd.s32 $0xFFFFF830  }
0x26: {  	s11 =	sadd.s32 $0x1, s11  }
0x27: {  	p0 =	sne.s32 s11, s7  }
.Ltmp2:
0x28: {  	_ = 	snop;
	(pc) =	sbr.rel @p0 .LBB2_1-.Ltmp2, $1  }
0x29: {  	_ =	sdelay $0x3  }
0x2a: {  	_ =	sfence.sel $0x180000  }
0x2b: {  	[bflag:$0x0] =	sbarrier.arrive $0xFFFF  }
0x2c: {  	p0 =	sne.s32 s4, $0x0;
	_ =	strace $0x90000047  }
0x2d: {  	s0 =	sadd.s32 @!p0 $0x100000, s0;
	[bflag:$0x2] =	sbarrier.arrive $0xFFFF  }
0x2e: {  	[sflag:s0] =	ssyncadd.tile.s32 @!p0 $0x1;
	_ =	shalt  }
.Lfunc_end2:
_tile_overlayer_lowered:
.L_overlay_start_2:
0x2f: {  	(tag) =	ssettag $0x2  }
0x30: {  	s0 =	rddreg [dreg:$0x0];
	s2 =	stileid.u32  }
0x31: {  	s1 =	rddreg [dreg:$0x1];
	p0 =	sne.s32 s2, $0x0  }
0x32: {  	s3 =	rddreg [dreg:$0x2];
	[bflag:$0x3] =	sbarrier.arrive $0xFFFF;
	s2 =	simm.s32 @!p0 $0x1C01  }
0x33: {  	[timem:s3], [sflag:s2] =	dma.local @!p0 [hbm:s0], s1  }
0x34: {  	s0 =	simm.s32 @!p0 $0x1  }
0x35: {  	_ =	swait.ge @!p0 [sflag:s0], s1  }
0x36: {  	s1 =	ssub.s32 @!p0 $0x0, s1;
	[sflag:s0] =	ssyncset.done @!p0 $0x0  }
0x37: {  	[sflag:s0] =	ssyncadd.s32 @!p0 s1  }
0x38: {  	[bflag:$0x3] =	sbarrier.arrive $0xFFFF  }
0x39: {  	_ =	shalt  }

// kernel: kernel.9.cloned.1.call-start
scs
__scs_entry_jumppad:
0x0: {  	(pc) =	sbr.rel $0x88, $3  }
0x1: {  	(tag) =	ssettag $0x0;
	lr =	simm.s32 $0x1  }
0x2: {  	[smem:$0x3F8B] =	sst lr;
	_ =	strace $0xD0000000  }
0x3: {  	_ = 	snop  }
0x4: {  	_ = 	snop  }
0x5: {  	_ = 	snop  }
0x6: {  	_ = 	snop  }
0x7: {  	_ = 	snop  }
__scs_overlays_trampoline_lowered:
0x8: {  	[smem:$0x3F9A] =	sst s0  }
0x9: {  	[smem:$0x3F9B] =	sst s1  }
0xa: {  	[smem:$0x3F9C] =	sst s2  }
0xb: {  	[smem:$0x3F9D] =	sst s3  }
0xc: {  	[smem:$0x3F9E] =	sst s4  }
0xd: {  	[smem:$0x3F9F] =	sst s5  }
0xe: {  	[smem:$0x3FA0] =	sst s6  }
0xf: {  	[smem:$0x3FA1] =	sst s7  }
0x10: {  	[smem:$0x3FA2] =	sst s8  }
0x11: {  	[smem:$0x3FA3] =	sst s9;
	s0 =	simm.s32 @!p0 $0x0  }
0x12: {  	s1 =	sld [smem:$0x3F89];
	s0 =	simm.s32 @p0 $0x1  }
0x13: {  	[smem:$0x3FA4] =	sst s0;
	s0 =	simm.s32 @!p1 $0x0  }
0x14: {  	s2 =	sld [smem:$0x3F88];
	s0 =	simm.s32 @p1 $0x1  }
0x15: {  	[smem:$0x3FA5] =	sst s0;
	s0 =	simm.s32 @!p2 $0x0  }
0x16: {  	s3 =	sld [smem:$0x3FDB];
	s0 =	simm.s32 @p2 $0x1  }
0x17: {  	s4 =	simm.s32 $0x1BF5;
	[smem:$0x3FA7] =	sst s0  }
0x18: {  	s0 =	sld [smem:$0x3F8A];
	_ =	swait.ge [sflag:s4], $0x0  }
0x19: {  	s7 =	sld [smem:$0x3F8B]  }
0x1a: {  	s8 =	sadd.s32 $0xFFFFE003, lr  }
0x1b: {  	s9 =	sadd.s32 $0xFFFFFEF7, lr;
	s5 =	simm.s32 $0xFFFFFFFF;
	p2 =	slt.u32 s8, $0xFFFFF086  }
0x1c: {  	p1 =	slt.u32 s9, $0xF7A;
	s5 =	simm.s32 @!p2 $0x0  }
0x1d: {  	s5 =	simm.s32 @p1 $0x1;
	p0 =	seq.s32 s7, s2  }
0x1e: {  	s7 =	smul.u32 @!p0 $0xF7A, s2;
	p2 =	seq.s32 @!p0 s5, $0x0  }
0x1f: {  	s9 =	smul.u32 $0xF7A, s1;
	s8 =	simm.s32 @!p0 $0x1BF5;
	p2 =	por !p2, p0  }
0x20: {  	[sflag:s8] =	ssyncset.s32 @!p0 $0xFFFFF086;
	s6 =	sadd.s32 @!p0 s3, s7;
	s7 =	simm.s32 @!p0 $0x108  }
0x21: {  	s3 =	sadd.s32 s3, s9;
	s6 =	sadd.s32 @!p0 $0x88, s6;
	s7 =	simm.s32 @p2 $0x1082  }
0x22: {  	[simem:s7], [sflag:s8] =	dma.local @!p0 [hbm:s6], $0xF7A  }
0x23: {  	s9 =	sor.u32 $0xD0000000, s2;
	s6 =	simm.s32 $0x108;
	_ =	swait.ge @!p0 [sflag:s8], $0x0  }
0x24: {  	s3 =	sadd.s32 $0x88, s3;
	s6 =	simm.s32 @!p1 $0x1082;
	[sflag:s4] =	ssyncset.s32 $0xFFFFF086  }
0x25: {  	[simem:s6], [sflag:s4] =	dma.local [hbm:s3], $0xF7A  }
0x26: {  	[smem:$0x3F8B] =	sst s1;
	(tag) =	ssettag s2;
	_ =	strace s9  }
0x27: {  	s1 =	sld [smem:$0x3F9B]  }
0x28: {  	s2 =	sld [smem:$0x3F9C]  }
0x29: {  	s4 =	sld [smem:$0x3F9E]  }
0x2a: {  	p0 =	seq.s32 s5, $0x0;
	s5 =	sld [smem:$0x3F9F]  }
0x2b: {  	s6 =	sld [smem:$0x3FA0]  }
0x2c: {  	s7 =	sld [smem:$0x3FA1]  }
0x2d: {  	s3 =	simm.s32 $0x108;
	s8 =	sld [smem:$0x3FA2]  }
0x2e: {  	s3 =	simm.s32 @!p0 $0x1082;
	s9 =	sld [smem:$0x3FA3]  }
0x2f: {  	lr =	sadd.s32 s0, s3;
	s0 =	sld [smem:$0x3F9A]  }
0x30: {  	s3 =	sld [smem:$0x3F9D]  }
0x31: {  	[smem:$0x3FA6] =	sst s10  }
0x32: {  	s10 =	sld [smem:$0x3FA4];
	_ =	sdelay $0x3  }
0x33: {  	p0 =	seq.s32 s10, $0x1;
	s10 =	sld [smem:$0x3FA6];
	_ =	sdelay $0x3  }
0x34: {  	[smem:$0x3FA6] =	sst s10  }
0x35: {  	s10 =	sld [smem:$0x3FA5];
	_ =	sdelay $0x3  }
0x36: {  	p1 =	seq.s32 s10, $0x1;
	s10 =	sld [smem:$0x3FA6];
	_ =	sdelay $0x3  }
0x37: {  	[smem:$0x3FA6] =	sst s10  }
0x38: {  	s10 =	sld [smem:$0x3FA7]  }
0x39: {  	_ = 	snop;
	(pc) =	sbr.ind lr, $3  }
0x3a: {  	_ = 	snop  }
0x3b: {  	_ = 	snop  }
0x3c: {  	p2 =	seq.s32 s10, $0x1;
	s10 =	sld [smem:$0x3FA6]  }
0x3d: {  	_ =	shalt  }
0x3e: {  	_ =	shalt  }
0x3f: {  	_ =	shalt  }
0x40: {  	_ =	shalt  }
0x41: {  	_ =	shalt  }
0x42: {  	_ =	shalt  }
0x43: {  	_ =	shalt  }
0x44: {  	_ =	shalt  }
0x45: {  	_ =	shalt  }
0x46: {  	_ =	shalt  }
0x47: {  	_ =	shalt  }
0x48: {  	_ =	shalt  }
0x49: {  	_ =	shalt  }
0x4a: {  	_ =	shalt  }
0x4b: {  	_ =	shalt  }
0x4c: {  	_ =	shalt  }
0x4d: {  	_ =	shalt  }
0x4e: {  	_ =	shalt  }
0x4f: {  	_ =	shalt  }
0x50: {  	_ =	shalt  }
0x51: {  	_ =	shalt  }
0x52: {  	_ =	shalt  }
0x53: {  	_ =	shalt  }
0x54: {  	_ =	shalt  }
0x55: {  	_ =	shalt  }
0x56: {  	_ =	shalt  }
0x57: {  	_ =	shalt  }
0x58: {  	_ =	shalt  }
0x59: {  	_ =	shalt  }
0x5a: {  	_ =	shalt  }
0x5b: {  	_ =	shalt  }
0x5c: {  	_ =	shalt  }
0x5d: {  	_ =	shalt  }
0x5e: {  	_ =	shalt  }
0x5f: {  	_ =	shalt  }
0x60: {  	_ =	shalt  }
0x61: {  	_ =	shalt  }
0x62: {  	_ =	shalt  }
0x63: {  	_ =	shalt  }
0x64: {  	_ =	shalt  }
0x65: {  	_ =	shalt  }
0x66: {  	_ =	shalt  }
0x67: {  	_ =	shalt  }
0x68: {  	_ =	shalt  }
0x69: {  	_ =	shalt  }
0x6a: {  	_ =	shalt  }
0x6b: {  	_ =	shalt  }
0x6c: {  	_ =	shalt  }
0x6d: {  	_ =	shalt  }
0x6e: {  	_ =	shalt  }
0x6f: {  	_ =	shalt  }
0x70: {  	_ =	shalt  }
0x71: {  	_ =	shalt  }
0x72: {  	_ =	shalt  }
0x73: {  	_ =	shalt  }
0x74: {  	_ =	shalt  }
0x75: {  	_ =	shalt  }
0x76: {  	_ =	shalt  }
0x77: {  	_ =	shalt  }
0x78: {  	_ =	shalt  }
0x79: {  	_ =	shalt  }
0x7a: {  	_ =	shalt  }
0x7b: {  	_ =	shalt  }
0x7c: {  	_ =	shalt  }
0x7d: {  	_ =	shalt  }
0x7e: {  	_ =	shalt  }
0x7f: {  	_ =	shalt  }
0x80: {  	_ =	shalt  }
0x81: {  	_ =	shalt  }
0x82: {  	_ =	shalt  }
0x83: {  	_ =	shalt  }
0x84: {  	_ =	shalt  }
0x85: {  	_ =	shalt  }
0x86: {  	_ =	shalt  }
0x87: {  	_ =	shalt  }
.Lfunc_end0:
.L_simem_size_0:
called_computation.1_lowered:
.L_overlay_start_0:
0x88: {  	s2 =	sld [smem:$0x3FD9]  }
0x89: {  	s3 =	sld [smem:$0x3FFE];
	_ =	sdelay $0x1  }
0x8a: {  	s1 =	srdreg.scid  }
0x8b: {  	s0 =	sand.u32 $0x1, s1  }
0x8c: {  	s14 =	sshll.u32 s0, $0xA;
	s2 =	sadd.s32 s3, s2  }
0x8d: {  	s2 =	sadd.s32 s2, s14  }
0x8e: {  	[smem:$0x3FB2] =	sst s2  }
0x8f: {  	_ = 	snop  }
0x90: {  	s2 =	sld [smem:$0x3FD0];
	_ =	sdelay $0x2  }
0x91: {  	s15 =	simm.s32 $0xA;
	s4 =	simm.s32 $0x10  }
0x92: {  	[smem:s4], [sflag:s15] =	dma.local [hbm:s2], $0x1  }
0x93: {  	_ =	swait.eq [sflag:s15], $0x1  }
0x94: {  	[sflag:s15] =	ssyncset.done $0x0  }
0x95: {  	[sflag:s15] =	ssyncadd.s32 $0xFFFFFFFF  }
0x96: {  	s16 =	sld [smem:$0x10];
	(tm) =	ssettm $0x1  }
0x97: {  	s17 =	sld [smem:$0x3FFB];
	_ =	sdelay $0x3  }
0x98: {  	_ =	strace s17  }
0x99: {  	s3 =	sld [smem:$0x3FFC];
	_ =	sdelay $0x3  }
0x9a: {  	_ =	strace s3  }
0x9b: {  	s3 =	sld [smem:$0x3FFD];
	_ =	sdelay $0x3  }
0x9c: {  	_ =	strace s3  }
0x9d: {  	_ =	strace $0x8FFFFFFF  }
0x9e: {  	s18 =	sld [smem:$0x3FDB];
	_ =	sdelay $0x1  }
0x9f: {  	s19 =	simm.s32 $_scs_section_size  }
0xa0: {  	s5 =	simm.s32 $_size__tile_overlayer_lowered;
	s6 =	simm.s32 $_tile_overlayer_lowered  }
0xa1: {  	s22 =	simm.s32 $0x1BFF;
	s21 =	sshll.u32 s6, $0x1;
	s3 =	sadd.s32 s19, s18  }
0xa2: {  	s7 =	simm.s32 $0x0;
	s20 =	sshll.u32 s5, $0x1;
	s5 =	sadd.s32 s21, s3  }
0xa3: {  	[timem:s7], [sflag:s22] =	dma.local [hbm:s5], s20  }
0xa4: {  	_ =	swait.ge [sflag:s22], s20  }
0xa5: {  	s4 =	ssub.s32 $0x0, s20;
	[sflag:s22] =	ssyncset.done $0x0  }
0xa6: {  	[sflag:s22] =	ssyncadd.s32 s4;
	_ =	sdelay $0x1  }
0xa7: {  	s23 =	simm.s32 $0x1B8B  }
0xa8: {  	_ =	swait.ge [sflag:s23], $0x1  }
0xa9: {  	[sflag:s23] =	ssyncset.done $0x0  }
0xaa: {  	s25 =	simm.s32 $0x1B8E;
	s24 =	sld [smem:$0x3FFE];
	[sflag:s23] =	ssyncadd.s32 $0xFFFFFFFF  }
0xab: {  	s26 =	simm.s32 $execute0_lowered;
	[smem:$0x3FD2] =	sst s25  }
0xac: {  	s5 =	sshll.u32 s26, $0x1;
	_ =	strace $0x80000049;
	[dreg:$0x1] =	wrdreg $0xFFFFFFFF  }
0xad: {  	s28 =	simm.s32 $_size_execute0_lowered;
	s3 =	sadd.s32 s3, s5;
	[dreg:$0x0] =	wrdreg $0x0  }
0xae: {  	s5 =	sshll.u32 s28, $0x1;
	[dreg:$0x2] =	wrdreg s3  }
0xaf: {  	[dreg:$0x3] =	wrdreg s5  }
0xb0: {  	[dreg:$0x4] =	wrdreg $0xC0  }
0xb1: {  	_ =	task [dreg:s7], $0x5FFFF  }
0xb2: {  	[dreg:$0x1] =	wrdreg $0xFFFFFFFF  }
0xb3: {  	[dreg:$0x0] =	wrdreg $0x60  }
0xb4: {  	[dreg:$0x2] =	wrdreg s24  }
0xb5: {  	[dreg:$0x3] =	wrdreg s16  }
0xb6: {  	[dreg:$0x4] =	wrdreg $0x0  }
0xb7: {  	[dreg:$0x5] =	wrdreg $0x9  }
0xb8: {  	_ =	task.clear_ibuf [dreg:s7], $0x6FFFF;
	_ =	strace $0x90000049  }
0xb9: {  	s29 =	simm.s32 $0x9;
	_ =	strace $0x8000004B  }
0xba: {  	_ =	swait.ge [sflag:s29], $0x1  }
0xbb: {  	[sflag:s29] =	ssyncadd.s32 $0xFFFFFFFF  }
0xbc: {  	_ =	strace $0x9000004B  }
0xbd: {  	_ =	sfence  }
0xbe: {  	s30 =	sld [smem:$0x0];
	_ =	sdelay $0x2  }
0xbf: {  	s31 =	sshll.u32 s1, $0xD;
	s1 =	sshrl.u32 s1, $0x2  }
0xc0: {  	s3 =	sand.u32 $0x4000, s31;
	s1 =	sadd.s32 s1, s30  }
0xc1: {  	s0 =	sor.u32 s3, s0;
	s1 =	sshll.u32 s1, $0x11  }
0xc2: {  	s0 =	sor.u32 s1, s0  }
0xc3: {  	s0 =	sadd.s32 $0x8F2B, s0  }
0xc4: {  	[sflag:s0] =	ssyncadd.remote.s32 $0x1  }
0xc5: {  	_ =	sfence.sel $0xFFFF  }
0xc6: {  	[dreg:$0x0] =	wrdreg $0xFFFFFFFF;
	(pc) =	sbr.abs _section_cstart, $3  }
0xc7: {  	[dreg:$0x1] =	wrdreg $0xFFFFFFFF  }
0xc8: {  	_ =	task.clear_ibuf [dreg:s7], $0x2FFFF;
	_ =	strace $0x9FFFFFFF  }
0xc9: {  	(tm) =	ssettm $0x7FFFFFFF  }
tec
execute0_lowered:
.L_overlay_start_1:
0x0: {  	(tag) =	ssettag $0x1  }
0x1: {  	s0 =	srdreg.scid  }
0x2: {  	s1 =	rddreg [dreg:$0x0];
	s16 =	stileid.u32  }
0x3: {  	s5 =	rddreg [dreg:$0x1];
	s6 =	smul.u32 $0x13B0, s16  }
0x4: {  	s2 =	rddreg [dreg:$0x2];
	s7 =	smul.u32 $0x13C00, s16;
	s8 =	sadd.s32 $0x1143800, s1  }
0x5: {  	s0 =	sand.u32 $0x1, s0;
	s11 =	sadd.s32 $0x13B9800, s1;
	s19 =	smul.u32 $0x4F000, s16  }
0x6: {  	s12 =	sadd.s32 $0x162F800, s1;
	s23 =	sshll.u32 s16, $0x6;
	s16 =	smul.u32 $0x13B00, s16  }
0x7: {  	s3 =	simm.s32 $0x0;
	s13 =	sadd.s32 $0x18A5800, s1;
	s4 =	smul.u32 $0x13B00, s0  }
0x8: {  	[smem:$0x7FF] =	sst s3;
	s14 =	sadd.s32 $0x1B1B800, s1;
	s9 =	smul.u32 $0x62C000, s0  }
0x9: {  	_ =	strace $0x8000004A;
	s15 =	ssub.s32 $0x2, s0;
	s0 =	smul.u32 $0x13B000, s0  }
0xa: {  	s20 =	sshrl.u32 s15, $0x1;
	s22 =	sshrl.u32 s7, $0x3;
	s4 =	sadd.s32 s6, s4  }
0xb: {  	s18 =	sadd.s32 s7, s9;
	s9 =	sshrl.u32 s19, $0x2;
	s15 =	ssub.s32 s15, s20  }
0xc: {  	s5 =	sadd.s32 s5, s22;
	s19 =	sadd.s32 s0, s11;
	s6 =	smulhi.u32 $0x2492493, s4  }
0xd: {  	s21 =	sadd.s32 s9, s2;
	s4 =	sshll.u32 s4, $0x4;
	s9 =	sadd.s32 s0, s8  }
0xe: {  	[dreg:$0x4] =	wrdreg s21;
	s17 =	sadd.s32 s8, s4;
	s20 =	sadd.s32 s12, s4  }
0xf: {  	s21 =	sadd.s32 s13, s4;
	s22 =	sadd.s32 s14, s4;
	s8 =	simm.s32 $0x70  }
0x10: {  	s6 =	sshll.u32 s6, $0x4;
	s28 =	smov.u32 s17;
	s17 =	sadd.s32 $0x700, s17  }
0x11: {  	s29 =	smov.u32 s20;
	s30 =	smov.u32 s22;
	s31 =	sadd.s32 $0x700, s22  }
0x12: {  	s10 =	sadd.s32 s6, s1;
	s6 =	sshrl.u32 s18, $0x3;
	s18 =	sadd.s32 s11, s4  }
0x13: {  	s4 =	sadd.s32 s16, s9;
	s9 =	sadd.s32 s16, s19;
	[dreg:$0xf] =	wrdreg s17  }
0x14: {  	s17 =	simm.s32 $0x3;
	s1 =	sadd.s32 s6, s1;
	s6 =	sor.u32 $0x1C05, s23  }
0x15: {  	s7 =	sadd.s32 $0x9DBE00, s10;
	s23 =	sadd.s32 s0, s12;
	s24 =	sadd.s32 $0x9E1800, s1  }
0x16: {  	s19 =	sadd.s32 $0x9DBE10, s10;
	s25 =	sadd.s32 $0xA09000, s1;
	[dreg:$0x5] =	wrdreg s24  }
0x17: {  	s26 =	sadd.s32 $0xA30800, s1;
	s11 =	sadd.s32 s16, s23;
	[dreg:$0x6] =	wrdreg s25  }
0x18: {  	s23 =	smov.u32 s18;
	s18 =	sadd.s32 $0x700, s18;
	[dreg:$0x7] =	wrdreg s26  }
0x19: {  	s24 =	sadd.s32 s0, s13;
	s0 =	sadd.s32 s0, s14;
	s25 =	sadd.s32 $0xA58000, s1  }
0x1a: {  	s1 =	sadd.s32 $0xA7F800, s1;
	s26 =	smax.u32 s15, $0x1;
	[dreg:$0x10] =	wrdreg s18  }
0x1b: {  	s15 =	sadd.s32 $0x9DBE20, s10;
	s13 =	sadd.s32 $0xE00, s9;
	[dreg:$0x8] =	wrdreg s25  }
0x1c: {  	s14 =	sadd.s32 $0xE00, s11;
	s9 =	simm.s32 $0x1;
	[dreg:$0x9] =	wrdreg s1  }
0x1d: {  	s11 =	simm.s32 $0x13C80;
	s10 =	simm.s32 $0x4;
	[dreg:$0xa] =	wrdreg s26  }
0x1e: {  	s18 =	simm.s32 $0x0;
	s12 =	sadd.s32 s16, s24;
	[dreg:$0xc] =	wrdreg s13  }
0x1f: {  	s0 =	sadd.s32 s16, s0;
	s1 =	sadd.s32 $0xE00, s4;
	[dreg:$0xd] =	wrdreg s14  }
.Ltmp0:
0x20: {  	s24 =	sadd.s32 $0x700, s20;
	s26 =	sadd.s32 $0x700, s21;
	(pc) =	sbr.rel .LBB2_1-.Ltmp0, $4  }
0x21: {  	s4 =	simm.s32 $0x13D00;
	s13 =	simm.s32 $0x17500;
	[dreg:$0xb] =	wrdreg s1  }
0x22: {  	s16 =	sadd.s32 $0xE00, s12;
	s25 =	sadd.s32 $0xE00, s0;
	[dreg:$0x11] =	wrdreg s24  }
0x23: {  	s24 =	smov.u32 s21;
	[dreg:$0x12] =	wrdreg s26;
	s1 =	simm.s32 $0x5  }
0x24: {  	s0 =	simm.s32 $0x13C00;
	[dreg:$0xe] =	wrdreg s16;
	s16 =	simm.s32 $0x2  }
.LBB2_32:
0x25: {  	[spmem:s2] =	stream.indirect.scatter.add.f32 [tilespmem:s4], [sflag:$0x3], $0x80, s0, s8, $0xb8;
	[tilespmem:$0x1AD00] =	vst v63  }
.LBB2_36:
0x26: {  	_ =	swait.ge [sflag:s17], $0x3800  }
0x27: {  	[sflag:s17] =	ssyncset.done $0x0  }
0x28: {  	[sflag:s17] =	ssyncadd.s32 $0xFFFFC800  }
0x29: {  	[bflag:$0x0] =	sbarrier.arrive $0xFFFF  }
0x2a: {  	s14 =	rddreg [dreg:$0x9]  }
0x2b: {  	[hbm:s14], [sflag:s6] =	dma.local [spmem:s12], $0x2780  }
0x2c: {  	_ =	swait.ge [sflag:s1], $0x2780  }
0x2d: {  	s18 =	sadd.s32 $0x1, s18;
	s26 =	rddreg [dreg:$0xa]  }
0x2e: {  	p0 =	sne.s32 s18, s26  }
.Ltmp1:
0x2f: {  	_ = 	snop;
	(pc) =	sbr.rel @!p0 .LBB2_37-.Ltmp1, $3  }
0x30: {  	[sflag:s1] =	ssyncset.done $0x0  }
0x31: {  	[sflag:s1] =	ssyncadd.s32 $0xFFFFD880  }
0x32: {  	[bflag:$0x0] =	sbarrier.arrive $0xFFFF;
	_ =	sdelay $0x1  }
.LBB2_1:
0x33: {  	s12 =	rddreg [dreg:$0x4]  }
0x34: {  	s12 =	sshrl.u32 s12, $0x3  }
0x35: {  	[spmem:s12], [sflag:s6] =	dma.local [hbm:s5], $0x2780  }
0x36: {  	_ =	swait.ge [sflag:s1], $0x2780  }
0x37: {  	[sflag:s1] =	ssyncset.done $0x0  }
0x38: {  	[sflag:s1] =	ssyncadd.s32 $0xFFFFD880  }
0x39: {  	[bflag:$0x0] =	sbarrier.arrive $0xFFFF  }
0x3a: {  	[tilespmem:s0], [sflag:$0x1] =	stream.linear.gather [hbm4b:s7+s3], $0x80, $0x38;
	[tilespmem:$0x1AD00] =	vst v63  }
0x3b: {  	_ = 	snop  }
0x3c: {  	[tilespmem:s4], [sflag:$0x1] =	stream.linear.gather [hbm4b:s28+s3], $0x3800, $0x38;
	[tilespmem:$0x1AD00] =	vst v63  }
0x3d: {  	_ =	swait.ge [sflag:s9], $0x80  }
0x3e: {  	[sflag:s9] =	ssyncset.done $0x0  }
0x3f: {  	[sflag:s9] =	ssyncadd.s32 $0xFFFFFF80  }
0x40: {  	_ =	swait.ge [sflag:s9], $0x3800  }
0x41: {  	[sflag:s9] =	ssyncset.done $0x0  }
0x42: {  	[sflag:s9] =	ssyncadd.s32 $0xFFFFC800  }
0x43: {  	[tilespmem:s11], [sflag:$0x2] =	stream.linear.gather [hbm4b:s19+s3], $0x80, $0x38;
	[tilespmem:$0x1AD00] =	vst v63  }
.Ltmp2:
0x44: {  	_ = 	snop;
	(pc) =	sbr.rel .LBB2_2-.Ltmp2, $4  }
0x45: {  	s14 =	rddreg [dreg:$0xf]  }
0x46: {  	[tilespmem:s13], [sflag:$0x2] =	stream.linear.gather [hbm4b:s14+s3], $0x3800, $0x38;
	[tilespmem:$0x1AD00] =	vst v63  }
0x47: {  	s21 =	smov.u32 s15;
	s20 =	rddreg [dreg:$0xb];
	s14 =	simm.s32 $0xFFFFFFD4  }
0x48: {  	[spmem:s2] =	stream.indirect.scatter.add.f32 [tilespmem:s4], [sflag:$0x3], $0x80, s0, s8, $0xb8;
	[tilespmem:$0x1AD00] =	vst v63  }
.LBB2_6:
0x49: {  	_ =	swait.ge [sflag:s16], $0x80  }
0x4a: {  	[sflag:s16] =	ssyncset.done $0x0  }
0x4b: {  	[sflag:s16] =	ssyncadd.s32 $0xFFFFFF80  }
0x4c: {  	_ =	swait.ge [sflag:s16], $0x3800  }
0x4d: {  	[sflag:s16] =	ssyncset.done $0x0  }
0x4e: {  	[sflag:s16] =	ssyncadd.s32 $0xFFFFC800  }
0x4f: {  	_ =	swait.ge [sflag:s17], $0x3800  }
0x50: {  	p0 =	seq.s32 s14, $0xFFFFFFFF;
	[sflag:s17] =	ssyncset.done $0x0  }
0x51: {  	s26 =	simm.s32 @!p0 $0x0;
	s22 =	simm.s32 @!p0 $0x13C00;
	[sflag:s17] =	ssyncadd.s32 $0xFFFFC800  }
0x52: {  	[tilespmem:s22], [sflag:$0x1] =	stream.linear.gather @!p0 [hbm4b:s21+s26], $0x80, $0x38;
	[tilespmem:$0x1AD00] =	vst v63  }
0x53: {  	s22 =	simm.s32 @!p0 $0x13D00  }
0x54: {  	[tilespmem:s22], [sflag:$0x1] =	stream.linear.gather @!p0 [hbm4b:s20+s26], $0x3800, $0x38;
	[tilespmem:$0x1AD00] =	vst v63  }
0x55: {  	_ = 	snop  }
0x56: {  	[spmem:s2] =	stream.indirect.scatter.add.f32 [tilespmem:s13], [sflag:$0x4], $0x80, s11, s8, $0xb8;
	[tilespmem:$0x1AD00] =	vst v63  }
.LBB2_7:
0x57: {  	s14 =	sadd.s32 $0x1, s14  }
0x58: {  	p0 =	seq.s32 s14, $0x0  }
.Ltmp3:
0x59: {  	_ = 	snop;
	(pc) =	sbr.rel @p0 .LBB2_8-.Ltmp3, $2  }
0x5a: {  	_ =	sdelay $0x2  }
0x5b: {  	s20 =	sadd.s32 $0x700, s20;
	s21 =	sadd.s32 $0x10, s21  }
.LBB2_2:
0x5c: {  	s26 =	sadd.s32 $0x2D, s14  }
0x5d: {  	s26 =	sand.u32 $0x1, s26  }
0x5e: {  	p0 =	seq.s32 s26, $0x1  }
.Ltmp4:
0x5f: {  	_ = 	snop;
	(pc) =	sbr.rel @p0 .LBB2_6-.Ltmp4, $1  }
0x60: {  	_ =	sdelay $0x3  }
0x61: {  	_ =	swait.ge [sflag:s9], $0x80  }
0x62: {  	[sflag:s9] =	ssyncset.done $0x0  }
0x63: {  	[sflag:s9] =	ssyncadd.s32 $0xFFFFFF80  }
0x64: {  	p0 =	sne.s32 s14, $0xFFFFFFFF;
	_ =	swait.ge [sflag:s9], $0x3800  }
.Ltmp5:
0x65: {  	[sflag:s9] =	ssyncset.done $0x0;
	(pc) =	sbr.rel @!p0 .LBB2_4-.Ltmp5, $4  }
0x66: {  	[sflag:s9] =	ssyncadd.s32 $0xFFFFC800  }
0x67: {  	_ =	swait.ge [sflag:s10], $0x3800  }
0x68: {  	[sflag:s10] =	ssyncset.done $0x0  }
0x69: {  	[sflag:s10] =	ssyncadd.s32 $0xFFFFC800  }
0x6a: {  	[tilespmem:s11], [sflag:$0x2] =	stream.linear.gather [hbm4b:s21+s3], $0x80, $0x38;
	[tilespmem:$0x1AD00] =	vst v63  }
0x6b: {  	p0 =	seq.s32 s26, $0x0  }
.Ltmp6:
0x6c: {  	_ = 	snop;
	(pc) =	sbr.rel @p0 .LBB2_7-.Ltmp6, $4  }
.Ltmp7:
0x6d: {  	_ = 	snop;
	(pc) =	sbr.rel @!p0 .LBB2_6-.Ltmp7, $4  }
0x6e: {  	[tilespmem:s13], [sflag:$0x2] =	stream.linear.gather [hbm4b:s20+s3], $0x3800, $0x38;
	[tilespmem:$0x1AD00] =	vst v63  }
0x6f: {  	_ = 	snop  }
0x70: {  	[spmem:s2] =	stream.indirect.scatter.add.f32 [tilespmem:s4], [sflag:$0x3], $0x80, s0, s8, $0xb8;
	[tilespmem:$0x1AD00] =	vst v63  }
0x71: {  	_ = 	snop  }
.LBB2_4:
0x72: {  	[spmem:s2] =	stream.indirect.scatter.add.f32 [tilespmem:s4], [sflag:$0x3], $0x80, s0, s8, $0xb8;
	[tilespmem:$0x1AD00] =	vst v63  }
.LBB2_8:
0x73: {  	_ =	swait.ge [sflag:s17], $0x3800  }
0x74: {  	[sflag:s17] =	ssyncset.done $0x0  }
0x75: {  	[sflag:s17] =	ssyncadd.s32 $0xFFFFC800  }
0x76: {  	[bflag:$0x0] =	sbarrier.arrive $0xFFFF  }
0x77: {  	s14 =	rddreg [dreg:$0x5]  }
0x78: {  	[hbm:s14], [sflag:s6] =	dma.local [spmem:s12], $0x2780  }
0x79: {  	_ =	swait.ge [sflag:s1], $0x2780  }
0x7a: {  	[sflag:s1] =	ssyncset.done $0x0  }
0x7b: {  	[sflag:s1] =	ssyncadd.s32 $0xFFFFD880  }
0x7c: {  	[bflag:$0x0] =	sbarrier.arrive $0xFFFF  }
0x7d: {  	[spmem:s12], [sflag:s6] =	dma.local [hbm:s5], $0x2780  }
0x7e: {  	_ =	swait.ge [sflag:s1], $0x2780  }
0x7f: {  	[sflag:s1] =	ssyncset.done $0x0  }
0x80: {  	[sflag:s1] =	ssyncadd.s32 $0xFFFFD880  }
0x81: {  	[bflag:$0x0] =	sbarrier.arrive $0xFFFF  }
0x82: {  	[tilespmem:s0], [sflag:$0x1] =	stream.linear.gather [hbm4b:s7+s3], $0x80, $0x38;
	[tilespmem:$0x1AD00] =	vst v63  }
0x83: {  	_ = 	snop  }
0x84: {  	[tilespmem:s4], [sflag:$0x1] =	stream.linear.gather [hbm4b:s23+s3], $0x3800, $0x38;
	[tilespmem:$0x1AD00] =	vst v63  }
0x85: {  	_ =	swait.ge [sflag:s9], $0x80  }
0x86: {  	[sflag:s9] =	ssyncset.done $0x0  }
0x87: {  	[sflag:s9] =	ssyncadd.s32 $0xFFFFFF80  }
0x88: {  	_ =	swait.ge [sflag:s9], $0x3800  }
0x89: {  	[sflag:s9] =	ssyncset.done $0x0  }
0x8a: {  	[sflag:s9] =	ssyncadd.s32 $0xFFFFC800  }
0x8b: {  	[tilespmem:s11], [sflag:$0x2] =	stream.linear.gather [hbm4b:s19+s3], $0x80, $0x38;
	[tilespmem:$0x1AD00] =	vst v63  }
.Ltmp8:
0x8c: {  	_ = 	snop;
	(pc) =	sbr.rel .LBB2_9-.Ltmp8, $4  }
0x8d: {  	s26 =	rddreg [dreg:$0x10]  }
0x8e: {  	[tilespmem:s13], [sflag:$0x2] =	stream.linear.gather [hbm4b:s26+s3], $0x3800, $0x38;
	[tilespmem:$0x1AD00] =	vst v63  }
0x8f: {  	s21 =	smov.u32 s15;
	s14 =	simm.s32 $0xFFFFFFD4;
	s20 =	rddreg [dreg:$0xc]  }
0x90: {  	[spmem:s2] =	stream.indirect.scatter.add.f32 [tilespmem:s4], [sflag:$0x3], $0x80, s0, s8, $0xb8;
	[tilespmem:$0x1AD00] =	vst v63  }
.LBB2_13:
0x91: {  	_ =	swait.ge [sflag:s16], $0x80  }
0x92: {  	[sflag:s16] =	ssyncset.done $0x0  }
0x93: {  	[sflag:s16] =	ssyncadd.s32 $0xFFFFFF80  }
0x94: {  	_ =	swait.ge [sflag:s16], $0x3800  }
0x95: {  	[sflag:s16] =	ssyncset.done $0x0  }
0x96: {  	[sflag:s16] =	ssyncadd.s32 $0xFFFFC800  }
0x97: {  	_ =	swait.ge [sflag:s17], $0x3800  }
0x98: {  	p0 =	seq.s32 s14, $0xFFFFFFFF;
	[sflag:s17] =	ssyncset.done $0x0  }
0x99: {  	s22 =	simm.s32 @!p0 $0x0;
	s26 =	simm.s32 @!p0 $0x13C00;
	[sflag:s17] =	ssyncadd.s32 $0xFFFFC800  }
0x9a: {  	[tilespmem:s26], [sflag:$0x1] =	stream.linear.gather @!p0 [hbm4b:s21+s22], $0x80, $0x38;
	[tilespmem:$0x1AD00] =	vst v63  }
0x9b: {  	s26 =	simm.s32 @!p0 $0x13D00  }
0x9c: {  	[tilespmem:s26], [sflag:$0x1] =	stream.linear.gather @!p0 [hbm4b:s20+s22], $0x3800, $0x38;
	[tilespmem:$0x1AD00] =	vst v63  }
0x9d: {  	_ = 	snop  }
0x9e: {  	[spmem:s2] =	stream.indirect.scatter.add.f32 [tilespmem:s13], [sflag:$0x4], $0x80, s11, s8, $0xb8;
	[tilespmem:$0x1AD00] =	vst v63  }
.LBB2_14:
0x9f: {  	s14 =	sadd.s32 $0x1, s14  }
0xa0: {  	p0 =	seq.s32 s14, $0x0  }
.Ltmp9:
0xa1: {  	_ = 	snop;
	(pc) =	sbr.rel @p0 .LBB2_15-.Ltmp9, $2  }
0xa2: {  	_ =	sdelay $0x2  }
0xa3: {  	s20 =	sadd.s32 $0x700, s20;
	s21 =	sadd.s32 $0x10, s21  }
.LBB2_9:
0xa4: {  	s22 =	sadd.s32 $0x2D, s14  }
0xa5: {  	s26 =	sand.u32 $0x1, s22  }
0xa6: {  	p0 =	seq.s32 s26, $0x1  }
.Ltmp10:
0xa7: {  	_ = 	snop;
	(pc) =	sbr.rel @p0 .LBB2_13-.Ltmp10, $1  }
0xa8: {  	_ =	sdelay $0x3  }
0xa9: {  	_ =	swait.ge [sflag:s9], $0x80  }
0xaa: {  	[sflag:s9] =	ssyncset.done $0x0  }
0xab: {  	[sflag:s9] =	ssyncadd.s32 $0xFFFFFF80  }
0xac: {  	p0 =	sne.s32 s14, $0xFFFFFFFF;
	_ =	swait.ge [sflag:s9], $0x3800  }
.Ltmp11:
0xad: {  	[sflag:s9] =	ssyncset.done $0x0;
	(pc) =	sbr.rel @!p0 .LBB2_11-.Ltmp11, $4  }
0xae: {  	[sflag:s9] =	ssyncadd.s32 $0xFFFFC800  }
0xaf: {  	_ =	swait.ge [sflag:s10], $0x3800  }
0xb0: {  	[sflag:s10] =	ssyncset.done $0x0  }
0xb1: {  	[sflag:s10] =	ssyncadd.s32 $0xFFFFC800  }
0xb2: {  	[tilespmem:s11], [sflag:$0x2] =	stream.linear.gather [hbm4b:s21+s3], $0x80, $0x38;
	[tilespmem:$0x1AD00] =	vst v63  }
0xb3: {  	p0 =	seq.s32 s26, $0x0  }
.Ltmp12:
0xb4: {  	_ = 	snop;
	(pc) =	sbr.rel @p0 .LBB2_14-.Ltmp12, $4  }
.Ltmp13:
0xb5: {  	_ = 	snop;
	(pc) =	sbr.rel @!p0 .LBB2_13-.Ltmp13, $4  }
0xb6: {  	[tilespmem:s13], [sflag:$0x2] =	stream.linear.gather [hbm4b:s20+s3], $0x3800, $0x38;
	[tilespmem:$0x1AD00] =	vst v63  }
0xb7: {  	_ = 	snop  }
0xb8: {  	[spmem:s2] =	stream.indirect.scatter.add.f32 [tilespmem:s4], [sflag:$0x3], $0x80, s0, s8, $0xb8;
	[tilespmem:$0x1AD00] =	vst v63  }
0xb9: {  	_ = 	snop  }
.LBB2_11:
0xba: {  	[spmem:s2] =	stream.indirect.scatter.add.f32 [tilespmem:s4], [sflag:$0x3], $0x80, s0, s8, $0xb8;
	[tilespmem:$0x1AD00] =	vst v63  }
.LBB2_15:
0xbb: {  	_ =	swait.ge [sflag:s17], $0x3800  }
0xbc: {  	[sflag:s17] =	ssyncset.done $0x0  }
0xbd: {  	[sflag:s17] =	ssyncadd.s32 $0xFFFFC800  }
0xbe: {  	[bflag:$0x0] =	sbarrier.arrive $0xFFFF  }
0xbf: {  	s14 =	rddreg [dreg:$0x6]  }
0xc0: {  	[hbm:s14], [sflag:s6] =	dma.local [spmem:s12], $0x2780  }
0xc1: {  	_ =	swait.ge [sflag:s1], $0x2780  }
0xc2: {  	[sflag:s1] =	ssyncset.done $0x0  }
0xc3: {  	[sflag:s1] =	ssyncadd.s32 $0xFFFFD880  }
0xc4: {  	[bflag:$0x0] =	sbarrier.arrive $0xFFFF  }
0xc5: {  	[spmem:s12], [sflag:s6] =	dma.local [hbm:s5], $0x2780  }
0xc6: {  	_ =	swait.ge [sflag:s1], $0x2780  }
0xc7: {  	[sflag:s1] =	ssyncset.done $0x0  }
0xc8: {  	[sflag:s1] =	ssyncadd.s32 $0xFFFFD880  }
0xc9: {  	[bflag:$0x0] =	sbarrier.arrive $0xFFFF  }
0xca: {  	[tilespmem:s0], [sflag:$0x1] =	stream.linear.gather [hbm4b:s7+s3], $0x80, $0x38;
	[tilespmem:$0x1AD00] =	vst v63  }
0xcb: {  	_ = 	snop  }
0xcc: {  	[tilespmem:s4], [sflag:$0x1] =	stream.linear.gather [hbm4b:s29+s3], $0x3800, $0x38;
	[tilespmem:$0x1AD00] =	vst v63  }
0xcd: {  	_ =	swait.ge [sflag:s9], $0x80  }
0xce: {  	[sflag:s9] =	ssyncset.done $0x0  }
0xcf: {  	[sflag:s9] =	ssyncadd.s32 $0xFFFFFF80  }
0xd0: {  	_ =	swait.ge [sflag:s9], $0x3800  }
0xd1: {  	[sflag:s9] =	ssyncset.done $0x0  }
0xd2: {  	[sflag:s9] =	ssyncadd.s32 $0xFFFFC800  }
0xd3: {  	[tilespmem:s11], [sflag:$0x2] =	stream.linear.gather [hbm4b:s19+s3], $0x80, $0x38;
	[tilespmem:$0x1AD00] =	vst v63  }
.Ltmp14:
0xd4: {  	_ = 	snop;
	(pc) =	sbr.rel .LBB2_16-.Ltmp14, $4  }
0xd5: {  	s26 =	rddreg [dreg:$0x11]  }
0xd6: {  	[tilespmem:s13], [sflag:$0x2] =	stream.linear.gather [hbm4b:s26+s3], $0x3800, $0x38;
	[tilespmem:$0x1AD00] =	vst v63  }
0xd7: {  	s21 =	smov.u32 s15;
	s14 =	simm.s32 $0xFFFFFFD4;
	s20 =	rddreg [dreg:$0xd]  }
0xd8: {  	[spmem:s2] =	stream.indirect.scatter.add.f32 [tilespmem:s4], [sflag:$0x3], $0x80, s0, s8, $0xb8;
	[tilespmem:$0x1AD00] =	vst v63  }
.LBB2_20:
0xd9: {  	_ =	swait.ge [sflag:s16], $0x80  }
0xda: {  	[sflag:s16] =	ssyncset.done $0x0  }
0xdb: {  	[sflag:s16] =	ssyncadd.s32 $0xFFFFFF80  }
0xdc: {  	_ =	swait.ge [sflag:s16], $0x3800  }
0xdd: {  	[sflag:s16] =	ssyncset.done $0x0  }
0xde: {  	[sflag:s16] =	ssyncadd.s32 $0xFFFFC800  }
0xdf: {  	_ =	swait.ge [sflag:s17], $0x3800  }
0xe0: {  	p0 =	seq.s32 s14, $0xFFFFFFFF;
	[sflag:s17] =	ssyncset.done $0x0  }
0xe1: {  	s22 =	simm.s32 @!p0 $0x0;
	s26 =	simm.s32 @!p0 $0x13C00;
	[sflag:s17] =	ssyncadd.s32 $0xFFFFC800  }
0xe2: {  	[tilespmem:s26], [sflag:$0x1] =	stream.linear.gather @!p0 [hbm4b:s21+s22], $0x80, $0x38;
	[tilespmem:$0x1AD00] =	vst v63  }
0xe3: {  	s26 =	simm.s32 @!p0 $0x13D00  }
0xe4: {  	[tilespmem:s26], [sflag:$0x1] =	stream.linear.gather @!p0 [hbm4b:s20+s22], $0x3800, $0x38;
	[tilespmem:$0x1AD00] =	vst v63  }
0xe5: {  	_ = 	snop  }
0xe6: {  	[spmem:s2] =	stream.indirect.scatter.add.f32 [tilespmem:s13], [sflag:$0x4], $0x80, s11, s8, $0xb8;
	[tilespmem:$0x1AD00] =	vst v63  }
.LBB2_21:
0xe7: {  	s14 =	sadd.s32 $0x1, s14  }
0xe8: {  	p0 =	seq.s32 s14, $0x0  }
.Ltmp15:
0xe9: {  	_ = 	snop;
	(pc) =	sbr.rel @p0 .LBB2_22-.Ltmp15, $2  }
0xea: {  	_ =	sdelay $0x2  }
0xeb: {  	s20 =	sadd.s32 $0x700, s20;
	s21 =	sadd.s32 $0x10, s21  }
.LBB2_16:
0xec: {  	s22 =	sadd.s32 $0x2D, s14  }
0xed: {  	s26 =	sand.u32 $0x1, s22  }
0xee: {  	p0 =	seq.s32 s26, $0x1  }
.Ltmp16:
0xef: {  	_ = 	snop;
	(pc) =	sbr.rel @p0 .LBB2_20-.Ltmp16, $1  }
0xf0: {  	_ =	sdelay $0x3  }
0xf1: {  	_ =	swait.ge [sflag:s9], $0x80  }
0xf2: {  	[sflag:s9] =	ssyncset.done $0x0  }
0xf3: {  	[sflag:s9] =	ssyncadd.s32 $0xFFFFFF80  }
0xf4: {  	p0 =	sne.s32 s14, $0xFFFFFFFF;
	_ =	swait.ge [sflag:s9], $0x3800  }
.Ltmp17:
0xf5: {  	[sflag:s9] =	ssyncset.done $0x0;
	(pc) =	sbr.rel @!p0 .LBB2_18-.Ltmp17, $4  }
0xf6: {  	[sflag:s9] =	ssyncadd.s32 $0xFFFFC800  }
0xf7: {  	_ =	swait.ge [sflag:s10], $0x3800  }
0xf8: {  	[sflag:s10] =	ssyncset.done $0x0  }
0xf9: {  	[sflag:s10] =	ssyncadd.s32 $0xFFFFC800  }
0xfa: {  	[tilespmem:s11], [sflag:$0x2] =	stream.linear.gather [hbm4b:s21+s3], $0x80, $0x38;
	[tilespmem:$0x1AD00] =	vst v63  }
0xfb: {  	p0 =	seq.s32 s26, $0x0  }
.Ltmp18:
0xfc: {  	_ = 	snop;
	(pc) =	sbr.rel @p0 .LBB2_21-.Ltmp18, $4  }
.Ltmp19:
0xfd: {  	_ = 	snop;
	(pc) =	sbr.rel @!p0 .LBB2_20-.Ltmp19, $4  }
0xfe: {  	[tilespmem:s13], [sflag:$0x2] =	stream.linear.gather [hbm4b:s20+s3], $0x3800, $0x38;
	[tilespmem:$0x1AD00] =	vst v63  }
0xff: {  	_ = 	snop  }
0x100: {  	[spmem:s2] =	stream.indirect.scatter.add.f32 [tilespmem:s4], [sflag:$0x3], $0x80, s0, s8, $0xb8;
	[tilespmem:$0x1AD00] =	vst v63  }
0x101: {  	_ = 	snop  }
.LBB2_18:
0x102: {  	[spmem:s2] =	stream.indirect.scatter.add.f32 [tilespmem:s4], [sflag:$0x3], $0x80, s0, s8, $0xb8;
	[tilespmem:$0x1AD00] =	vst v63  }
.LBB2_22:
0x103: {  	_ =	swait.ge [sflag:s17], $0x3800  }
0x104: {  	[sflag:s17] =	ssyncset.done $0x0  }
0x105: {  	[sflag:s17] =	ssyncadd.s32 $0xFFFFC800  }
0x106: {  	[bflag:$0x0] =	sbarrier.arrive $0xFFFF  }
0x107: {  	s14 =	rddreg [dreg:$0x7]  }
0x108: {  	[hbm:s14], [sflag:s6] =	dma.local [spmem:s12], $0x2780  }
0x109: {  	_ =	swait.ge [sflag:s1], $0x2780  }
0x10a: {  	[sflag:s1] =	ssyncset.done $0x0  }
0x10b: {  	[sflag:s1] =	ssyncadd.s32 $0xFFFFD880  }
0x10c: {  	[bflag:$0x0] =	sbarrier.arrive $0xFFFF  }
0x10d: {  	[spmem:s12], [sflag:s6] =	dma.local [hbm:s5], $0x2780  }
0x10e: {  	_ =	swait.ge [sflag:s1], $0x2780  }
0x10f: {  	[sflag:s1] =	ssyncset.done $0x0  }
0x110: {  	[sflag:s1] =	ssyncadd.s32 $0xFFFFD880  }
0x111: {  	[bflag:$0x0] =	sbarrier.arrive $0xFFFF  }
0x112: {  	[tilespmem:s0], [sflag:$0x1] =	stream.linear.gather [hbm4b:s7+s3], $0x80, $0x38;
	[tilespmem:$0x1AD00] =	vst v63  }
0x113: {  	_ = 	snop  }
0x114: {  	[tilespmem:s4], [sflag:$0x1] =	stream.linear.gather [hbm4b:s24+s3], $0x3800, $0x38;
	[tilespmem:$0x1AD00] =	vst v63  }
0x115: {  	_ =	swait.ge [sflag:s9], $0x80  }
0x116: {  	[sflag:s9] =	ssyncset.done $0x0  }
0x117: {  	[sflag:s9] =	ssyncadd.s32 $0xFFFFFF80  }
0x118: {  	_ =	swait.ge [sflag:s9], $0x3800  }
0x119: {  	[sflag:s9] =	ssyncset.done $0x0  }
0x11a: {  	[sflag:s9] =	ssyncadd.s32 $0xFFFFC800  }
0x11b: {  	[tilespmem:s11], [sflag:$0x2] =	stream.linear.gather [hbm4b:s19+s3], $0x80, $0x38;
	[tilespmem:$0x1AD00] =	vst v63  }
.Ltmp20:
0x11c: {  	_ = 	snop;
	(pc) =	sbr.rel .LBB2_23-.Ltmp20, $4  }
0x11d: {  	s26 =	rddreg [dreg:$0x12]  }
0x11e: {  	[tilespmem:s13], [sflag:$0x2] =	stream.linear.gather [hbm4b:s26+s3], $0x3800, $0x38;
	[tilespmem:$0x1AD00] =	vst v63  }
0x11f: {  	s21 =	smov.u32 s15;
	s14 =	simm.s32 $0xFFFFFFD4;
	s20 =	rddreg [dreg:$0xe]  }
0x120: {  	[spmem:s2] =	stream.indirect.scatter.add.f32 [tilespmem:s4], [sflag:$0x3], $0x80, s0, s8, $0xb8;
	[tilespmem:$0x1AD00] =	vst v63  }
.LBB2_27:
0x121: {  	_ =	swait.ge [sflag:s16], $0x80  }
0x122: {  	[sflag:s16] =	ssyncset.done $0x0  }
0x123: {  	[sflag:s16] =	ssyncadd.s32 $0xFFFFFF80  }
0x124: {  	_ =	swait.ge [sflag:s16], $0x3800  }
0x125: {  	[sflag:s16] =	ssyncset.done $0x0  }
0x126: {  	[sflag:s16] =	ssyncadd.s32 $0xFFFFC800  }
0x127: {  	_ =	swait.ge [sflag:s17], $0x3800  }
0x128: {  	p0 =	seq.s32 s14, $0xFFFFFFFF;
	[sflag:s17] =	ssyncset.done $0x0  }
0x129: {  	s22 =	simm.s32 @!p0 $0x0;
	s26 =	simm.s32 @!p0 $0x13C00;
	[sflag:s17] =	ssyncadd.s32 $0xFFFFC800  }
0x12a: {  	[tilespmem:s26], [sflag:$0x1] =	stream.linear.gather @!p0 [hbm4b:s21+s22], $0x80, $0x38;
	[tilespmem:$0x1AD00] =	vst v63  }
0x12b: {  	s26 =	simm.s32 @!p0 $0x13D00  }
0x12c: {  	[tilespmem:s26], [sflag:$0x1] =	stream.linear.gather @!p0 [hbm4b:s20+s22], $0x3800, $0x38;
	[tilespmem:$0x1AD00] =	vst v63  }
0x12d: {  	_ = 	snop  }
0x12e: {  	[spmem:s2] =	stream.indirect.scatter.add.f32 [tilespmem:s13], [sflag:$0x4], $0x80, s11, s8, $0xb8;
	[tilespmem:$0x1AD00] =	vst v63  }
.LBB2_28:
0x12f: {  	s14 =	sadd.s32 $0x1, s14  }
0x130: {  	p0 =	seq.s32 s14, $0x0  }
.Ltmp21:
0x131: {  	_ = 	snop;
	(pc) =	sbr.rel @p0 .LBB2_29-.Ltmp21, $2  }
0x132: {  	_ =	sdelay $0x2  }
0x133: {  	s20 =	sadd.s32 $0x700, s20;
	s21 =	sadd.s32 $0x10, s21  }
.LBB2_23:
0x134: {  	s22 =	sadd.s32 $0x2D, s14  }
0x135: {  	s26 =	sand.u32 $0x1, s22  }
0x136: {  	p0 =	seq.s32 s26, $0x1  }
.Ltmp22:
0x137: {  	_ = 	snop;
	(pc) =	sbr.rel @p0 .LBB2_27-.Ltmp22, $1  }
0x138: {  	_ =	sdelay $0x3  }
0x139: {  	_ =	swait.ge [sflag:s9], $0x80  }
0x13a: {  	[sflag:s9] =	ssyncset.done $0x0  }
0x13b: {  	[sflag:s9] =	ssyncadd.s32 $0xFFFFFF80  }
0x13c: {  	p0 =	sne.s32 s14, $0xFFFFFFFF;
	_ =	swait.ge [sflag:s9], $0x3800  }
.Ltmp23:
0x13d: {  	[sflag:s9] =	ssyncset.done $0x0;
	(pc) =	sbr.rel @!p0 .LBB2_25-.Ltmp23, $4  }
0x13e: {  	[sflag:s9] =	ssyncadd.s32 $0xFFFFC800  }
0x13f: {  	_ =	swait.ge [sflag:s10], $0x3800  }
0x140: {  	[sflag:s10] =	ssyncset.done $0x0  }
0x141: {  	[sflag:s10] =	ssyncadd.s32 $0xFFFFC800  }
0x142: {  	[tilespmem:s11], [sflag:$0x2] =	stream.linear.gather [hbm4b:s21+s3], $0x80, $0x38;
	[tilespmem:$0x1AD00] =	vst v63  }
0x143: {  	p0 =	seq.s32 s26, $0x0  }
.Ltmp24:
0x144: {  	_ = 	snop;
	(pc) =	sbr.rel @p0 .LBB2_28-.Ltmp24, $4  }
.Ltmp25:
0x145: {  	_ = 	snop;
	(pc) =	sbr.rel @!p0 .LBB2_27-.Ltmp25, $4  }
0x146: {  	[tilespmem:s13], [sflag:$0x2] =	stream.linear.gather [hbm4b:s20+s3], $0x3800, $0x38;
	[tilespmem:$0x1AD00] =	vst v63  }
0x147: {  	_ = 	snop  }
0x148: {  	[spmem:s2] =	stream.indirect.scatter.add.f32 [tilespmem:s4], [sflag:$0x3], $0x80, s0, s8, $0xb8;
	[tilespmem:$0x1AD00] =	vst v63  }
0x149: {  	_ = 	snop  }
.LBB2_25:
0x14a: {  	[spmem:s2] =	stream.indirect.scatter.add.f32 [tilespmem:s4], [sflag:$0x3], $0x80, s0, s8, $0xb8;
	[tilespmem:$0x1AD00] =	vst v63  }
.LBB2_29:
0x14b: {  	_ =	swait.ge [sflag:s17], $0x3800  }
0x14c: {  	[sflag:s17] =	ssyncset.done $0x0  }
0x14d: {  	[sflag:s17] =	ssyncadd.s32 $0xFFFFC800  }
0x14e: {  	[bflag:$0x0] =	sbarrier.arrive $0xFFFF  }
0x14f: {  	s14 =	rddreg [dreg:$0x8]  }
0x150: {  	[hbm:s14], [sflag:s6] =	dma.local [spmem:s12], $0x2780  }
0x151: {  	_ =	swait.ge [sflag:s1], $0x2780  }
0x152: {  	[sflag:s1] =	ssyncset.done $0x0  }
0x153: {  	[sflag:s1] =	ssyncadd.s32 $0xFFFFD880  }
0x154: {  	[bflag:$0x0] =	sbarrier.arrive $0xFFFF  }
0x155: {  	[spmem:s12], [sflag:s6] =	dma.local [hbm:s5], $0x2780  }
0x156: {  	_ =	swait.ge [sflag:s1], $0x2780  }
0x157: {  	[sflag:s1] =	ssyncset.done $0x0  }
0x158: {  	[sflag:s1] =	ssyncadd.s32 $0xFFFFD880  }
0x159: {  	[bflag:$0x0] =	sbarrier.arrive $0xFFFF  }
0x15a: {  	[tilespmem:s0], [sflag:$0x1] =	stream.linear.gather [hbm4b:s7+s3], $0x80, $0x38;
	[tilespmem:$0x1AD00] =	vst v63  }
0x15b: {  	_ = 	snop  }
0x15c: {  	[tilespmem:s4], [sflag:$0x1] =	stream.linear.gather [hbm4b:s30+s3], $0x3800, $0x38;
	[tilespmem:$0x1AD00] =	vst v63  }
0x15d: {  	_ =	swait.ge [sflag:s9], $0x80  }
0x15e: {  	[sflag:s9] =	ssyncset.done $0x0  }
0x15f: {  	[sflag:s9] =	ssyncadd.s32 $0xFFFFFF80  }
0x160: {  	_ =	swait.ge [sflag:s9], $0x3800  }
0x161: {  	[sflag:s9] =	ssyncset.done $0x0  }
0x162: {  	[sflag:s9] =	ssyncadd.s32 $0xFFFFC800  }
0x163: {  	[tilespmem:s11], [sflag:$0x2] =	stream.linear.gather [hbm4b:s19+s3], $0x80, $0x38;
	[tilespmem:$0x1AD00] =	vst v63  }
.Ltmp26:
0x164: {  	_ = 	snop;
	(pc) =	sbr.rel .LBB2_30-.Ltmp26, $4  }
0x165: {  	_ = 	snop  }
0x166: {  	[tilespmem:s13], [sflag:$0x2] =	stream.linear.gather [hbm4b:s31+s3], $0x3800, $0x38;
	[tilespmem:$0x1AD00] =	vst v63  }
0x167: {  	s21 =	smov.u32 s15;
	s20 =	smov.u32 s25;
	s14 =	simm.s32 $0xFFFFFFD4  }
0x168: {  	[spmem:s2] =	stream.indirect.scatter.add.f32 [tilespmem:s4], [sflag:$0x3], $0x80, s0, s8, $0xb8;
	[tilespmem:$0x1AD00] =	vst v63  }
.LBB2_34:
0x169: {  	_ =	swait.ge [sflag:s16], $0x80  }
0x16a: {  	[sflag:s16] =	ssyncset.done $0x0  }
0x16b: {  	[sflag:s16] =	ssyncadd.s32 $0xFFFFFF80  }
0x16c: {  	_ =	swait.ge [sflag:s16], $0x3800  }
0x16d: {  	[sflag:s16] =	ssyncset.done $0x0  }
0x16e: {  	[sflag:s16] =	ssyncadd.s32 $0xFFFFC800  }
0x16f: {  	_ =	swait.ge [sflag:s17], $0x3800  }
0x170: {  	p0 =	seq.s32 s14, $0xFFFFFFFF;
	[sflag:s17] =	ssyncset.done $0x0  }
0x171: {  	s22 =	simm.s32 @!p0 $0x0;
	s26 =	simm.s32 @!p0 $0x13C00;
	[sflag:s17] =	ssyncadd.s32 $0xFFFFC800  }
0x172: {  	[tilespmem:s26], [sflag:$0x1] =	stream.linear.gather @!p0 [hbm4b:s21+s22], $0x80, $0x38;
	[tilespmem:$0x1AD00] =	vst v63  }
0x173: {  	s26 =	simm.s32 @!p0 $0x13D00  }
0x174: {  	[tilespmem:s26], [sflag:$0x1] =	stream.linear.gather @!p0 [hbm4b:s20+s22], $0x3800, $0x38;
	[tilespmem:$0x1AD00] =	vst v63  }
0x175: {  	_ = 	snop  }
0x176: {  	[spmem:s2] =	stream.indirect.scatter.add.f32 [tilespmem:s13], [sflag:$0x4], $0x80, s11, s8, $0xb8;
	[tilespmem:$0x1AD00] =	vst v63  }
.LBB2_35:
0x177: {  	s14 =	sadd.s32 $0x1, s14  }
0x178: {  	p0 =	seq.s32 s14, $0x0  }
.Ltmp27:
0x179: {  	_ = 	snop;
	(pc) =	sbr.rel @p0 .LBB2_36-.Ltmp27, $2  }
0x17a: {  	_ =	sdelay $0x2  }
0x17b: {  	s20 =	sadd.s32 $0x700, s20;
	s21 =	sadd.s32 $0x10, s21  }
.LBB2_30:
0x17c: {  	s22 =	sadd.s32 $0x2D, s14  }
0x17d: {  	s26 =	sand.u32 $0x1, s22  }
0x17e: {  	p0 =	seq.s32 s26, $0x1  }
.Ltmp28:
0x17f: {  	_ = 	snop;
	(pc) =	sbr.rel @p0 .LBB2_34-.Ltmp28, $1  }
0x180: {  	_ =	sdelay $0x3  }
0x181: {  	_ =	swait.ge [sflag:s9], $0x80  }
0x182: {  	[sflag:s9] =	ssyncset.done $0x0  }
0x183: {  	[sflag:s9] =	ssyncadd.s32 $0xFFFFFF80  }
0x184: {  	p0 =	sne.s32 s14, $0xFFFFFFFF;
	_ =	swait.ge [sflag:s9], $0x3800  }
.Ltmp29:
0x185: {  	[sflag:s9] =	ssyncset.done $0x0;
	(pc) =	sbr.rel @!p0 .LBB2_32-.Ltmp29, $4  }
0x186: {  	[sflag:s9] =	ssyncadd.s32 $0xFFFFC800  }
0x187: {  	_ =	swait.ge [sflag:s10], $0x3800  }
0x188: {  	[sflag:s10] =	ssyncset.done $0x0  }
0x189: {  	[sflag:s10] =	ssyncadd.s32 $0xFFFFC800  }
0x18a: {  	[tilespmem:s11], [sflag:$0x2] =	stream.linear.gather [hbm4b:s21+s3], $0x80, $0x38;
	[tilespmem:$0x1AD00] =	vst v63  }
0x18b: {  	p0 =	seq.s32 s26, $0x0  }
.Ltmp30:
0x18c: {  	_ = 	snop;
	(pc) =	sbr.rel @p0 .LBB2_35-.Ltmp30, $4  }
.Ltmp31:
0x18d: {  	_ = 	snop;
	(pc) =	sbr.rel @!p0 .LBB2_34-.Ltmp31, $4  }
0x18e: {  	[tilespmem:s13], [sflag:$0x2] =	stream.linear.gather [hbm4b:s20+s3], $0x3800, $0x38;
	[tilespmem:$0x1AD00] =	vst v63  }
0x18f: {  	_ = 	snop  }
0x190: {  	[spmem:s2] =	stream.indirect.scatter.add.f32 [tilespmem:s4], [sflag:$0x3], $0x80, s0, s8, $0xb8;
	[tilespmem:$0x1AD00] =	vst v63  }
0x191: {  	_ = 	snop  }
.LBB2_37:
0x192: {  	_ =	sfence.sel $0x180000  }
0x193: {  	[bflag:$0x0] =	sbarrier.arrive $0xFFFF  }
0x194: {  	_ =	strace $0x9000004A  }
0x195: {  	s0 =	stileid.u32;
	[bflag:$0x2] =	sbarrier.arrive $0xFFFF  }
0x196: {  	p0 =	sne.s32 s0, $0x0;
	s0 =	rddreg [dreg:$0x3]  }
0x197: {  	s0 =	sadd.s32 @!p0 $0x100000, s0  }
0x198: {  	[sflag:s0] =	ssyncadd.tile.s32 @!p0 $0x1;
	_ =	shalt  }
.Lfunc_end2:
_tile_overlayer_lowered:
.L_overlay_start_2:
0x199: {  	(tag) =	ssettag $0x2  }
0x19a: {  	s0 =	rddreg [dreg:$0x0];
	s2 =	stileid.u32  }
0x19b: {  	s1 =	rddreg [dreg:$0x1];
	p0 =	sne.s32 s2, $0x0  }
0x19c: {  	s3 =	rddreg [dreg:$0x2];
	[bflag:$0x3] =	sbarrier.arrive $0xFFFF;
	s2 =	simm.s32 @!p0 $0x1C05  }
0x19d: {  	[timem:s3], [sflag:s2] =	dma.local @!p0 [hbm:s0], s1  }
0x19e: {  	s0 =	simm.s32 @!p0 $0x5  }
0x19f: {  	_ =	swait.ge @!p0 [sflag:s0], s1  }
0x1a0: {  	s1 =	ssub.s32 @!p0 $0x0, s1;
	[sflag:s0] =	ssyncset.done @!p0 $0x0  }
0x1a1: {  	[sflag:s0] =	ssyncadd.s32 @!p0 s1  }
0x1a2: {  	[bflag:$0x3] =	sbarrier.arrive $0xFFFF  }
0x1a3: {  	_ =	shalt  }

</sc_bundles>
